<compile_context>
chip_gen: v7x
topology: tpu7x:2x2x1
jax: 0.10.2.dev20260603
libtpu: 0.0.44.dev20260713+nightly
codegen_flags: <defaults>
</compile_context>

<pallas_src>
import functools

import jax
import jax.numpy as jnp
from jax import lax
from jax.experimental import pallas as pl
from jax.experimental.pallas import tpu as pltpu
from jax.experimental.pallas import tpu_sc as plsc

_START_IDX = 16384
_LANES = 16
_NUM_CORES = 2
_NUM_SUBCORES = 16
_NUM_WORKERS = _NUM_CORES * _NUM_SUBCORES
_TILE = 128
_TB = 128


@functools.lru_cache(maxsize=None)
def _build_sc_offset_add_tiles(num_tiles: int):
    nb_full = num_tiles // _TB
    tail = num_tiles - nb_full * _TB
    max_blocks = -(-nb_full // _NUM_WORKERS)
    mesh = plsc.VectorSubcoreMesh(core_axis_name="c", subcore_axis_name="s")

    @functools.partial(
        pl.kernel,
        out_type=jax.ShapeDtypeStruct((num_tiles, 2, _TILE), jnp.int32),
        mesh=mesh,
        scratch_types=[
            pltpu.VMEM((_TB, 2, _TILE), jnp.int32),
            pltpu.VMEM((_TB, 2, _TILE), jnp.int32),
            pltpu.SemaphoreType.DMA,
            pltpu.SemaphoreType.DMA,
            pltpu.SemaphoreType.DMA,
            pltpu.SemaphoreType.DMA,
        ],
    )
    def run(x_hbm, o_hbm, buf0, buf1, in0, in1, out0, out1):
        wid = lax.axis_index("s") * _NUM_CORES + lax.axis_index("c")
        bufs = [buf0, buf1]
        in_sems = [in0, in1]
        out_sems = [out0, out1]
        pat = jnp.full((_LANES,), _START_IDX, dtype=jnp.int32)

        def add_rows(buf, nrows):
            @plsc.parallel_loop(0, nrows, unroll=2)
            def _(t):
                for c in range(2):
                    for r in range(_TILE // _LANES):
                        sl = pl.ds(r * _LANES, _LANES)
                        buf[t, c, sl] = buf[t, c, sl] + pat

        def blk_of(k):
            return wid + k * _NUM_WORKERS

        def in_copy(k, b):
            return pltpu.make_async_copy(
                x_hbm.at[pl.ds(blk_of(k) * _TB, _TB)], bufs[b], in_sems[b]
            )

        def out_copy(k, b):
            return pltpu.make_async_copy(
                bufs[b], o_hbm.at[pl.ds(blk_of(k) * _TB, _TB)], out_sems[b]
            )

        for k in range(max_blocks + 1):
            if k < max_blocks:
                b = k % 2

                @pl.when(blk_of(k) < nb_full)
                def _start_in():
                    if k >= 2:
                        out_copy(k - 2, b).wait()
                    in_copy(k, b).start()

            if k >= 1:
                p = (k - 1) % 2

                @pl.when(blk_of(k - 1) < nb_full)
                def _process():
                    in_copy(k - 1, p).wait()
                    add_rows(bufs[p], _TB)
                    out_copy(k - 1, p).start()

        for k in (max_blocks - 2, max_blocks - 1):
            if k >= 0:

                @pl.when(blk_of(k) < nb_full)
                def _drain():
                    out_copy(k, k % 2).wait()

        if tail:

            @pl.when(wid == _NUM_WORKERS - 1)
            def _process_tail():
                base = nb_full * _TB
                pltpu.sync_copy(
                    x_hbm.at[pl.ds(base, tail)], buf0.at[pl.ds(0, tail)]
                )
                add_rows(buf0, tail)
                pltpu.sync_copy(
                    buf0.at[pl.ds(0, tail)], o_hbm.at[pl.ds(base, tail)]
                )

    return run


@functools.lru_cache(maxsize=None)
def _build_sc_offset_add_flat(total: int):
    block = 65520
    buf_words = 65528
    nb_full = total // block
    tail = total - nb_full * block
    max_blocks = -(-nb_full // _NUM_WORKERS)
    tail_vecs = -(-tail // _LANES)
    mesh = plsc.VectorSubcoreMesh(core_axis_name="c", subcore_axis_name="s")

    @functools.partial(
        pl.kernel,
        out_type=jax.ShapeDtypeStruct((total,), jnp.int32),
        mesh=mesh,
        scratch_types=[pltpu.VMEM((buf_words,), jnp.int32)],
    )
    def run(x_hbm, o_hbm, buf):
        wid = lax.axis_index("s") * _NUM_CORES + lax.axis_index("c")
        lane = lax.iota(jnp.int32, _LANES)
        pat = jnp.where(lane % 2 == 0, _START_IDX, 0)

        def add_vectors(nvec):
            @plsc.parallel_loop(0, nvec * _LANES, _LANES, unroll=8)
            def _(i):
                sl = pl.ds(i, _LANES)
                buf[sl] = buf[sl] + pat

        for k in range(max_blocks):
            blk = wid + k * _NUM_WORKERS

            @pl.when(blk < nb_full)
            def _process():
                base = blk * block
                pltpu.sync_copy(x_hbm.at[pl.ds(base, block)], buf.at[pl.ds(0, block)])
                add_vectors(block // _LANES)
                pltpu.sync_copy(buf.at[pl.ds(0, block)], o_hbm.at[pl.ds(base, block)])

        if tail:

            @pl.when(wid == _NUM_WORKERS - 1)
            def _process_tail():
                base = nb_full * block
                pltpu.sync_copy(x_hbm.at[pl.ds(base, tail)], buf.at[pl.ds(0, tail)])
                add_vectors(tail_vecs)
                pltpu.sync_copy(buf.at[pl.ds(0, tail)], o_hbm.at[pl.ds(base, tail)])

    return run


def kernel(indices, values):
    nnz = indices.shape[0]
    if indices.dtype == jnp.int32:
        rows_pad = -(-nnz // _TILE) * _TILE
        num_tiles = rows_pad // _TILE
        padded = jnp.pad(indices, ((0, rows_pad - nnz), (0, 0)))
        tiles = padded.reshape(num_tiles, _TILE, 2).transpose(0, 2, 1)
        out = _build_sc_offset_add_tiles(num_tiles)(tiles)
        back = out.transpose(0, 2, 1).reshape(rows_pad, 2)
        return back[:nnz], values
    words = lax.bitcast_convert_type(indices, jnp.int32)
    total = nnz * 4
    flat = words.reshape(total)
    out = _build_sc_offset_add_flat(total)(flat)
    new_indices = lax.bitcast_convert_type(out.reshape(nnz, 2, 2), indices.dtype)
    return new_indices, values

# --- scband reference (transcript-rebuilt; emitter-appended) ---
"""Pipeline reference for scband-similarity-embedding-layer-9070970929771 (READ-ONLY COPY).

The authoritative reference and input builder live on the scoring server;
editing this copy changes nothing except your own understanding.
"""

import jax, jax.numpy as jnp
import numpy as np

NNZ = 2684354
N = 16384
START_IDX = 16384
FULL_SIZE = 65536


def setup_inputs(seed: int = 0) -> dict:
    key = jax.random.key(seed)
    k1, k2 = jax.random.split(key)
    indices = jax.random.randint(k1, (NNZ, 2), 0, N, dtype=jnp.int64) if jax.config.jax_enable_x64 else jax.random.randint(k1, (NNZ, 2), 0, N, dtype=jnp.int32).astype(jnp.int64)
    values = jax.random.normal(k2, (NNZ,), dtype=jnp.float32)
    return {"indices": indices, "values": values}


def reference(indices, values):
    # Faithful translation of SimilarityEmbeddingLayer.call:
    # new_indices = indices + [[start_idx, start_idx]]
    # returns SparseTensor(new_indices, values, dense_shape=[full_size, full_size])
    # In JAX we represent the SparseTensor as its (indices, values) components;
    # dense_shape [FULL_SIZE, FULL_SIZE] is static metadata.
    offset = jnp.asarray([[START_IDX, START_IDX]], dtype=indices.dtype)
    new_indices = indices + offset
    return (new_indices, values)

if __name__ == "__main__":
    import jax
    _d = setup_inputs()
    print(jax.jit(kernel)(*tuple(_d.values())))

</pallas_src>

<mosaic_0001>
#map = affine_map<(d0, d1) -> (0, 0, 0)>
module attributes {stable_mosaic.version = 14 : i64} {
  func.func @run(%arg0: i32, %arg1: i32, %arg2: memref<20972x2x128xi32, #tpu.memory_space<hbm>>, %arg3: memref<20972x2x128xi32, #tpu.memory_space<hbm>>, %arg4: memref<128x2x128xi32, #tpu.memory_space<vmem>>, %arg5: memref<128x2x128xi32, #tpu.memory_space<vmem>>, %arg6: memref<!tpu.dma_semaphore, #tpu.memory_space<semaphore_mem>>, %arg7: memref<!tpu.dma_semaphore, #tpu.memory_space<semaphore_mem>>, %arg8: memref<!tpu.dma_semaphore, #tpu.memory_space<semaphore_mem>>, %arg9: memref<!tpu.dma_semaphore, #tpu.memory_space<semaphore_mem>>) attributes {dimension_semantics = [#tpu.dimension_semantics<core_parallel>, #tpu.dimension_semantics<subcore_parallel>], iteration_bounds = array<i64: 2, 16>, scalar_prefetch = 0 : i64, scratch_operands = 6 : i64, tpu.core_type = #tpu.core_type<sc_vector_subcore>, window_params = [{transform_indices = #map}, {transform_indices = #map}]} {
    %mul3A = arith.constant 2 : i32
    %mul3A_0 = arith.muli %arg1, %mul3A : i32
    %add3A = arith.addi %mul3A_0, %arg0 : i32
    %broadcast_in_dim3A = arith.constant 16384 : i32
    %broadcast_in_dim3A_1 = vector.broadcast %broadcast_in_dim3A : i32 to vector<16xi32>
    %add3A_2 = arith.constant 0 : i32
    %add3A_3 = arith.addi %add3A, %add3A_2 : i32
    %lt3A = arith.constant 163 : i32
    %lt3A_4 = arith.cmpi slt, %add3A_3, %lt3A : i32
    %convert_element_type3A = arith.extui %lt3A_4 : i1 to i32
    %cond3A = arith.constant 0 : i32
    %cond3A_5 = arith.cmpi ne, %convert_element_type3A, %cond3A : i32
    scf.if %cond3A_5 {
      %add3A_101 = arith.constant 0 : i32
      %add3A_102 = arith.addi %add3A, %add3A_101 : i32
      %mul3A_103 = arith.constant 128 : i32
      %mul3A_104 = arith.muli %add3A_102, %mul3A_103 : i32
      %dma_start3A = arith.constant 0 : i32
      %dma_start3A_105 = arith.constant 0 : i32
      %dma_start3A_106 = tpu.memref_slice %arg2[%mul3A_104, %dma_start3A, %dma_start3A_105] : memref<20972x2x128xi32, #tpu.memory_space<hbm>> -> memref<128x2x128xi32, #tpu.memory_space<hbm>>
      %dma_start3A_107 = arith.constant 0 : i32
      %dma_start3A_108 = arith.constant 0 : i32
      %dma_start3A_109 = tpu.memref_slice %arg2[%mul3A_104, %dma_start3A_107, %dma_start3A_108] : memref<20972x2x128xi32, #tpu.memory_space<hbm>> -> memref<128x2x128xi32, #tpu.memory_space<hbm>>
      tpu.enqueue_dma source(%dma_start3A_109 : memref<128x2x128xi32, #tpu.memory_space<hbm>>) target(%arg4 : memref<128x2x128xi32, #tpu.memory_space<vmem>>) target_semaphore(%arg6 : memref<!tpu.dma_semaphore, #tpu.memory_space<semaphore_mem>>)
    } else {
    }
    %add3A_6 = arith.constant 32 : i32
    %add3A_7 = arith.addi %add3A, %add3A_6 : i32
    %lt3A_8 = arith.constant 163 : i32
    %lt3A_9 = arith.cmpi slt, %add3A_7, %lt3A_8 : i32
    %convert_element_type3A_10 = arith.extui %lt3A_9 : i1 to i32
    %cond3A_11 = arith.constant 0 : i32
    %cond3A_12 = arith.cmpi ne, %convert_element_type3A_10, %cond3A_11 : i32
    scf.if %cond3A_12 {
      %add3A_101 = arith.constant 32 : i32
      %add3A_102 = arith.addi %add3A, %add3A_101 : i32
      %mul3A_103 = arith.constant 128 : i32
      %mul3A_104 = arith.muli %add3A_102, %mul3A_103 : i32
      %dma_start3A = arith.constant 0 : i32
      %dma_start3A_105 = arith.constant 0 : i32
      %dma_start3A_106 = tpu.memref_slice %arg2[%mul3A_104, %dma_start3A, %dma_start3A_105] : memref<20972x2x128xi32, #tpu.memory_space<hbm>> -> memref<128x2x128xi32, #tpu.memory_space<hbm>>
      %dma_start3A_107 = arith.constant 0 : i32
      %dma_start3A_108 = arith.constant 0 : i32
      %dma_start3A_109 = tpu.memref_slice %arg2[%mul3A_104, %dma_start3A_107, %dma_start3A_108] : memref<20972x2x128xi32, #tpu.memory_space<hbm>> -> memref<128x2x128xi32, #tpu.memory_space<hbm>>
      tpu.enqueue_dma source(%dma_start3A_109 : memref<128x2x128xi32, #tpu.memory_space<hbm>>) target(%arg5 : memref<128x2x128xi32, #tpu.memory_space<vmem>>) target_semaphore(%arg7 : memref<!tpu.dma_semaphore, #tpu.memory_space<semaphore_mem>>)
    } else {
    }
    %add3A_13 = arith.constant 0 : i32
    %add3A_14 = arith.addi %add3A, %add3A_13 : i32
    %lt3A_15 = arith.constant 163 : i32
    %lt3A_16 = arith.cmpi slt, %add3A_14, %lt3A_15 : i32
    %convert_element_type3A_17 = arith.extui %lt3A_16 : i1 to i32
    %cond3A_18 = arith.constant 0 : i32
    %cond3A_19 = arith.cmpi ne, %convert_element_type3A_17, %cond3A_18 : i32
    scf.if %cond3A_19 {
      %add3A_101 = arith.constant 0 : i32
      %add3A_102 = arith.addi %add3A, %add3A_101 : i32
      %mul3A_103 = arith.constant 128 : i32
      %mul3A_104 = arith.muli %add3A_102, %mul3A_103 : i32
      %dma_wait3A = arith.constant 0 : i32
      %dma_wait3A_105 = arith.constant 0 : i32
      %dma_wait3A_106 = tpu.memref_slice %arg2[%mul3A_104, %dma_wait3A, %dma_wait3A_105] : memref<20972x2x128xi32, #tpu.memory_space<hbm>> -> memref<128x2x128xi32, #tpu.memory_space<hbm>>
      %dma_wait3A_107 = arith.constant 0 : i32
      %dma_wait3A_108 = arith.constant 0 : i32
      %dma_wait3A_109 = tpu.memref_slice %arg2[%mul3A_104, %dma_wait3A_107, %dma_wait3A_108] : memref<20972x2x128xi32, #tpu.memory_space<hbm>> -> memref<128x2x128xi32, #tpu.memory_space<hbm>>
      tpu.wait_dma2 semaphore(%arg6 : memref<!tpu.dma_semaphore, #tpu.memory_space<semaphore_mem>>) src(%dma_wait3A_109 : memref<128x2x128xi32, #tpu.memory_space<hbm>>) dst(%arg4 : memref<128x2x128xi32, #tpu.memory_space<vmem>>)
      %parallel_loop3A = arith.constant 0 : i32
      %parallel_loop3A_110 = arith.constant 128 : i32
      %parallel_loop3A_111 = arith.constant 1 : i32
      scf.for %parallel_loop3A_121 = %parallel_loop3A to %parallel_loop3A_110 step %parallel_loop3A_111  : i32 {
        %parallel_loop3A_122 = arith.constant 0 : i32
        %parallel_loop3A_123 = arith.index_cast %parallel_loop3A_121 : i32 to index
        %parallel_loop3A_124 = arith.index_cast %parallel_loop3A_122 : i32 to index
        %parallel_loop3A_125 = arith.constant 0 : index
        %parallel_loop3A_126 = tpu.vector_load %arg4[%parallel_loop3A_123, %parallel_loop3A_124, %parallel_loop3A_125] {strides = array<i32>} : memref<128x2x128xi32, #tpu.memory_space<vmem>>, vector<1x1x16xi32>,
        %parallel_loop3A_127 = vector.shape_cast %parallel_loop3A_126 : vector<1x1x16xi32> to vector<16xi32>
        %parallel_loop3A_128 = arith.addi %parallel_loop3A_127, %broadcast_in_dim3A_1 : vector<16xi32>
        %parallel_loop3A_129 = arith.constant 0 : i32
        %parallel_loop3A_130 = arith.index_cast %parallel_loop3A_121 : i32 to index
        %parallel_loop3A_131 = arith.index_cast %parallel_loop3A_129 : i32 to index
        %parallel_loop3A_132 = arith.constant 0 : index
        %parallel_loop3A_133 = tpu.vector_load %arg4[%parallel_loop3A_130, %parallel_loop3A_131, %parallel_loop3A_132] {strides = array<i32>} : memref<128x2x128xi32, #tpu.memory_space<vmem>>, vector<1x1x16xi32>,
        %parallel_loop3A_134 = vector.shape_cast %parallel_loop3A_133 : vector<1x1x16xi32> to vector<16xi32>
        %parallel_loop3A_135 = vector.shape_cast %parallel_loop3A_128 : vector<16xi32> to vector<1x1x16xi32>
        tpu.vector_store %arg4[%parallel_loop3A_130, %parallel_loop3A_131, %parallel_loop3A_132], %parallel_loop3A_135 {strides = array<i32>} : memref<128x2x128xi32, #tpu.memory_space<vmem>>, vector<1x1x16xi32>,
        %parallel_loop3A_136 = arith.constant 0 : i32
        %parallel_loop3A_137 = arith.index_cast %parallel_loop3A_121 : i32 to index
        %parallel_loop3A_138 = arith.index_cast %parallel_loop3A_136 : i32 to index
        %parallel_loop3A_139 = arith.constant 16 : index
        %parallel_loop3A_140 = tpu.vector_load %arg4[%parallel_loop3A_137, %parallel_loop3A_138, %parallel_loop3A_139] {strides = array<i32>} : memref<128x2x128xi32, #tpu.memory_space<vmem>>, vector<1x1x16xi32>,
        %parallel_loop3A_141 = vector.shape_cast %parallel_loop3A_140 : vector<1x1x16xi32> to vector<16xi32>
        %parallel_loop3A_142 = arith.addi %parallel_loop3A_141, %broadcast_in_dim3A_1 : vector<16xi32>
        %parallel_loop3A_143 = arith.constant 0 : i32
        %parallel_loop3A_144 = arith.index_cast %parallel_loop3A_121 : i32 to index
        %parallel_loop3A_145 = arith.index_cast %parallel_loop3A_143 : i32 to index
        %parallel_loop3A_146 = arith.constant 16 : index
        %parallel_loop3A_147 = tpu.vector_load %arg4[%parallel_loop3A_144, %parallel_loop3A_145, %parallel_loop3A_146] {strides = array<i32>} : memref<128x2x128xi32, #tpu.memory_space<vmem>>, vector<1x1x16xi32>,
        %parallel_loop3A_148 = vector.shape_cast %parallel_loop3A_147 : vector<1x1x16xi32> to vector<16xi32>
        %parallel_loop3A_149 = vector.shape_cast %parallel_loop3A_142 : vector<16xi32> to vector<1x1x16xi32>
        tpu.vector_store %arg4[%parallel_loop3A_144, %parallel_loop3A_145, %parallel_loop3A_146], %parallel_loop3A_149 {strides = array<i32>} : memref<128x2x128xi32, #tpu.memory_space<vmem>>, vector<1x1x16xi32>,
        %parallel_loop3A_150 = arith.constant 0 : i32
        %parallel_loop3A_151 = arith.index_cast %parallel_loop3A_121 : i32 to index
        %parallel_loop3A_152 = arith.index_cast %parallel_loop3A_150 : i32 to index
        %parallel_loop3A_153 = arith.constant 32 : index
        %parallel_loop3A_154 = tpu.vector_load %arg4[%parallel_loop3A_151, %parallel_loop3A_152, %parallel_loop3A_153] {strides = array<i32>} : memref<128x2x128xi32, #tpu.memory_space<vmem>>, vector<1x1x16xi32>,
        %parallel_loop3A_155 = vector.shape_cast %parallel_loop3A_154 : vector<1x1x16xi32> to vector<16xi32>
        %parallel_loop3A_156 = arith.addi %parallel_loop3A_155, %broadcast_in_dim3A_1 : vector<16xi32>
        %parallel_loop3A_157 = arith.constant 0 : i32
        %parallel_loop3A_158 = arith.index_cast %parallel_loop3A_121 : i32 to index
        %parallel_loop3A_159 = arith.index_cast %parallel_loop3A_157 : i32 to index
        %parallel_loop3A_160 = arith.constant 32 : index
        %parallel_loop3A_161 = tpu.vector_load %arg4[%parallel_loop3A_158, %parallel_loop3A_159, %parallel_loop3A_160] {strides = array<i32>} : memref<128x2x128xi32, #tpu.memory_space<vmem>>, vector<1x1x16xi32>,
        %parallel_loop3A_162 = vector.shape_cast %parallel_loop3A_161 : vector<1x1x16xi32> to vector<16xi32>
        %parallel_loop3A_163 = vector.shape_cast %parallel_loop3A_156 : vector<16xi32> to vector<1x1x16xi32>
        tpu.vector_store %arg4[%parallel_loop3A_158, %parallel_loop3A_159, %parallel_loop3A_160], %parallel_loop3A_163 {strides = array<i32>} : memref<128x2x128xi32, #tpu.memory_space<vmem>>, vector<1x1x16xi32>,
        %parallel_loop3A_164 = arith.constant 0 : i32
        %parallel_loop3A_165 = arith.index_cast %parallel_loop3A_121 : i32 to index
        %parallel_loop3A_166 = arith.index_cast %parallel_loop3A_164 : i32 to index
        %parallel_loop3A_167 = arith.constant 48 : index
        %parallel_loop3A_168 = tpu.vector_load %arg4[%parallel_loop3A_165, %parallel_loop3A_166, %parallel_loop3A_167] {strides = array<i32>} : memref<128x2x128xi32, #tpu.memory_space<vmem>>, vector<1x1x16xi32>,
        %parallel_loop3A_169 = vector.shape_cast %parallel_loop3A_168 : vector<1x1x16xi32> to vector<16xi32>
        %parallel_loop3A_170 = arith.addi %parallel_loop3A_169, %broadcast_in_dim3A_1 : vector<16xi32>
        %parallel_loop3A_171 = arith.constant 0 : i32
        %parallel_loop3A_172 = arith.index_cast %parallel_loop3A_121 : i32 to index
        %parallel_loop3A_173 = arith.index_cast %parallel_loop3A_171 : i32 to index
        %parallel_loop3A_174 = arith.constant 48 : index
        %parallel_loop3A_175 = tpu.vector_load %arg4[%parallel_loop3A_172, %parallel_loop3A_173, %parallel_loop3A_174] {strides = array<i32>} : memref<128x2x128xi32, #tpu.memory_space<vmem>>, vector<1x1x16xi32>,
        %parallel_loop3A_176 = vector.shape_cast %parallel_loop3A_175 : vector<1x1x16xi32> to vector<16xi32>
        %parallel_loop3A_177 = vector.shape_cast %parallel_loop3A_170 : vector<16xi32> to vector<1x1x16xi32>
        tpu.vector_store %arg4[%parallel_loop3A_172, %parallel_loop3A_173, %parallel_loop3A_174], %parallel_loop3A_177 {strides = array<i32>} : memref<128x2x128xi32, #tpu.memory_space<vmem>>, vector<1x1x16xi32>,
        %parallel_loop3A_178 = arith.constant 0 : i32
        %parallel_loop3A_179 = arith.index_cast %parallel_loop3A_121 : i32 to index
        %parallel_loop3A_180 = arith.index_cast %parallel_loop3A_178 : i32 to index
        %parallel_loop3A_181 = arith.constant 64 : index
        %parallel_loop3A_182 = tpu.vector_load %arg4[%parallel_loop3A_179, %parallel_loop3A_180, %parallel_loop3A_181] {strides = array<i32>} : memref<128x2x128xi32, #tpu.memory_space<vmem>>, vector<1x1x16xi32>,
        %parallel_loop3A_183 = vector.shape_cast %parallel_loop3A_182 : vector<1x1x16xi32> to vector<16xi32>
        %parallel_loop3A_184 = arith.addi %parallel_loop3A_183, %broadcast_in_dim3A_1 : vector<16xi32>
        %parallel_loop3A_185 = arith.constant 0 : i32
        %parallel_loop3A_186 = arith.index_cast %parallel_loop3A_121 : i32 to index
        %parallel_loop3A_187 = arith.index_cast %parallel_loop3A_185 : i32 to index
        %parallel_loop3A_188 = arith.constant 64 : index
        %parallel_loop3A_189 = tpu.vector_load %arg4[%parallel_loop3A_186, %parallel_loop3A_187, %parallel_loop3A_188] {strides = array<i32>} : memref<128x2x128xi32, #tpu.memory_space<vmem>>, vector<1x1x16xi32>,
        %parallel_loop3A_190 = vector.shape_cast %parallel_loop3A_189 : vector<1x1x16xi32> to vector<16xi32>
        %parallel_loop3A_191 = vector.shape_cast %parallel_loop3A_184 : vector<16xi32> to vector<1x1x16xi32>
        tpu.vector_store %arg4[%parallel_loop3A_186, %parallel_loop3A_187, %parallel_loop3A_188], %parallel_loop3A_191 {strides = array<i32>} : memref<128x2x128xi32, #tpu.memory_space<vmem>>, vector<1x1x16xi32>,
        %parallel_loop3A_192 = arith.constant 0 : i32
        %parallel_loop3A_193 = arith.index_cast %parallel_loop3A_121 : i32 to index
        %parallel_loop3A_194 = arith.index_cast %parallel_loop3A_192 : i32 to index
        %parallel_loop3A_195 = arith.constant 80 : index
        %parallel_loop3A_196 = tpu.vector_load %arg4[%parallel_loop3A_193, %parallel_loop3A_194, %parallel_loop3A_195] {strides = array<i32>} : memref<128x2x128xi32, #tpu.memory_space<vmem>>, vector<1x1x16xi32>,
        %parallel_loop3A_197 = vector.shape_cast %parallel_loop3A_196 : vector<1x1x16xi32> to vector<16xi32>
        %parallel_loop3A_198 = arith.addi %parallel_loop3A_197, %broadcast_in_dim3A_1 : vector<16xi32>
        %parallel_loop3A_199 = arith.constant 0 : i32
        %parallel_loop3A_200 = arith.index_cast %parallel_loop3A_121 : i32 to index
        %parallel_loop3A_201 = arith.index_cast %parallel_loop3A_199 : i32 to index
        %parallel_loop3A_202 = arith.constant 80 : index
        %parallel_loop3A_203 = tpu.vector_load %arg4[%parallel_loop3A_200, %parallel_loop3A_201, %parallel_loop3A_202] {strides = array<i32>} : memref<128x2x128xi32, #tpu.memory_space<vmem>>, vector<1x1x16xi32>,
        %parallel_loop3A_204 = vector.shape_cast %parallel_loop3A_203 : vector<1x1x16xi32> to vector<16xi32>
        %parallel_loop3A_205 = vector.shape_cast %parallel_loop3A_198 : vector<16xi32> to vector<1x1x16xi32>
        tpu.vector_store %arg4[%parallel_loop3A_200, %parallel_loop3A_201, %parallel_loop3A_202], %parallel_loop3A_205 {strides = array<i32>} : memref<128x2x128xi32, #tpu.memory_space<vmem>>, vector<1x1x16xi32>,
        %parallel_loop3A_206 = arith.constant 0 : i32
        %parallel_loop3A_207 = arith.index_cast %parallel_loop3A_121 : i32 to index
        %parallel_loop3A_208 = arith.index_cast %parallel_loop3A_206 : i32 to index
        %parallel_loop3A_209 = arith.constant 96 : index
        %parallel_loop3A_210 = tpu.vector_load %arg4[%parallel_loop3A_207, %parallel_loop3A_208, %parallel_loop3A_209] {strides = array<i32>} : memref<128x2x128xi32, #tpu.memory_space<vmem>>, vector<1x1x16xi32>,
        %parallel_loop3A_211 = vector.shape_cast %parallel_loop3A_210 : vector<1x1x16xi32> to vector<16xi32>
        %parallel_loop3A_212 = arith.addi %parallel_loop3A_211, %broadcast_in_dim3A_1 : vector<16xi32>
        %parallel_loop3A_213 = arith.constant 0 : i32
        %parallel_loop3A_214 = arith.index_cast %parallel_loop3A_121 : i32 to index
        %parallel_loop3A_215 = arith.index_cast %parallel_loop3A_213 : i32 to index
        %parallel_loop3A_216 = arith.constant 96 : index
        %parallel_loop3A_217 = tpu.vector_load %arg4[%parallel_loop3A_214, %parallel_loop3A_215, %parallel_loop3A_216] {strides = array<i32>} : memref<128x2x128xi32, #tpu.memory_space<vmem>>, vector<1x1x16xi32>,
        %parallel_loop3A_218 = vector.shape_cast %parallel_loop3A_217 : vector<1x1x16xi32> to vector<16xi32>
        %parallel_loop3A_219 = vector.shape_cast %parallel_loop3A_212 : vector<16xi32> to vector<1x1x16xi32>
        tpu.vector_store %arg4[%parallel_loop3A_214, %parallel_loop3A_215, %parallel_loop3A_216], %parallel_loop3A_219 {strides = array<i32>} : memref<128x2x128xi32, #tpu.memory_space<vmem>>, vector<1x1x16xi32>,
        %parallel_loop3A_220 = arith.constant 0 : i32
        %parallel_loop3A_221 = arith.index_cast %parallel_loop3A_121 : i32 to index
        %parallel_loop3A_222 = arith.index_cast %parallel_loop3A_220 : i32 to index
        %parallel_loop3A_223 = arith.constant 112 : index
        %parallel_loop3A_224 = tpu.vector_load %arg4[%parallel_loop3A_221, %parallel_loop3A_222, %parallel_loop3A_223] {strides = array<i32>} : memref<128x2x128xi32, #tpu.memory_space<vmem>>, vector<1x1x16xi32>,
        %parallel_loop3A_225 = vector.shape_cast %parallel_loop3A_224 : vector<1x1x16xi32> to vector<16xi32>
        %parallel_loop3A_226 = arith.addi %parallel_loop3A_225, %broadcast_in_dim3A_1 : vector<16xi32>
        %parallel_loop3A_227 = arith.constant 0 : i32
        %parallel_loop3A_228 = arith.index_cast %parallel_loop3A_121 : i32 to index
        %parallel_loop3A_229 = arith.index_cast %parallel_loop3A_227 : i32 to index
        %parallel_loop3A_230 = arith.constant 112 : index
        %parallel_loop3A_231 = tpu.vector_load %arg4[%parallel_loop3A_228, %parallel_loop3A_229, %parallel_loop3A_230] {strides = array<i32>} : memref<128x2x128xi32, #tpu.memory_space<vmem>>, vector<1x1x16xi32>,
        %parallel_loop3A_232 = vector.shape_cast %parallel_loop3A_231 : vector<1x1x16xi32> to vector<16xi32>
        %parallel_loop3A_233 = vector.shape_cast %parallel_loop3A_226 : vector<16xi32> to vector<1x1x16xi32>
        tpu.vector_store %arg4[%parallel_loop3A_228, %parallel_loop3A_229, %parallel_loop3A_230], %parallel_loop3A_233 {strides = array<i32>} : memref<128x2x128xi32, #tpu.memory_space<vmem>>, vector<1x1x16xi32>,
        %parallel_loop3A_234 = arith.constant 1 : i32
        %parallel_loop3A_235 = arith.index_cast %parallel_loop3A_121 : i32 to index
        %parallel_loop3A_236 = arith.index_cast %parallel_loop3A_234 : i32 to index
        %parallel_loop3A_237 = arith.constant 0 : index
        %parallel_loop3A_238 = tpu.vector_load %arg4[%parallel_loop3A_235, %parallel_loop3A_236, %parallel_loop3A_237] {strides = array<i32>} : memref<128x2x128xi32, #tpu.memory_space<vmem>>, vector<1x1x16xi32>,
        %parallel_loop3A_239 = vector.shape_cast %parallel_loop3A_238 : vector<1x1x16xi32> to vector<16xi32>
        %parallel_loop3A_240 = arith.addi %parallel_loop3A_239, %broadcast_in_dim3A_1 : vector<16xi32>
        %parallel_loop3A_241 = arith.constant 1 : i32
        %parallel_loop3A_242 = arith.index_cast %parallel_loop3A_121 : i32 to index
        %parallel_loop3A_243 = arith.index_cast %parallel_loop3A_241 : i32 to index
        %parallel_loop3A_244 = arith.constant 0 : index
        %parallel_loop3A_245 = tpu.vector_load %arg4[%parallel_loop3A_242, %parallel_loop3A_243, %parallel_loop3A_244] {strides = array<i32>} : memref<128x2x128xi32, #tpu.memory_space<vmem>>, vector<1x1x16xi32>,
        %parallel_loop3A_246 = vector.shape_cast %parallel_loop3A_245 : vector<1x1x16xi32> to vector<16xi32>
        %parallel_loop3A_247 = vector.shape_cast %parallel_loop3A_240 : vector<16xi32> to vector<1x1x16xi32>
        tpu.vector_store %arg4[%parallel_loop3A_242, %parallel_loop3A_243, %parallel_loop3A_244], %parallel_loop3A_247 {strides = array<i32>} : memref<128x2x128xi32, #tpu.memory_space<vmem>>, vector<1x1x16xi32>,
        %parallel_loop3A_248 = arith.constant 1 : i32
        %parallel_loop3A_249 = arith.index_cast %parallel_loop3A_121 : i32 to index
        %parallel_loop3A_250 = arith.index_cast %parallel_loop3A_248 : i32 to index
        %parallel_loop3A_251 = arith.constant 16 : index
        %parallel_loop3A_252 = tpu.vector_load %arg4[%parallel_loop3A_249, %parallel_loop3A_250, %parallel_loop3A_251] {strides = array<i32>} : memref<128x2x128xi32, #tpu.memory_space<vmem>>, vector<1x1x16xi32>,
        %parallel_loop3A_253 = vector.shape_cast %parallel_loop3A_252 : vector<1x1x16xi32> to vector<16xi32>
        %parallel_loop3A_254 = arith.addi %parallel_loop3A_253, %broadcast_in_dim3A_1 : vector<16xi32>
        %parallel_loop3A_255 = arith.constant 1 : i32
        %parallel_loop3A_256 = arith.index_cast %parallel_loop3A_121 : i32 to index
        %parallel_loop3A_257 = arith.index_cast %parallel_loop3A_255 : i32 to index
        %parallel_loop3A_258 = arith.constant 16 : index
        %parallel_loop3A_259 = tpu.vector_load %arg4[%parallel_loop3A_256, %parallel_loop3A_257, %parallel_loop3A_258] {strides = array<i32>} : memref<128x2x128xi32, #tpu.memory_space<vmem>>, vector<1x1x16xi32>,
        %parallel_loop3A_260 = vector.shape_cast %parallel_loop3A_259 : vector<1x1x16xi32> to vector<16xi32>
        %parallel_loop3A_261 = vector.shape_cast %parallel_loop3A_254 : vector<16xi32> to vector<1x1x16xi32>
        tpu.vector_store %arg4[%parallel_loop3A_256, %parallel_loop3A_257, %parallel_loop3A_258], %parallel_loop3A_261 {strides = array<i32>} : memref<128x2x128xi32, #tpu.memory_space<vmem>>, vector<1x1x16xi32>,
        %parallel_loop3A_262 = arith.constant 1 : i32
        %parallel_loop3A_263 = arith.index_cast %parallel_loop3A_121 : i32 to index
        %parallel_loop3A_264 = arith.index_cast %parallel_loop3A_262 : i32 to index
        %parallel_loop3A_265 = arith.constant 32 : index
        %parallel_loop3A_266 = tpu.vector_load %arg4[%parallel_loop3A_263, %parallel_loop3A_264, %parallel_loop3A_265] {strides = array<i32>} : memref<128x2x128xi32, #tpu.memory_space<vmem>>, vector<1x1x16xi32>,
        %parallel_loop3A_267 = vector.shape_cast %parallel_loop3A_266 : vector<1x1x16xi32> to vector<16xi32>
        %parallel_loop3A_268 = arith.addi %parallel_loop3A_267, %broadcast_in_dim3A_1 : vector<16xi32>
        %parallel_loop3A_269 = arith.constant 1 : i32
        %parallel_loop3A_270 = arith.index_cast %parallel_loop3A_121 : i32 to index
        %parallel_loop3A_271 = arith.index_cast %parallel_loop3A_269 : i32 to index
        %parallel_loop3A_272 = arith.constant 32 : index
        %parallel_loop3A_273 = tpu.vector_load %arg4[%parallel_loop3A_270, %parallel_loop3A_271, %parallel_loop3A_272] {strides = array<i32>} : memref<128x2x128xi32, #tpu.memory_space<vmem>>, vector<1x1x16xi32>,
        %parallel_loop3A_274 = vector.shape_cast %parallel_loop3A_273 : vector<1x1x16xi32> to vector<16xi32>
        %parallel_loop3A_275 = vector.shape_cast %parallel_loop3A_268 : vector<16xi32> to vector<1x1x16xi32>
        tpu.vector_store %arg4[%parallel_loop3A_270, %parallel_loop3A_271, %parallel_loop3A_272], %parallel_loop3A_275 {strides = array<i32>} : memref<128x2x128xi32, #tpu.memory_space<vmem>>, vector<1x1x16xi32>,
        %parallel_loop3A_276 = arith.constant 1 : i32
        %parallel_loop3A_277 = arith.index_cast %parallel_loop3A_121 : i32 to index
        %parallel_loop3A_278 = arith.index_cast %parallel_loop3A_276 : i32 to index
        %parallel_loop3A_279 = arith.constant 48 : index
        %parallel_loop3A_280 = tpu.vector_load %arg4[%parallel_loop3A_277, %parallel_loop3A_278, %parallel_loop3A_279] {strides = array<i32>} : memref<128x2x128xi32, #tpu.memory_space<vmem>>, vector<1x1x16xi32>,
        %parallel_loop3A_281 = vector.shape_cast %parallel_loop3A_280 : vector<1x1x16xi32> to vector<16xi32>
        %parallel_loop3A_282 = arith.addi %parallel_loop3A_281, %broadcast_in_dim3A_1 : vector<16xi32>
        %parallel_loop3A_283 = arith.constant 1 : i32
        %parallel_loop3A_284 = arith.index_cast %parallel_loop3A_121 : i32 to index
        %parallel_loop3A_285 = arith.index_cast %parallel_loop3A_283 : i32 to index
        %parallel_loop3A_286 = arith.constant 48 : index
        %parallel_loop3A_287 = tpu.vector_load %arg4[%parallel_loop3A_284, %parallel_loop3A_285, %parallel_loop3A_286] {strides = array<i32>} : memref<128x2x128xi32, #tpu.memory_space<vmem>>, vector<1x1x16xi32>,
        %parallel_loop3A_288 = vector.shape_cast %parallel_loop3A_287 : vector<1x1x16xi32> to vector<16xi32>
        %parallel_loop3A_289 = vector.shape_cast %parallel_loop3A_282 : vector<16xi32> to vector<1x1x16xi32>
        tpu.vector_store %arg4[%parallel_loop3A_284, %parallel_loop3A_285, %parallel_loop3A_286], %parallel_loop3A_289 {strides = array<i32>} : memref<128x2x128xi32, #tpu.memory_space<vmem>>, vector<1x1x16xi32>,
        %parallel_loop3A_290 = arith.constant 1 : i32
        %parallel_loop3A_291 = arith.index_cast %parallel_loop3A_121 : i32 to index
        %parallel_loop3A_292 = arith.index_cast %parallel_loop3A_290 : i32 to index
        %parallel_loop3A_293 = arith.constant 64 : index
        %parallel_loop3A_294 = tpu.vector_load %arg4[%parallel_loop3A_291, %parallel_loop3A_292, %parallel_loop3A_293] {strides = array<i32>} : memref<128x2x128xi32, #tpu.memory_space<vmem>>, vector<1x1x16xi32>,
        %parallel_loop3A_295 = vector.shape_cast %parallel_loop3A_294 : vector<1x1x16xi32> to vector<16xi32>
        %parallel_loop3A_296 = arith.addi %parallel_loop3A_295, %broadcast_in_dim3A_1 : vector<16xi32>
        %parallel_loop3A_297 = arith.constant 1 : i32
        %parallel_loop3A_298 = arith.index_cast %parallel_loop3A_121 : i32 to index
        %parallel_loop3A_299 = arith.index_cast %parallel_loop3A_297 : i32 to index
        %parallel_loop3A_300 = arith.constant 64 : index
        %parallel_loop3A_301 = tpu.vector_load %arg4[%parallel_loop3A_298, %parallel_loop3A_299, %parallel_loop3A_300] {strides = array<i32>} : memref<128x2x128xi32, #tpu.memory_space<vmem>>, vector<1x1x16xi32>,
        %parallel_loop3A_302 = vector.shape_cast %parallel_loop3A_301 : vector<1x1x16xi32> to vector<16xi32>
        %parallel_loop3A_303 = vector.shape_cast %parallel_loop3A_296 : vector<16xi32> to vector<1x1x16xi32>
        tpu.vector_store %arg4[%parallel_loop3A_298, %parallel_loop3A_299, %parallel_loop3A_300], %parallel_loop3A_303 {strides = array<i32>} : memref<128x2x128xi32, #tpu.memory_space<vmem>>, vector<1x1x16xi32>,
        %parallel_loop3A_304 = arith.constant 1 : i32
        %parallel_loop3A_305 = arith.index_cast %parallel_loop3A_121 : i32 to index
        %parallel_loop3A_306 = arith.index_cast %parallel_loop3A_304 : i32 to index
        %parallel_loop3A_307 = arith.constant 80 : index
        %parallel_loop3A_308 = tpu.vector_load %arg4[%parallel_loop3A_305, %parallel_loop3A_306, %parallel_loop3A_307] {strides = array<i32>} : memref<128x2x128xi32, #tpu.memory_space<vmem>>, vector<1x1x16xi32>,
        %parallel_loop3A_309 = vector.shape_cast %parallel_loop3A_308 : vector<1x1x16xi32> to vector<16xi32>
        %parallel_loop3A_310 = arith.addi %parallel_loop3A_309, %broadcast_in_dim3A_1 : vector<16xi32>
        %parallel_loop3A_311 = arith.constant 1 : i32
        %parallel_loop3A_312 = arith.index_cast %parallel_loop3A_121 : i32 to index
        %parallel_loop3A_313 = arith.index_cast %parallel_loop3A_311 : i32 to index
        %parallel_loop3A_314 = arith.constant 80 : index
        %parallel_loop3A_315 = tpu.vector_load %arg4[%parallel_loop3A_312, %parallel_loop3A_313, %parallel_loop3A_314] {strides = array<i32>} : memref<128x2x128xi32, #tpu.memory_space<vmem>>, vector<1x1x16xi32>,
        %parallel_loop3A_316 = vector.shape_cast %parallel_loop3A_315 : vector<1x1x16xi32> to vector<16xi32>
        %parallel_loop3A_317 = vector.shape_cast %parallel_loop3A_310 : vector<16xi32> to vector<1x1x16xi32>
        tpu.vector_store %arg4[%parallel_loop3A_312, %parallel_loop3A_313, %parallel_loop3A_314], %parallel_loop3A_317 {strides = array<i32>} : memref<128x2x128xi32, #tpu.memory_space<vmem>>, vector<1x1x16xi32>,
        %parallel_loop3A_318 = arith.constant 1 : i32
        %parallel_loop3A_319 = arith.index_cast %parallel_loop3A_121 : i32 to index
        %parallel_loop3A_320 = arith.index_cast %parallel_loop3A_318 : i32 to index
        %parallel_loop3A_321 = arith.constant 96 : index
        %parallel_loop3A_322 = tpu.vector_load %arg4[%parallel_loop3A_319, %parallel_loop3A_320, %parallel_loop3A_321] {strides = array<i32>} : memref<128x2x128xi32, #tpu.memory_space<vmem>>, vector<1x1x16xi32>,
        %parallel_loop3A_323 = vector.shape_cast %parallel_loop3A_322 : vector<1x1x16xi32> to vector<16xi32>
        %parallel_loop3A_324 = arith.addi %parallel_loop3A_323, %broadcast_in_dim3A_1 : vector<16xi32>
        %parallel_loop3A_325 = arith.constant 1 : i32
        %parallel_loop3A_326 = arith.index_cast %parallel_loop3A_121 : i32 to index
        %parallel_loop3A_327 = arith.index_cast %parallel_loop3A_325 : i32 to index
        %parallel_loop3A_328 = arith.constant 96 : index
        %parallel_loop3A_329 = tpu.vector_load %arg4[%parallel_loop3A_326, %parallel_loop3A_327, %parallel_loop3A_328] {strides = array<i32>} : memref<128x2x128xi32, #tpu.memory_space<vmem>>, vector<1x1x16xi32>,
        %parallel_loop3A_330 = vector.shape_cast %parallel_loop3A_329 : vector<1x1x16xi32> to vector<16xi32>
        %parallel_loop3A_331 = vector.shape_cast %parallel_loop3A_324 : vector<16xi32> to vector<1x1x16xi32>
        tpu.vector_store %arg4[%parallel_loop3A_326, %parallel_loop3A_327, %parallel_loop3A_328], %parallel_loop3A_331 {strides = array<i32>} : memref<128x2x128xi32, #tpu.memory_space<vmem>>, vector<1x1x16xi32>,
        %parallel_loop3A_332 = arith.constant 1 : i32
        %parallel_loop3A_333 = arith.index_cast %parallel_loop3A_121 : i32 to index
        %parallel_loop3A_334 = arith.index_cast %parallel_loop3A_332 : i32 to index
        %parallel_loop3A_335 = arith.constant 112 : index
        %parallel_loop3A_336 = tpu.vector_load %arg4[%parallel_loop3A_333, %parallel_loop3A_334, %parallel_loop3A_335] {strides = array<i32>} : memref<128x2x128xi32, #tpu.memory_space<vmem>>, vector<1x1x16xi32>,
        %parallel_loop3A_337 = vector.shape_cast %parallel_loop3A_336 : vector<1x1x16xi32> to vector<16xi32>
        %parallel_loop3A_338 = arith.addi %parallel_loop3A_337, %broadcast_in_dim3A_1 : vector<16xi32>
        %parallel_loop3A_339 = arith.constant 1 : i32
        %parallel_loop3A_340 = arith.index_cast %parallel_loop3A_121 : i32 to index
        %parallel_loop3A_341 = arith.index_cast %parallel_loop3A_339 : i32 to index
        %parallel_loop3A_342 = arith.constant 112 : index
        %parallel_loop3A_343 = tpu.vector_load %arg4[%parallel_loop3A_340, %parallel_loop3A_341, %parallel_loop3A_342] {strides = array<i32>} : memref<128x2x128xi32, #tpu.memory_space<vmem>>, vector<1x1x16xi32>,
        %parallel_loop3A_344 = vector.shape_cast %parallel_loop3A_343 : vector<1x1x16xi32> to vector<16xi32>
        %parallel_loop3A_345 = vector.shape_cast %parallel_loop3A_338 : vector<16xi32> to vector<1x1x16xi32>
        tpu.vector_store %arg4[%parallel_loop3A_340, %parallel_loop3A_341, %parallel_loop3A_342], %parallel_loop3A_345 {strides = array<i32>} : memref<128x2x128xi32, #tpu.memory_space<vmem>>, vector<1x1x16xi32>,
      } {sc.loop_unroll_factor = 2 : i64, sc.parallel_access}
      %add3A_112 = arith.constant 0 : i32
      %add3A_113 = arith.addi %add3A, %add3A_112 : i32
      %mul3A_114 = arith.constant 128 : i32
      %mul3A_115 = arith.muli %add3A_113, %mul3A_114 : i32
      %dma_start3A = arith.constant 0 : i32
      %dma_start3A_116 = arith.constant 0 : i32
      %dma_start3A_117 = tpu.memref_slice %arg3[%mul3A_115, %dma_start3A, %dma_start3A_116] : memref<20972x2x128xi32, #tpu.memory_space<hbm>> -> memref<128x2x128xi32, #tpu.memory_space<hbm>>
      %dma_start3A_118 = arith.constant 0 : i32
      %dma_start3A_119 = arith.constant 0 : i32
      %dma_start3A_120 = tpu.memref_slice %arg3[%mul3A_115, %dma_start3A_118, %dma_start3A_119] : memref<20972x2x128xi32, #tpu.memory_space<hbm>> -> memref<128x2x128xi32, #tpu.memory_space<hbm>>
      tpu.enqueue_dma source(%arg4 : memref<128x2x128xi32, #tpu.memory_space<vmem>>) target(%dma_start3A_120 : memref<128x2x128xi32, #tpu.memory_space<hbm>>) target_semaphore(%arg8 : memref<!tpu.dma_semaphore, #tpu.memory_space<semaphore_mem>>)
    } else {
    }
    %add3A_20 = arith.constant 64 : i32
    %add3A_21 = arith.addi %add3A, %add3A_20 : i32
    %lt3A_22 = arith.constant 163 : i32
    %lt3A_23 = arith.cmpi slt, %add3A_21, %lt3A_22 : i32
    %convert_element_type3A_24 = arith.extui %lt3A_23 : i1 to i32
    %cond3A_25 = arith.constant 0 : i32
    %cond3A_26 = arith.cmpi ne, %convert_element_type3A_24, %cond3A_25 : i32
    scf.if %cond3A_26 {
      %add3A_101 = arith.constant 0 : i32
      %add3A_102 = arith.addi %add3A, %add3A_101 : i32
      %mul3A_103 = arith.constant 128 : i32
      %mul3A_104 = arith.muli %add3A_102, %mul3A_103 : i32
      %dma_wait3A = arith.constant 0 : i32
      %dma_wait3A_105 = arith.constant 0 : i32
      %dma_wait3A_106 = tpu.memref_slice %arg3[%mul3A_104, %dma_wait3A, %dma_wait3A_105] : memref<20972x2x128xi32, #tpu.memory_space<hbm>> -> memref<128x2x128xi32, #tpu.memory_space<hbm>>
      %dma_wait3A_107 = arith.constant 0 : i32
      %dma_wait3A_108 = arith.constant 0 : i32
      %dma_wait3A_109 = tpu.memref_slice %arg3[%mul3A_104, %dma_wait3A_107, %dma_wait3A_108] : memref<20972x2x128xi32, #tpu.memory_space<hbm>> -> memref<128x2x128xi32, #tpu.memory_space<hbm>>
      tpu.wait_dma2 semaphore(%arg8 : memref<!tpu.dma_semaphore, #tpu.memory_space<semaphore_mem>>) src(%arg4 : memref<128x2x128xi32, #tpu.memory_space<vmem>>) dst(%dma_wait3A_109 : memref<128x2x128xi32, #tpu.memory_space<hbm>>)
      %add3A_110 = arith.constant 64 : i32
      %add3A_111 = arith.addi %add3A, %add3A_110 : i32
      %mul3A_112 = arith.constant 128 : i32
      %mul3A_113 = arith.muli %add3A_111, %mul3A_112 : i32
      %dma_start3A = arith.constant 0 : i32
      %dma_start3A_114 = arith.constant 0 : i32
      %dma_start3A_115 = tpu.memref_slice %arg2[%mul3A_113, %dma_start3A, %dma_start3A_114] : memref<20972x2x128xi32, #tpu.memory_space<hbm>> -> memref<128x2x128xi32, #tpu.memory_space<hbm>>
      %dma_start3A_116 = arith.constant 0 : i32
      %dma_start3A_117 = arith.constant 0 : i32
      %dma_start3A_118 = tpu.memref_slice %arg2[%mul3A_113, %dma_start3A_116, %dma_start3A_117] : memref<20972x2x128xi32, #tpu.memory_space<hbm>> -> memref<128x2x128xi32, #tpu.memory_space<hbm>>
      tpu.enqueue_dma source(%dma_start3A_118 : memref<128x2x128xi32, #tpu.memory_space<hbm>>) target(%arg4 : memref<128x2x128xi32, #tpu.memory_space<vmem>>) target_semaphore(%arg6 : memref<!tpu.dma_semaphore, #tpu.memory_space<semaphore_mem>>)
    } else {
    }
    %add3A_27 = arith.constant 32 : i32
    %add3A_28 = arith.addi %add3A, %add3A_27 : i32
    %lt3A_29 = arith.constant 163 : i32
    %lt3A_30 = arith.cmpi slt, %add3A_28, %lt3A_29 : i32
    %convert_element_type3A_31 = arith.extui %lt3A_30 : i1 to i32
    %cond3A_32 = arith.constant 0 : i32
    %cond3A_33 = arith.cmpi ne, %convert_element_type3A_31, %cond3A_32 : i32
    scf.if %cond3A_33 {
      %add3A_101 = arith.constant 32 : i32
      %add3A_102 = arith.addi %add3A, %add3A_101 : i32
      %mul3A_103 = arith.constant 128 : i32
      %mul3A_104 = arith.muli %add3A_102, %mul3A_103 : i32
      %dma_wait3A = arith.constant 0 : i32
      %dma_wait3A_105 = arith.constant 0 : i32
      %dma_wait3A_106 = tpu.memref_slice %arg2[%mul3A_104, %dma_wait3A, %dma_wait3A_105] : memref<20972x2x128xi32, #tpu.memory_space<hbm>> -> memref<128x2x128xi32, #tpu.memory_space<hbm>>
      %dma_wait3A_107 = arith.constant 0 : i32
      %dma_wait3A_108 = arith.constant 0 : i32
      %dma_wait3A_109 = tpu.memref_slice %arg2[%mul3A_104, %dma_wait3A_107, %dma_wait3A_108] : memref<20972x2x128xi32, #tpu.memory_space<hbm>> -> memref<128x2x128xi32, #tpu.memory_space<hbm>>
      tpu.wait_dma2 semaphore(%arg7 : memref<!tpu.dma_semaphore, #tpu.memory_space<semaphore_mem>>) src(%dma_wait3A_109 : memref<128x2x128xi32, #tpu.memory_space<hbm>>) dst(%arg5 : memref<128x2x128xi32, #tpu.memory_space<vmem>>)
      %parallel_loop3A = arith.constant 0 : i32
      %parallel_loop3A_110 = arith.constant 128 : i32
      %parallel_loop3A_111 = arith.constant 1 : i32
      scf.for %parallel_loop3A_121 = %parallel_loop3A to %parallel_loop3A_110 step %parallel_loop3A_111  : i32 {
        %parallel_loop3A_122 = arith.constant 0 : i32
        %parallel_loop3A_123 = arith.index_cast %parallel_loop3A_121 : i32 to index
        %parallel_loop3A_124 = arith.index_cast %parallel_loop3A_122 : i32 to index
        %parallel_loop3A_125 = arith.constant 0 : index
        %parallel_loop3A_126 = tpu.vector_load %arg5[%parallel_loop3A_123, %parallel_loop3A_124, %parallel_loop3A_125] {strides = array<i32>} : memref<128x2x128xi32, #tpu.memory_space<vmem>>, vector<1x1x16xi32>,
        %parallel_loop3A_127 = vector.shape_cast %parallel_loop3A_126 : vector<1x1x16xi32> to vector<16xi32>
        %parallel_loop3A_128 = arith.addi %parallel_loop3A_127, %broadcast_in_dim3A_1 : vector<16xi32>
        %parallel_loop3A_129 = arith.constant 0 : i32
        %parallel_loop3A_130 = arith.index_cast %parallel_loop3A_121 : i32 to index
        %parallel_loop3A_131 = arith.index_cast %parallel_loop3A_129 : i32 to index
        %parallel_loop3A_132 = arith.constant 0 : index
        %parallel_loop3A_133 = tpu.vector_load %arg5[%parallel_loop3A_130, %parallel_loop3A_131, %parallel_loop3A_132] {strides = array<i32>} : memref<128x2x128xi32, #tpu.memory_space<vmem>>, vector<1x1x16xi32>,
        %parallel_loop3A_134 = vector.shape_cast %parallel_loop3A_133 : vector<1x1x16xi32> to vector<16xi32>
        %parallel_loop3A_135 = vector.shape_cast %parallel_loop3A_128 : vector<16xi32> to vector<1x1x16xi32>
        tpu.vector_store %arg5[%parallel_loop3A_130, %parallel_loop3A_131, %parallel_loop3A_132], %parallel_loop3A_135 {strides = array<i32>} : memref<128x2x128xi32, #tpu.memory_space<vmem>>, vector<1x1x16xi32>,
        %parallel_loop3A_136 = arith.constant 0 : i32
        %parallel_loop3A_137 = arith.index_cast %parallel_loop3A_121 : i32 to index
        %parallel_loop3A_138 = arith.index_cast %parallel_loop3A_136 : i32 to index
        %parallel_loop3A_139 = arith.constant 16 : index
        %parallel_loop3A_140 = tpu.vector_load %arg5[%parallel_loop3A_137, %parallel_loop3A_138, %parallel_loop3A_139] {strides = array<i32>} : memref<128x2x128xi32, #tpu.memory_space<vmem>>, vector<1x1x16xi32>,
        %parallel_loop3A_141 = vector.shape_cast %parallel_loop3A_140 : vector<1x1x16xi32> to vector<16xi32>
        %parallel_loop3A_142 = arith.addi %parallel_loop3A_141, %broadcast_in_dim3A_1 : vector<16xi32>
        %parallel_loop3A_143 = arith.constant 0 : i32
        %parallel_loop3A_144 = arith.index_cast %parallel_loop3A_121 : i32 to index
        %parallel_loop3A_145 = arith.index_cast %parallel_loop3A_143 : i32 to index
        %parallel_loop3A_146 = arith.constant 16 : index
        %parallel_loop3A_147 = tpu.vector_load %arg5[%parallel_loop3A_144, %parallel_loop3A_145, %parallel_loop3A_146] {strides = array<i32>} : memref<128x2x128xi32, #tpu.memory_space<vmem>>, vector<1x1x16xi32>,
        %parallel_loop3A_148 = vector.shape_cast %parallel_loop3A_147 : vector<1x1x16xi32> to vector<16xi32>
        %parallel_loop3A_149 = vector.shape_cast %parallel_loop3A_142 : vector<16xi32> to vector<1x1x16xi32>
        tpu.vector_store %arg5[%parallel_loop3A_144, %parallel_loop3A_145, %parallel_loop3A_146], %parallel_loop3A_149 {strides = array<i32>} : memref<128x2x128xi32, #tpu.memory_space<vmem>>, vector<1x1x16xi32>,
        %parallel_loop3A_150 = arith.constant 0 : i32
        %parallel_loop3A_151 = arith.index_cast %parallel_loop3A_121 : i32 to index
        %parallel_loop3A_152 = arith.index_cast %parallel_loop3A_150 : i32 to index
        %parallel_loop3A_153 = arith.constant 32 : index
        %parallel_loop3A_154 = tpu.vector_load %arg5[%parallel_loop3A_151, %parallel_loop3A_152, %parallel_loop3A_153] {strides = array<i32>} : memref<128x2x128xi32, #tpu.memory_space<vmem>>, vector<1x1x16xi32>,
        %parallel_loop3A_155 = vector.shape_cast %parallel_loop3A_154 : vector<1x1x16xi32> to vector<16xi32>
        %parallel_loop3A_156 = arith.addi %parallel_loop3A_155, %broadcast_in_dim3A_1 : vector<16xi32>
        %parallel_loop3A_157 = arith.constant 0 : i32
        %parallel_loop3A_158 = arith.index_cast %parallel_loop3A_121 : i32 to index
        %parallel_loop3A_159 = arith.index_cast %parallel_loop3A_157 : i32 to index
        %parallel_loop3A_160 = arith.constant 32 : index
        %parallel_loop3A_161 = tpu.vector_load %arg5[%parallel_loop3A_158, %parallel_loop3A_159, %parallel_loop3A_160] {strides = array<i32>} : memref<128x2x128xi32, #tpu.memory_space<vmem>>, vector<1x1x16xi32>,
        %parallel_loop3A_162 = vector.shape_cast %parallel_loop3A_161 : vector<1x1x16xi32> to vector<16xi32>
        %parallel_loop3A_163 = vector.shape_cast %parallel_loop3A_156 : vector<16xi32> to vector<1x1x16xi32>
        tpu.vector_store %arg5[%parallel_loop3A_158, %parallel_loop3A_159, %parallel_loop3A_160], %parallel_loop3A_163 {strides = array<i32>} : memref<128x2x128xi32, #tpu.memory_space<vmem>>, vector<1x1x16xi32>,
        %parallel_loop3A_164 = arith.constant 0 : i32
        %parallel_loop3A_165 = arith.index_cast %parallel_loop3A_121 : i32 to index
        %parallel_loop3A_166 = arith.index_cast %parallel_loop3A_164 : i32 to index
        %parallel_loop3A_167 = arith.constant 48 : index
        %parallel_loop3A_168 = tpu.vector_load %arg5[%parallel_loop3A_165, %parallel_loop3A_166, %parallel_loop3A_167] {strides = array<i32>} : memref<128x2x128xi32, #tpu.memory_space<vmem>>, vector<1x1x16xi32>,
        %parallel_loop3A_169 = vector.shape_cast %parallel_loop3A_168 : vector<1x1x16xi32> to vector<16xi32>
        %parallel_loop3A_170 = arith.addi %parallel_loop3A_169, %broadcast_in_dim3A_1 : vector<16xi32>
        %parallel_loop3A_171 = arith.constant 0 : i32
        %parallel_loop3A_172 = arith.index_cast %parallel_loop3A_121 : i32 to index
        %parallel_loop3A_173 = arith.index_cast %parallel_loop3A_171 : i32 to index
        %parallel_loop3A_174 = arith.constant 48 : index
        %parallel_loop3A_175 = tpu.vector_load %arg5[%parallel_loop3A_172, %parallel_loop3A_173, %parallel_loop3A_174] {strides = array<i32>} : memref<128x2x128xi32, #tpu.memory_space<vmem>>, vector<1x1x16xi32>,
        %parallel_loop3A_176 = vector.shape_cast %parallel_loop3A_175 : vector<1x1x16xi32> to vector<16xi32>
        %parallel_loop3A_177 = vector.shape_cast %parallel_loop3A_170 : vector<16xi32> to vector<1x1x16xi32>
        tpu.vector_store %arg5[%parallel_loop3A_172, %parallel_loop3A_173, %parallel_loop3A_174], %parallel_loop3A_177 {strides = array<i32>} : memref<128x2x128xi32, #tpu.memory_space<vmem>>, vector<1x1x16xi32>,
        %parallel_loop3A_178 = arith.constant 0 : i32
        %parallel_loop3A_179 = arith.index_cast %parallel_loop3A_121 : i32 to index
        %parallel_loop3A_180 = arith.index_cast %parallel_loop3A_178 : i32 to index
        %parallel_loop3A_181 = arith.constant 64 : index
        %parallel_loop3A_182 = tpu.vector_load %arg5[%parallel_loop3A_179, %parallel_loop3A_180, %parallel_loop3A_181] {strides = array<i32>} : memref<128x2x128xi32, #tpu.memory_space<vmem>>, vector<1x1x16xi32>,
        %parallel_loop3A_183 = vector.shape_cast %parallel_loop3A_182 : vector<1x1x16xi32> to vector<16xi32>
        %parallel_loop3A_184 = arith.addi %parallel_loop3A_183, %broadcast_in_dim3A_1 : vector<16xi32>
        %parallel_loop3A_185 = arith.constant 0 : i32
        %parallel_loop3A_186 = arith.index_cast %parallel_loop3A_121 : i32 to index
        %parallel_loop3A_187 = arith.index_cast %parallel_loop3A_185 : i32 to index
        %parallel_loop3A_188 = arith.constant 64 : index
        %parallel_loop3A_189 = tpu.vector_load %arg5[%parallel_loop3A_186, %parallel_loop3A_187, %parallel_loop3A_188] {strides = array<i32>} : memref<128x2x128xi32, #tpu.memory_space<vmem>>, vector<1x1x16xi32>,
        %parallel_loop3A_190 = vector.shape_cast %parallel_loop3A_189 : vector<1x1x16xi32> to vector<16xi32>
        %parallel_loop3A_191 = vector.shape_cast %parallel_loop3A_184 : vector<16xi32> to vector<1x1x16xi32>
        tpu.vector_store %arg5[%parallel_loop3A_186, %parallel_loop3A_187, %parallel_loop3A_188], %parallel_loop3A_191 {strides = array<i32>} : memref<128x2x128xi32, #tpu.memory_space<vmem>>, vector<1x1x16xi32>,
        %parallel_loop3A_192 = arith.constant 0 : i32
        %parallel_loop3A_193 = arith.index_cast %parallel_loop3A_121 : i32 to index
        %parallel_loop3A_194 = arith.index_cast %parallel_loop3A_192 : i32 to index
        %parallel_loop3A_195 = arith.constant 80 : index
        %parallel_loop3A_196 = tpu.vector_load %arg5[%parallel_loop3A_193, %parallel_loop3A_194, %parallel_loop3A_195] {strides = array<i32>} : memref<128x2x128xi32, #tpu.memory_space<vmem>>, vector<1x1x16xi32>,
        %parallel_loop3A_197 = vector.shape_cast %parallel_loop3A_196 : vector<1x1x16xi32> to vector<16xi32>
        %parallel_loop3A_198 = arith.addi %parallel_loop3A_197, %broadcast_in_dim3A_1 : vector<16xi32>
        %parallel_loop3A_199 = arith.constant 0 : i32
        %parallel_loop3A_200 = arith.index_cast %parallel_loop3A_121 : i32 to index
        %parallel_loop3A_201 = arith.index_cast %parallel_loop3A_199 : i32 to index
        %parallel_loop3A_202 = arith.constant 80 : index
        %parallel_loop3A_203 = tpu.vector_load %arg5[%parallel_loop3A_200, %parallel_loop3A_201, %parallel_loop3A_202] {strides = array<i32>} : memref<128x2x128xi32, #tpu.memory_space<vmem>>, vector<1x1x16xi32>,
        %parallel_loop3A_204 = vector.shape_cast %parallel_loop3A_203 : vector<1x1x16xi32> to vector<16xi32>
        %parallel_loop3A_205 = vector.shape_cast %parallel_loop3A_198 : vector<16xi32> to vector<1x1x16xi32>
        tpu.vector_store %arg5[%parallel_loop3A_200, %parallel_loop3A_201, %parallel_loop3A_202], %parallel_loop3A_205 {strides = array<i32>} : memref<128x2x128xi32, #tpu.memory_space<vmem>>, vector<1x1x16xi32>,
        %parallel_loop3A_206 = arith.constant 0 : i32
        %parallel_loop3A_207 = arith.index_cast %parallel_loop3A_121 : i32 to index
        %parallel_loop3A_208 = arith.index_cast %parallel_loop3A_206 : i32 to index
        %parallel_loop3A_209 = arith.constant 96 : index
        %parallel_loop3A_210 = tpu.vector_load %arg5[%parallel_loop3A_207, %parallel_loop3A_208, %parallel_loop3A_209] {strides = array<i32>} : memref<128x2x128xi32, #tpu.memory_space<vmem>>, vector<1x1x16xi32>,
        %parallel_loop3A_211 = vector.shape_cast %parallel_loop3A_210 : vector<1x1x16xi32> to vector<16xi32>
        %parallel_loop3A_212 = arith.addi %parallel_loop3A_211, %broadcast_in_dim3A_1 : vector<16xi32>
        %parallel_loop3A_213 = arith.constant 0 : i32
        %parallel_loop3A_214 = arith.index_cast %parallel_loop3A_121 : i32 to index
        %parallel_loop3A_215 = arith.index_cast %parallel_loop3A_213 : i32 to index
        %parallel_loop3A_216 = arith.constant 96 : index
        %parallel_loop3A_217 = tpu.vector_load %arg5[%parallel_loop3A_214, %parallel_loop3A_215, %parallel_loop3A_216] {strides = array<i32>} : memref<128x2x128xi32, #tpu.memory_space<vmem>>, vector<1x1x16xi32>,
        %parallel_loop3A_218 = vector.shape_cast %parallel_loop3A_217 : vector<1x1x16xi32> to vector<16xi32>
        %parallel_loop3A_219 = vector.shape_cast %parallel_loop3A_212 : vector<16xi32> to vector<1x1x16xi32>
        tpu.vector_store %arg5[%parallel_loop3A_214, %parallel_loop3A_215, %parallel_loop3A_216], %parallel_loop3A_219 {strides = array<i32>} : memref<128x2x128xi32, #tpu.memory_space<vmem>>, vector<1x1x16xi32>,
        %parallel_loop3A_220 = arith.constant 0 : i32
        %parallel_loop3A_221 = arith.index_cast %parallel_loop3A_121 : i32 to index
        %parallel_loop3A_222 = arith.index_cast %parallel_loop3A_220 : i32 to index
        %parallel_loop3A_223 = arith.constant 112 : index
        %parallel_loop3A_224 = tpu.vector_load %arg5[%parallel_loop3A_221, %parallel_loop3A_222, %parallel_loop3A_223] {strides = array<i32>} : memref<128x2x128xi32, #tpu.memory_space<vmem>>, vector<1x1x16xi32>,
        %parallel_loop3A_225 = vector.shape_cast %parallel_loop3A_224 : vector<1x1x16xi32> to vector<16xi32>
        %parallel_loop3A_226 = arith.addi %parallel_loop3A_225, %broadcast_in_dim3A_1 : vector<16xi32>
        %parallel_loop3A_227 = arith.constant 0 : i32
        %parallel_loop3A_228 = arith.index_cast %parallel_loop3A_121 : i32 to index
        %parallel_loop3A_229 = arith.index_cast %parallel_loop3A_227 : i32 to index
        %parallel_loop3A_230 = arith.constant 112 : index
        %parallel_loop3A_231 = tpu.vector_load %arg5[%parallel_loop3A_228, %parallel_loop3A_229, %parallel_loop3A_230] {strides = array<i32>} : memref<128x2x128xi32, #tpu.memory_space<vmem>>, vector<1x1x16xi32>,
        %parallel_loop3A_232 = vector.shape_cast %parallel_loop3A_231 : vector<1x1x16xi32> to vector<16xi32>
        %parallel_loop3A_233 = vector.shape_cast %parallel_loop3A_226 : vector<16xi32> to vector<1x1x16xi32>
        tpu.vector_store %arg5[%parallel_loop3A_228, %parallel_loop3A_229, %parallel_loop3A_230], %parallel_loop3A_233 {strides = array<i32>} : memref<128x2x128xi32, #tpu.memory_space<vmem>>, vector<1x1x16xi32>,
        %parallel_loop3A_234 = arith.constant 1 : i32
        %parallel_loop3A_235 = arith.index_cast %parallel_loop3A_121 : i32 to index
        %parallel_loop3A_236 = arith.index_cast %parallel_loop3A_234 : i32 to index
        %parallel_loop3A_237 = arith.constant 0 : index
        %parallel_loop3A_238 = tpu.vector_load %arg5[%parallel_loop3A_235, %parallel_loop3A_236, %parallel_loop3A_237] {strides = array<i32>} : memref<128x2x128xi32, #tpu.memory_space<vmem>>, vector<1x1x16xi32>,
        %parallel_loop3A_239 = vector.shape_cast %parallel_loop3A_238 : vector<1x1x16xi32> to vector<16xi32>
        %parallel_loop3A_240 = arith.addi %parallel_loop3A_239, %broadcast_in_dim3A_1 : vector<16xi32>
        %parallel_loop3A_241 = arith.constant 1 : i32
        %parallel_loop3A_242 = arith.index_cast %parallel_loop3A_121 : i32 to index
        %parallel_loop3A_243 = arith.index_cast %parallel_loop3A_241 : i32 to index
        %parallel_loop3A_244 = arith.constant 0 : index
        %parallel_loop3A_245 = tpu.vector_load %arg5[%parallel_loop3A_242, %parallel_loop3A_243, %parallel_loop3A_244] {strides = array<i32>} : memref<128x2x128xi32, #tpu.memory_space<vmem>>, vector<1x1x16xi32>,
        %parallel_loop3A_246 = vector.shape_cast %parallel_loop3A_245 : vector<1x1x16xi32> to vector<16xi32>
        %parallel_loop3A_247 = vector.shape_cast %parallel_loop3A_240 : vector<16xi32> to vector<1x1x16xi32>
        tpu.vector_store %arg5[%parallel_loop3A_242, %parallel_loop3A_243, %parallel_loop3A_244], %parallel_loop3A_247 {strides = array<i32>} : memref<128x2x128xi32, #tpu.memory_space<vmem>>, vector<1x1x16xi32>,
        %parallel_loop3A_248 = arith.constant 1 : i32
        %parallel_loop3A_249 = arith.index_cast %parallel_loop3A_121 : i32 to index
        %parallel_loop3A_250 = arith.index_cast %parallel_loop3A_248 : i32 to index
        %parallel_loop3A_251 = arith.constant 16 : index
        %parallel_loop3A_252 = tpu.vector_load %arg5[%parallel_loop3A_249, %parallel_loop3A_250, %parallel_loop3A_251] {strides = array<i32>} : memref<128x2x128xi32, #tpu.memory_space<vmem>>, vector<1x1x16xi32>,
        %parallel_loop3A_253 = vector.shape_cast %parallel_loop3A_252 : vector<1x1x16xi32> to vector<16xi32>
        %parallel_loop3A_254 = arith.addi %parallel_loop3A_253, %broadcast_in_dim3A_1 : vector<16xi32>
        %parallel_loop3A_255 = arith.constant 1 : i32
        %parallel_loop3A_256 = arith.index_cast %parallel_loop3A_121 : i32 to index
        %parallel_loop3A_257 = arith.index_cast %parallel_loop3A_255 : i32 to index
        %parallel_loop3A_258 = arith.constant 16 : index
        %parallel_loop3A_259 = tpu.vector_load %arg5[%parallel_loop3A_256, %parallel_loop3A_257, %parallel_loop3A_258] {strides = array<i32>} : memref<128x2x128xi32, #tpu.memory_space<vmem>>, vector<1x1x16xi32>,
        %parallel_loop3A_260 = vector.shape_cast %parallel_loop3A_259 : vector<1x1x16xi32> to vector<16xi32>
        %parallel_loop3A_261 = vector.shape_cast %parallel_loop3A_254 : vector<16xi32> to vector<1x1x16xi32>
        tpu.vector_store %arg5[%parallel_loop3A_256, %parallel_loop3A_257, %parallel_loop3A_258], %parallel_loop3A_261 {strides = array<i32>} : memref<128x2x128xi32, #tpu.memory_space<vmem>>, vector<1x1x16xi32>,
        %parallel_loop3A_262 = arith.constant 1 : i32
        %parallel_loop3A_263 = arith.index_cast %parallel_loop3A_121 : i32 to index
        %parallel_loop3A_264 = arith.index_cast %parallel_loop3A_262 : i32 to index
        %parallel_loop3A_265 = arith.constant 32 : index
        %parallel_loop3A_266 = tpu.vector_load %arg5[%parallel_loop3A_263, %parallel_loop3A_264, %parallel_loop3A_265] {strides = array<i32>} : memref<128x2x128xi32, #tpu.memory_space<vmem>>, vector<1x1x16xi32>,
        %parallel_loop3A_267 = vector.shape_cast %parallel_loop3A_266 : vector<1x1x16xi32> to vector<16xi32>
        %parallel_loop3A_268 = arith.addi %parallel_loop3A_267, %broadcast_in_dim3A_1 : vector<16xi32>
        %parallel_loop3A_269 = arith.constant 1 : i32
        %parallel_loop3A_270 = arith.index_cast %parallel_loop3A_121 : i32 to index
        %parallel_loop3A_271 = arith.index_cast %parallel_loop3A_269 : i32 to index
        %parallel_loop3A_272 = arith.constant 32 : index
        %parallel_loop3A_273 = tpu.vector_load %arg5[%parallel_loop3A_270, %parallel_loop3A_271, %parallel_loop3A_272] {strides = array<i32>} : memref<128x2x128xi32, #tpu.memory_space<vmem>>, vector<1x1x16xi32>,
        %parallel_loop3A_274 = vector.shape_cast %parallel_loop3A_273 : vector<1x1x16xi32> to vector<16xi32>
        %parallel_loop3A_275 = vector.shape_cast %parallel_loop3A_268 : vector<16xi32> to vector<1x1x16xi32>
        tpu.vector_store %arg5[%parallel_loop3A_270, %parallel_loop3A_271, %parallel_loop3A_272], %parallel_loop3A_275 {strides = array<i32>} : memref<128x2x128xi32, #tpu.memory_space<vmem>>, vector<1x1x16xi32>,
        %parallel_loop3A_276 = arith.constant 1 : i32
        %parallel_loop3A_277 = arith.index_cast %parallel_loop3A_121 : i32 to index
        %parallel_loop3A_278 = arith.index_cast %parallel_loop3A_276 : i32 to index
        %parallel_loop3A_279 = arith.constant 48 : index
        %parallel_loop3A_280 = tpu.vector_load %arg5[%parallel_loop3A_277, %parallel_loop3A_278, %parallel_loop3A_279] {strides = array<i32>} : memref<128x2x128xi32, #tpu.memory_space<vmem>>, vector<1x1x16xi32>,
        %parallel_loop3A_281 = vector.shape_cast %parallel_loop3A_280 : vector<1x1x16xi32> to vector<16xi32>
        %parallel_loop3A_282 = arith.addi %parallel_loop3A_281, %broadcast_in_dim3A_1 : vector<16xi32>
        %parallel_loop3A_283 = arith.constant 1 : i32
        %parallel_loop3A_284 = arith.index_cast %parallel_loop3A_121 : i32 to index
        %parallel_loop3A_285 = arith.index_cast %parallel_loop3A_283 : i32 to index
        %parallel_loop3A_286 = arith.constant 48 : index
        %parallel_loop3A_287 = tpu.vector_load %arg5[%parallel_loop3A_284, %parallel_loop3A_285, %parallel_loop3A_286] {strides = array<i32>} : memref<128x2x128xi32, #tpu.memory_space<vmem>>, vector<1x1x16xi32>,
        %parallel_loop3A_288 = vector.shape_cast %parallel_loop3A_287 : vector<1x1x16xi32> to vector<16xi32>
        %parallel_loop3A_289 = vector.shape_cast %parallel_loop3A_282 : vector<16xi32> to vector<1x1x16xi32>
        tpu.vector_store %arg5[%parallel_loop3A_284, %parallel_loop3A_285, %parallel_loop3A_286], %parallel_loop3A_289 {strides = array<i32>} : memref<128x2x128xi32, #tpu.memory_space<vmem>>, vector<1x1x16xi32>,
        %parallel_loop3A_290 = arith.constant 1 : i32
        %parallel_loop3A_291 = arith.index_cast %parallel_loop3A_121 : i32 to index
        %parallel_loop3A_292 = arith.index_cast %parallel_loop3A_290 : i32 to index
        %parallel_loop3A_293 = arith.constant 64 : index
        %parallel_loop3A_294 = tpu.vector_load %arg5[%parallel_loop3A_291, %parallel_loop3A_292, %parallel_loop3A_293] {strides = array<i32>} : memref<128x2x128xi32, #tpu.memory_space<vmem>>, vector<1x1x16xi32>,
        %parallel_loop3A_295 = vector.shape_cast %parallel_loop3A_294 : vector<1x1x16xi32> to vector<16xi32>
        %parallel_loop3A_296 = arith.addi %parallel_loop3A_295, %broadcast_in_dim3A_1 : vector<16xi32>
        %parallel_loop3A_297 = arith.constant 1 : i32
        %parallel_loop3A_298 = arith.index_cast %parallel_loop3A_121 : i32 to index
        %parallel_loop3A_299 = arith.index_cast %parallel_loop3A_297 : i32 to index
        %parallel_loop3A_300 = arith.constant 64 : index
        %parallel_loop3A_301 = tpu.vector_load %arg5[%parallel_loop3A_298, %parallel_loop3A_299, %parallel_loop3A_300] {strides = array<i32>} : memref<128x2x128xi32, #tpu.memory_space<vmem>>, vector<1x1x16xi32>,
        %parallel_loop3A_302 = vector.shape_cast %parallel_loop3A_301 : vector<1x1x16xi32> to vector<16xi32>
        %parallel_loop3A_303 = vector.shape_cast %parallel_loop3A_296 : vector<16xi32> to vector<1x1x16xi32>
        tpu.vector_store %arg5[%parallel_loop3A_298, %parallel_loop3A_299, %parallel_loop3A_300], %parallel_loop3A_303 {strides = array<i32>} : memref<128x2x128xi32, #tpu.memory_space<vmem>>, vector<1x1x16xi32>,
        %parallel_loop3A_304 = arith.constant 1 : i32
        %parallel_loop3A_305 = arith.index_cast %parallel_loop3A_121 : i32 to index
        %parallel_loop3A_306 = arith.index_cast %parallel_loop3A_304 : i32 to index
        %parallel_loop3A_307 = arith.constant 80 : index
        %parallel_loop3A_308 = tpu.vector_load %arg5[%parallel_loop3A_305, %parallel_loop3A_306, %parallel_loop3A_307] {strides = array<i32>} : memref<128x2x128xi32, #tpu.memory_space<vmem>>, vector<1x1x16xi32>,
        %parallel_loop3A_309 = vector.shape_cast %parallel_loop3A_308 : vector<1x1x16xi32> to vector<16xi32>
        %parallel_loop3A_310 = arith.addi %parallel_loop3A_309, %broadcast_in_dim3A_1 : vector<16xi32>
        %parallel_loop3A_311 = arith.constant 1 : i32
        %parallel_loop3A_312 = arith.index_cast %parallel_loop3A_121 : i32 to index
        %parallel_loop3A_313 = arith.index_cast %parallel_loop3A_311 : i32 to index
        %parallel_loop3A_314 = arith.constant 80 : index
        %parallel_loop3A_315 = tpu.vector_load %arg5[%parallel_loop3A_312, %parallel_loop3A_313, %parallel_loop3A_314] {strides = array<i32>} : memref<128x2x128xi32, #tpu.memory_space<vmem>>, vector<1x1x16xi32>,
        %parallel_loop3A_316 = vector.shape_cast %parallel_loop3A_315 : vector<1x1x16xi32> to vector<16xi32>
        %parallel_loop3A_317 = vector.shape_cast %parallel_loop3A_310 : vector<16xi32> to vector<1x1x16xi32>
        tpu.vector_store %arg5[%parallel_loop3A_312, %parallel_loop3A_313, %parallel_loop3A_314], %parallel_loop3A_317 {strides = array<i32>} : memref<128x2x128xi32, #tpu.memory_space<vmem>>, vector<1x1x16xi32>,
        %parallel_loop3A_318 = arith.constant 1 : i32
        %parallel_loop3A_319 = arith.index_cast %parallel_loop3A_121 : i32 to index
        %parallel_loop3A_320 = arith.index_cast %parallel_loop3A_318 : i32 to index
        %parallel_loop3A_321 = arith.constant 96 : index
        %parallel_loop3A_322 = tpu.vector_load %arg5[%parallel_loop3A_319, %parallel_loop3A_320, %parallel_loop3A_321] {strides = array<i32>} : memref<128x2x128xi32, #tpu.memory_space<vmem>>, vector<1x1x16xi32>,
        %parallel_loop3A_323 = vector.shape_cast %parallel_loop3A_322 : vector<1x1x16xi32> to vector<16xi32>
        %parallel_loop3A_324 = arith.addi %parallel_loop3A_323, %broadcast_in_dim3A_1 : vector<16xi32>
        %parallel_loop3A_325 = arith.constant 1 : i32
        %parallel_loop3A_326 = arith.index_cast %parallel_loop3A_121 : i32 to index
        %parallel_loop3A_327 = arith.index_cast %parallel_loop3A_325 : i32 to index
        %parallel_loop3A_328 = arith.constant 96 : index
        %parallel_loop3A_329 = tpu.vector_load %arg5[%parallel_loop3A_326, %parallel_loop3A_327, %parallel_loop3A_328] {strides = array<i32>} : memref<128x2x128xi32, #tpu.memory_space<vmem>>, vector<1x1x16xi32>,
        %parallel_loop3A_330 = vector.shape_cast %parallel_loop3A_329 : vector<1x1x16xi32> to vector<16xi32>
        %parallel_loop3A_331 = vector.shape_cast %parallel_loop3A_324 : vector<16xi32> to vector<1x1x16xi32>
        tpu.vector_store %arg5[%parallel_loop3A_326, %parallel_loop3A_327, %parallel_loop3A_328], %parallel_loop3A_331 {strides = array<i32>} : memref<128x2x128xi32, #tpu.memory_space<vmem>>, vector<1x1x16xi32>,
        %parallel_loop3A_332 = arith.constant 1 : i32
        %parallel_loop3A_333 = arith.index_cast %parallel_loop3A_121 : i32 to index
        %parallel_loop3A_334 = arith.index_cast %parallel_loop3A_332 : i32 to index
        %parallel_loop3A_335 = arith.constant 112 : index
        %parallel_loop3A_336 = tpu.vector_load %arg5[%parallel_loop3A_333, %parallel_loop3A_334, %parallel_loop3A_335] {strides = array<i32>} : memref<128x2x128xi32, #tpu.memory_space<vmem>>, vector<1x1x16xi32>,
        %parallel_loop3A_337 = vector.shape_cast %parallel_loop3A_336 : vector<1x1x16xi32> to vector<16xi32>
        %parallel_loop3A_338 = arith.addi %parallel_loop3A_337, %broadcast_in_dim3A_1 : vector<16xi32>
        %parallel_loop3A_339 = arith.constant 1 : i32
        %parallel_loop3A_340 = arith.index_cast %parallel_loop3A_121 : i32 to index
        %parallel_loop3A_341 = arith.index_cast %parallel_loop3A_339 : i32 to index
        %parallel_loop3A_342 = arith.constant 112 : index
        %parallel_loop3A_343 = tpu.vector_load %arg5[%parallel_loop3A_340, %parallel_loop3A_341, %parallel_loop3A_342] {strides = array<i32>} : memref<128x2x128xi32, #tpu.memory_space<vmem>>, vector<1x1x16xi32>,
        %parallel_loop3A_344 = vector.shape_cast %parallel_loop3A_343 : vector<1x1x16xi32> to vector<16xi32>
        %parallel_loop3A_345 = vector.shape_cast %parallel_loop3A_338 : vector<16xi32> to vector<1x1x16xi32>
        tpu.vector_store %arg5[%parallel_loop3A_340, %parallel_loop3A_341, %parallel_loop3A_342], %parallel_loop3A_345 {strides = array<i32>} : memref<128x2x128xi32, #tpu.memory_space<vmem>>, vector<1x1x16xi32>,
      } {sc.loop_unroll_factor = 2 : i64, sc.parallel_access}
      %add3A_112 = arith.constant 32 : i32
      %add3A_113 = arith.addi %add3A, %add3A_112 : i32
      %mul3A_114 = arith.constant 128 : i32
      %mul3A_115 = arith.muli %add3A_113, %mul3A_114 : i32
      %dma_start3A = arith.constant 0 : i32
      %dma_start3A_116 = arith.constant 0 : i32
      %dma_start3A_117 = tpu.memref_slice %arg3[%mul3A_115, %dma_start3A, %dma_start3A_116] : memref<20972x2x128xi32, #tpu.memory_space<hbm>> -> memref<128x2x128xi32, #tpu.memory_space<hbm>>
      %dma_start3A_118 = arith.constant 0 : i32
      %dma_start3A_119 = arith.constant 0 : i32
      %dma_start3A_120 = tpu.memref_slice %arg3[%mul3A_115, %dma_start3A_118, %dma_start3A_119] : memref<20972x2x128xi32, #tpu.memory_space<hbm>> -> memref<128x2x128xi32, #tpu.memory_space<hbm>>
      tpu.enqueue_dma source(%arg5 : memref<128x2x128xi32, #tpu.memory_space<vmem>>) target(%dma_start3A_120 : memref<128x2x128xi32, #tpu.memory_space<hbm>>) target_semaphore(%arg9 : memref<!tpu.dma_semaphore, #tpu.memory_space<semaphore_mem>>)
    } else {
    }
    %add3A_34 = arith.constant 96 : i32
    %add3A_35 = arith.addi %add3A, %add3A_34 : i32
    %lt3A_36 = arith.constant 163 : i32
    %lt3A_37 = arith.cmpi slt, %add3A_35, %lt3A_36 : i32
    %convert_element_type3A_38 = arith.extui %lt3A_37 : i1 to i32
    %cond3A_39 = arith.constant 0 : i32
    %cond3A_40 = arith.cmpi ne, %convert_element_type3A_38, %cond3A_39 : i32
    scf.if %cond3A_40 {
      %add3A_101 = arith.constant 32 : i32
      %add3A_102 = arith.addi %add3A, %add3A_101 : i32
      %mul3A_103 = arith.constant 128 : i32
      %mul3A_104 = arith.muli %add3A_102, %mul3A_103 : i32
      %dma_wait3A = arith.constant 0 : i32
      %dma_wait3A_105 = arith.constant 0 : i32
      %dma_wait3A_106 = tpu.memref_slice %arg3[%mul3A_104, %dma_wait3A, %dma_wait3A_105] : memref<20972x2x128xi32, #tpu.memory_space<hbm>> -> memref<128x2x128xi32, #tpu.memory_space<hbm>>
      %dma_wait3A_107 = arith.constant 0 : i32
      %dma_wait3A_108 = arith.constant 0 : i32
      %dma_wait3A_109 = tpu.memref_slice %arg3[%mul3A_104, %dma_wait3A_107, %dma_wait3A_108] : memref<20972x2x128xi32, #tpu.memory_space<hbm>> -> memref<128x2x128xi32, #tpu.memory_space<hbm>>
      tpu.wait_dma2 semaphore(%arg9 : memref<!tpu.dma_semaphore, #tpu.memory_space<semaphore_mem>>) src(%arg5 : memref<128x2x128xi32, #tpu.memory_space<vmem>>) dst(%dma_wait3A_109 : memref<128x2x128xi32, #tpu.memory_space<hbm>>)
      %add3A_110 = arith.constant 96 : i32
      %add3A_111 = arith.addi %add3A, %add3A_110 : i32
      %mul3A_112 = arith.constant 128 : i32
      %mul3A_113 = arith.muli %add3A_111, %mul3A_112 : i32
      %dma_start3A = arith.constant 0 : i32
      %dma_start3A_114 = arith.constant 0 : i32
      %dma_start3A_115 = tpu.memref_slice %arg2[%mul3A_113, %dma_start3A, %dma_start3A_114] : memref<20972x2x128xi32, #tpu.memory_space<hbm>> -> memref<128x2x128xi32, #tpu.memory_space<hbm>>
      %dma_start3A_116 = arith.constant 0 : i32
      %dma_start3A_117 = arith.constant 0 : i32
      %dma_start3A_118 = tpu.memref_slice %arg2[%mul3A_113, %dma_start3A_116, %dma_start3A_117] : memref<20972x2x128xi32, #tpu.memory_space<hbm>> -> memref<128x2x128xi32, #tpu.memory_space<hbm>>
      tpu.enqueue_dma source(%dma_start3A_118 : memref<128x2x128xi32, #tpu.memory_space<hbm>>) target(%arg5 : memref<128x2x128xi32, #tpu.memory_space<vmem>>) target_semaphore(%arg7 : memref<!tpu.dma_semaphore, #tpu.memory_space<semaphore_mem>>)
    } else {
    }
    %add3A_41 = arith.constant 64 : i32
    %add3A_42 = arith.addi %add3A, %add3A_41 : i32
    %lt3A_43 = arith.constant 163 : i32
    %lt3A_44 = arith.cmpi slt, %add3A_42, %lt3A_43 : i32
    %convert_element_type3A_45 = arith.extui %lt3A_44 : i1 to i32
    %cond3A_46 = arith.constant 0 : i32
    %cond3A_47 = arith.cmpi ne, %convert_element_type3A_45, %cond3A_46 : i32
    scf.if %cond3A_47 {
      %add3A_101 = arith.constant 64 : i32
      %add3A_102 = arith.addi %add3A, %add3A_101 : i32
      %mul3A_103 = arith.constant 128 : i32
      %mul3A_104 = arith.muli %add3A_102, %mul3A_103 : i32
      %dma_wait3A = arith.constant 0 : i32
      %dma_wait3A_105 = arith.constant 0 : i32
      %dma_wait3A_106 = tpu.memref_slice %arg2[%mul3A_104, %dma_wait3A, %dma_wait3A_105] : memref<20972x2x128xi32, #tpu.memory_space<hbm>> -> memref<128x2x128xi32, #tpu.memory_space<hbm>>
      %dma_wait3A_107 = arith.constant 0 : i32
      %dma_wait3A_108 = arith.constant 0 : i32
      %dma_wait3A_109 = tpu.memref_slice %arg2[%mul3A_104, %dma_wait3A_107, %dma_wait3A_108] : memref<20972x2x128xi32, #tpu.memory_space<hbm>> -> memref<128x2x128xi32, #tpu.memory_space<hbm>>
      tpu.wait_dma2 semaphore(%arg6 : memref<!tpu.dma_semaphore, #tpu.memory_space<semaphore_mem>>) src(%dma_wait3A_109 : memref<128x2x128xi32, #tpu.memory_space<hbm>>) dst(%arg4 : memref<128x2x128xi32, #tpu.memory_space<vmem>>)
      %parallel_loop3A = arith.constant 0 : i32
      %parallel_loop3A_110 = arith.constant 128 : i32
      %parallel_loop3A_111 = arith.constant 1 : i32
      scf.for %parallel_loop3A_121 = %parallel_loop3A to %parallel_loop3A_110 step %parallel_loop3A_111  : i32 {
        %parallel_loop3A_122 = arith.constant 0 : i32
        %parallel_loop3A_123 = arith.index_cast %parallel_loop3A_121 : i32 to index
        %parallel_loop3A_124 = arith.index_cast %parallel_loop3A_122 : i32 to index
        %parallel_loop3A_125 = arith.constant 0 : index
        %parallel_loop3A_126 = tpu.vector_load %arg4[%parallel_loop3A_123, %parallel_loop3A_124, %parallel_loop3A_125] {strides = array<i32>} : memref<128x2x128xi32, #tpu.memory_space<vmem>>, vector<1x1x16xi32>,
        %parallel_loop3A_127 = vector.shape_cast %parallel_loop3A_126 : vector<1x1x16xi32> to vector<16xi32>
        %parallel_loop3A_128 = arith.addi %parallel_loop3A_127, %broadcast_in_dim3A_1 : vector<16xi32>
        %parallel_loop3A_129 = arith.constant 0 : i32
        %parallel_loop3A_130 = arith.index_cast %parallel_loop3A_121 : i32 to index
        %parallel_loop3A_131 = arith.index_cast %parallel_loop3A_129 : i32 to index
        %parallel_loop3A_132 = arith.constant 0 : index
        %parallel_loop3A_133 = tpu.vector_load %arg4[%parallel_loop3A_130, %parallel_loop3A_131, %parallel_loop3A_132] {strides = array<i32>} : memref<128x2x128xi32, #tpu.memory_space<vmem>>, vector<1x1x16xi32>,
        %parallel_loop3A_134 = vector.shape_cast %parallel_loop3A_133 : vector<1x1x16xi32> to vector<16xi32>
        %parallel_loop3A_135 = vector.shape_cast %parallel_loop3A_128 : vector<16xi32> to vector<1x1x16xi32>
        tpu.vector_store %arg4[%parallel_loop3A_130, %parallel_loop3A_131, %parallel_loop3A_132], %parallel_loop3A_135 {strides = array<i32>} : memref<128x2x128xi32, #tpu.memory_space<vmem>>, vector<1x1x16xi32>,
        %parallel_loop3A_136 = arith.constant 0 : i32
        %parallel_loop3A_137 = arith.index_cast %parallel_loop3A_121 : i32 to index
        %parallel_loop3A_138 = arith.index_cast %parallel_loop3A_136 : i32 to index
        %parallel_loop3A_139 = arith.constant 16 : index
        %parallel_loop3A_140 = tpu.vector_load %arg4[%parallel_loop3A_137, %parallel_loop3A_138, %parallel_loop3A_139] {strides = array<i32>} : memref<128x2x128xi32, #tpu.memory_space<vmem>>, vector<1x1x16xi32>,
        %parallel_loop3A_141 = vector.shape_cast %parallel_loop3A_140 : vector<1x1x16xi32> to vector<16xi32>
        %parallel_loop3A_142 = arith.addi %parallel_loop3A_141, %broadcast_in_dim3A_1 : vector<16xi32>
        %parallel_loop3A_143 = arith.constant 0 : i32
        %parallel_loop3A_144 = arith.index_cast %parallel_loop3A_121 : i32 to index
        %parallel_loop3A_145 = arith.index_cast %parallel_loop3A_143 : i32 to index
        %parallel_loop3A_146 = arith.constant 16 : index
        %parallel_loop3A_147 = tpu.vector_load %arg4[%parallel_loop3A_144, %parallel_loop3A_145, %parallel_loop3A_146] {strides = array<i32>} : memref<128x2x128xi32, #tpu.memory_space<vmem>>, vector<1x1x16xi32>,
        %parallel_loop3A_148 = vector.shape_cast %parallel_loop3A_147 : vector<1x1x16xi32> to vector<16xi32>
        %parallel_loop3A_149 = vector.shape_cast %parallel_loop3A_142 : vector<16xi32> to vector<1x1x16xi32>
        tpu.vector_store %arg4[%parallel_loop3A_144, %parallel_loop3A_145, %parallel_loop3A_146], %parallel_loop3A_149 {strides = array<i32>} : memref<128x2x128xi32, #tpu.memory_space<vmem>>, vector<1x1x16xi32>,
        %parallel_loop3A_150 = arith.constant 0 : i32
        %parallel_loop3A_151 = arith.index_cast %parallel_loop3A_121 : i32 to index
        %parallel_loop3A_152 = arith.index_cast %parallel_loop3A_150 : i32 to index
        %parallel_loop3A_153 = arith.constant 32 : index
        %parallel_loop3A_154 = tpu.vector_load %arg4[%parallel_loop3A_151, %parallel_loop3A_152, %parallel_loop3A_153] {strides = array<i32>} : memref<128x2x128xi32, #tpu.memory_space<vmem>>, vector<1x1x16xi32>,
        %parallel_loop3A_155 = vector.shape_cast %parallel_loop3A_154 : vector<1x1x16xi32> to vector<16xi32>
        %parallel_loop3A_156 = arith.addi %parallel_loop3A_155, %broadcast_in_dim3A_1 : vector<16xi32>
        %parallel_loop3A_157 = arith.constant 0 : i32
        %parallel_loop3A_158 = arith.index_cast %parallel_loop3A_121 : i32 to index
        %parallel_loop3A_159 = arith.index_cast %parallel_loop3A_157 : i32 to index
        %parallel_loop3A_160 = arith.constant 32 : index
        %parallel_loop3A_161 = tpu.vector_load %arg4[%parallel_loop3A_158, %parallel_loop3A_159, %parallel_loop3A_160] {strides = array<i32>} : memref<128x2x128xi32, #tpu.memory_space<vmem>>, vector<1x1x16xi32>,
        %parallel_loop3A_162 = vector.shape_cast %parallel_loop3A_161 : vector<1x1x16xi32> to vector<16xi32>
        %parallel_loop3A_163 = vector.shape_cast %parallel_loop3A_156 : vector<16xi32> to vector<1x1x16xi32>
        tpu.vector_store %arg4[%parallel_loop3A_158, %parallel_loop3A_159, %parallel_loop3A_160], %parallel_loop3A_163 {strides = array<i32>} : memref<128x2x128xi32, #tpu.memory_space<vmem>>, vector<1x1x16xi32>,
        %parallel_loop3A_164 = arith.constant 0 : i32
        %parallel_loop3A_165 = arith.index_cast %parallel_loop3A_121 : i32 to index
        %parallel_loop3A_166 = arith.index_cast %parallel_loop3A_164 : i32 to index
        %parallel_loop3A_167 = arith.constant 48 : index
        %parallel_loop3A_168 = tpu.vector_load %arg4[%parallel_loop3A_165, %parallel_loop3A_166, %parallel_loop3A_167] {strides = array<i32>} : memref<128x2x128xi32, #tpu.memory_space<vmem>>, vector<1x1x16xi32>,
        %parallel_loop3A_169 = vector.shape_cast %parallel_loop3A_168 : vector<1x1x16xi32> to vector<16xi32>
        %parallel_loop3A_170 = arith.addi %parallel_loop3A_169, %broadcast_in_dim3A_1 : vector<16xi32>
        %parallel_loop3A_171 = arith.constant 0 : i32
        %parallel_loop3A_172 = arith.index_cast %parallel_loop3A_121 : i32 to index
        %parallel_loop3A_173 = arith.index_cast %parallel_loop3A_171 : i32 to index
        %parallel_loop3A_174 = arith.constant 48 : index
        %parallel_loop3A_175 = tpu.vector_load %arg4[%parallel_loop3A_172, %parallel_loop3A_173, %parallel_loop3A_174] {strides = array<i32>} : memref<128x2x128xi32, #tpu.memory_space<vmem>>, vector<1x1x16xi32>,
        %parallel_loop3A_176 = vector.shape_cast %parallel_loop3A_175 : vector<1x1x16xi32> to vector<16xi32>
        %parallel_loop3A_177 = vector.shape_cast %parallel_loop3A_170 : vector<16xi32> to vector<1x1x16xi32>
        tpu.vector_store %arg4[%parallel_loop3A_172, %parallel_loop3A_173, %parallel_loop3A_174], %parallel_loop3A_177 {strides = array<i32>} : memref<128x2x128xi32, #tpu.memory_space<vmem>>, vector<1x1x16xi32>,
        %parallel_loop3A_178 = arith.constant 0 : i32
        %parallel_loop3A_179 = arith.index_cast %parallel_loop3A_121 : i32 to index
        %parallel_loop3A_180 = arith.index_cast %parallel_loop3A_178 : i32 to index
        %parallel_loop3A_181 = arith.constant 64 : index
        %parallel_loop3A_182 = tpu.vector_load %arg4[%parallel_loop3A_179, %parallel_loop3A_180, %parallel_loop3A_181] {strides = array<i32>} : memref<128x2x128xi32, #tpu.memory_space<vmem>>, vector<1x1x16xi32>,
        %parallel_loop3A_183 = vector.shape_cast %parallel_loop3A_182 : vector<1x1x16xi32> to vector<16xi32>
        %parallel_loop3A_184 = arith.addi %parallel_loop3A_183, %broadcast_in_dim3A_1 : vector<16xi32>
        %parallel_loop3A_185 = arith.constant 0 : i32
        %parallel_loop3A_186 = arith.index_cast %parallel_loop3A_121 : i32 to index
        %parallel_loop3A_187 = arith.index_cast %parallel_loop3A_185 : i32 to index
        %parallel_loop3A_188 = arith.constant 64 : index
        %parallel_loop3A_189 = tpu.vector_load %arg4[%parallel_loop3A_186, %parallel_loop3A_187, %parallel_loop3A_188] {strides = array<i32>} : memref<128x2x128xi32, #tpu.memory_space<vmem>>, vector<1x1x16xi32>,
        %parallel_loop3A_190 = vector.shape_cast %parallel_loop3A_189 : vector<1x1x16xi32> to vector<16xi32>
        %parallel_loop3A_191 = vector.shape_cast %parallel_loop3A_184 : vector<16xi32> to vector<1x1x16xi32>
        tpu.vector_store %arg4[%parallel_loop3A_186, %parallel_loop3A_187, %parallel_loop3A_188], %parallel_loop3A_191 {strides = array<i32>} : memref<128x2x128xi32, #tpu.memory_space<vmem>>, vector<1x1x16xi32>,
        %parallel_loop3A_192 = arith.constant 0 : i32
        %parallel_loop3A_193 = arith.index_cast %parallel_loop3A_121 : i32 to index
        %parallel_loop3A_194 = arith.index_cast %parallel_loop3A_192 : i32 to index
        %parallel_loop3A_195 = arith.constant 80 : index
        %parallel_loop3A_196 = tpu.vector_load %arg4[%parallel_loop3A_193, %parallel_loop3A_194, %parallel_loop3A_195] {strides = array<i32>} : memref<128x2x128xi32, #tpu.memory_space<vmem>>, vector<1x1x16xi32>,
        %parallel_loop3A_197 = vector.shape_cast %parallel_loop3A_196 : vector<1x1x16xi32> to vector<16xi32>
        %parallel_loop3A_198 = arith.addi %parallel_loop3A_197, %broadcast_in_dim3A_1 : vector<16xi32>
        %parallel_loop3A_199 = arith.constant 0 : i32
        %parallel_loop3A_200 = arith.index_cast %parallel_loop3A_121 : i32 to index
        %parallel_loop3A_201 = arith.index_cast %parallel_loop3A_199 : i32 to index
        %parallel_loop3A_202 = arith.constant 80 : index
        %parallel_loop3A_203 = tpu.vector_load %arg4[%parallel_loop3A_200, %parallel_loop3A_201, %parallel_loop3A_202] {strides = array<i32>} : memref<128x2x128xi32, #tpu.memory_space<vmem>>, vector<1x1x16xi32>,
        %parallel_loop3A_204 = vector.shape_cast %parallel_loop3A_203 : vector<1x1x16xi32> to vector<16xi32>
        %parallel_loop3A_205 = vector.shape_cast %parallel_loop3A_198 : vector<16xi32> to vector<1x1x16xi32>
        tpu.vector_store %arg4[%parallel_loop3A_200, %parallel_loop3A_201, %parallel_loop3A_202], %parallel_loop3A_205 {strides = array<i32>} : memref<128x2x128xi32, #tpu.memory_space<vmem>>, vector<1x1x16xi32>,
        %parallel_loop3A_206 = arith.constant 0 : i32
        %parallel_loop3A_207 = arith.index_cast %parallel_loop3A_121 : i32 to index
        %parallel_loop3A_208 = arith.index_cast %parallel_loop3A_206 : i32 to index
        %parallel_loop3A_209 = arith.constant 96 : index
        %parallel_loop3A_210 = tpu.vector_load %arg4[%parallel_loop3A_207, %parallel_loop3A_208, %parallel_loop3A_209] {strides = array<i32>} : memref<128x2x128xi32, #tpu.memory_space<vmem>>, vector<1x1x16xi32>,
        %parallel_loop3A_211 = vector.shape_cast %parallel_loop3A_210 : vector<1x1x16xi32> to vector<16xi32>
        %parallel_loop3A_212 = arith.addi %parallel_loop3A_211, %broadcast_in_dim3A_1 : vector<16xi32>
        %parallel_loop3A_213 = arith.constant 0 : i32
        %parallel_loop3A_214 = arith.index_cast %parallel_loop3A_121 : i32 to index
        %parallel_loop3A_215 = arith.index_cast %parallel_loop3A_213 : i32 to index
        %parallel_loop3A_216 = arith.constant 96 : index
        %parallel_loop3A_217 = tpu.vector_load %arg4[%parallel_loop3A_214, %parallel_loop3A_215, %parallel_loop3A_216] {strides = array<i32>} : memref<128x2x128xi32, #tpu.memory_space<vmem>>, vector<1x1x16xi32>,
        %parallel_loop3A_218 = vector.shape_cast %parallel_loop3A_217 : vector<1x1x16xi32> to vector<16xi32>
        %parallel_loop3A_219 = vector.shape_cast %parallel_loop3A_212 : vector<16xi32> to vector<1x1x16xi32>
        tpu.vector_store %arg4[%parallel_loop3A_214, %parallel_loop3A_215, %parallel_loop3A_216], %parallel_loop3A_219 {strides = array<i32>} : memref<128x2x128xi32, #tpu.memory_space<vmem>>, vector<1x1x16xi32>,
        %parallel_loop3A_220 = arith.constant 0 : i32
        %parallel_loop3A_221 = arith.index_cast %parallel_loop3A_121 : i32 to index
        %parallel_loop3A_222 = arith.index_cast %parallel_loop3A_220 : i32 to index
        %parallel_loop3A_223 = arith.constant 112 : index
        %parallel_loop3A_224 = tpu.vector_load %arg4[%parallel_loop3A_221, %parallel_loop3A_222, %parallel_loop3A_223] {strides = array<i32>} : memref<128x2x128xi32, #tpu.memory_space<vmem>>, vector<1x1x16xi32>,
        %parallel_loop3A_225 = vector.shape_cast %parallel_loop3A_224 : vector<1x1x16xi32> to vector<16xi32>
        %parallel_loop3A_226 = arith.addi %parallel_loop3A_225, %broadcast_in_dim3A_1 : vector<16xi32>
        %parallel_loop3A_227 = arith.constant 0 : i32
        %parallel_loop3A_228 = arith.index_cast %parallel_loop3A_121 : i32 to index
        %parallel_loop3A_229 = arith.index_cast %parallel_loop3A_227 : i32 to index
        %parallel_loop3A_230 = arith.constant 112 : index
        %parallel_loop3A_231 = tpu.vector_load %arg4[%parallel_loop3A_228, %parallel_loop3A_229, %parallel_loop3A_230] {strides = array<i32>} : memref<128x2x128xi32, #tpu.memory_space<vmem>>, vector<1x1x16xi32>,
        %parallel_loop3A_232 = vector.shape_cast %parallel_loop3A_231 : vector<1x1x16xi32> to vector<16xi32>
        %parallel_loop3A_233 = vector.shape_cast %parallel_loop3A_226 : vector<16xi32> to vector<1x1x16xi32>
        tpu.vector_store %arg4[%parallel_loop3A_228, %parallel_loop3A_229, %parallel_loop3A_230], %parallel_loop3A_233 {strides = array<i32>} : memref<128x2x128xi32, #tpu.memory_space<vmem>>, vector<1x1x16xi32>,
        %parallel_loop3A_234 = arith.constant 1 : i32
        %parallel_loop3A_235 = arith.index_cast %parallel_loop3A_121 : i32 to index
        %parallel_loop3A_236 = arith.index_cast %parallel_loop3A_234 : i32 to index
        %parallel_loop3A_237 = arith.constant 0 : index
        %parallel_loop3A_238 = tpu.vector_load %arg4[%parallel_loop3A_235, %parallel_loop3A_236, %parallel_loop3A_237] {strides = array<i32>} : memref<128x2x128xi32, #tpu.memory_space<vmem>>, vector<1x1x16xi32>,
        %parallel_loop3A_239 = vector.shape_cast %parallel_loop3A_238 : vector<1x1x16xi32> to vector<16xi32>
        %parallel_loop3A_240 = arith.addi %parallel_loop3A_239, %broadcast_in_dim3A_1 : vector<16xi32>
        %parallel_loop3A_241 = arith.constant 1 : i32
        %parallel_loop3A_242 = arith.index_cast %parallel_loop3A_121 : i32 to index
        %parallel_loop3A_243 = arith.index_cast %parallel_loop3A_241 : i32 to index
        %parallel_loop3A_244 = arith.constant 0 : index
        %parallel_loop3A_245 = tpu.vector_load %arg4[%parallel_loop3A_242, %parallel_loop3A_243, %parallel_loop3A_244] {strides = array<i32>} : memref<128x2x128xi32, #tpu.memory_space<vmem>>, vector<1x1x16xi32>,
        %parallel_loop3A_246 = vector.shape_cast %parallel_loop3A_245 : vector<1x1x16xi32> to vector<16xi32>
        %parallel_loop3A_247 = vector.shape_cast %parallel_loop3A_240 : vector<16xi32> to vector<1x1x16xi32>
        tpu.vector_store %arg4[%parallel_loop3A_242, %parallel_loop3A_243, %parallel_loop3A_244], %parallel_loop3A_247 {strides = array<i32>} : memref<128x2x128xi32, #tpu.memory_space<vmem>>, vector<1x1x16xi32>,
        %parallel_loop3A_248 = arith.constant 1 : i32
        %parallel_loop3A_249 = arith.index_cast %parallel_loop3A_121 : i32 to index
        %parallel_loop3A_250 = arith.index_cast %parallel_loop3A_248 : i32 to index
        %parallel_loop3A_251 = arith.constant 16 : index
        %parallel_loop3A_252 = tpu.vector_load %arg4[%parallel_loop3A_249, %parallel_loop3A_250, %parallel_loop3A_251] {strides = array<i32>} : memref<128x2x128xi32, #tpu.memory_space<vmem>>, vector<1x1x16xi32>,
        %parallel_loop3A_253 = vector.shape_cast %parallel_loop3A_252 : vector<1x1x16xi32> to vector<16xi32>
        %parallel_loop3A_254 = arith.addi %parallel_loop3A_253, %broadcast_in_dim3A_1 : vector<16xi32>
        %parallel_loop3A_255 = arith.constant 1 : i32
        %parallel_loop3A_256 = arith.index_cast %parallel_loop3A_121 : i32 to index
        %parallel_loop3A_257 = arith.index_cast %parallel_loop3A_255 : i32 to index
        %parallel_loop3A_258 = arith.constant 16 : index
        %parallel_loop3A_259 = tpu.vector_load %arg4[%parallel_loop3A_256, %parallel_loop3A_257, %parallel_loop3A_258] {strides = array<i32>} : memref<128x2x128xi32, #tpu.memory_space<vmem>>, vector<1x1x16xi32>,
        %parallel_loop3A_260 = vector.shape_cast %parallel_loop3A_259 : vector<1x1x16xi32> to vector<16xi32>
        %parallel_loop3A_261 = vector.shape_cast %parallel_loop3A_254 : vector<16xi32> to vector<1x1x16xi32>
        tpu.vector_store %arg4[%parallel_loop3A_256, %parallel_loop3A_257, %parallel_loop3A_258], %parallel_loop3A_261 {strides = array<i32>} : memref<128x2x128xi32, #tpu.memory_space<vmem>>, vector<1x1x16xi32>,
        %parallel_loop3A_262 = arith.constant 1 : i32
        %parallel_loop3A_263 = arith.index_cast %parallel_loop3A_121 : i32 to index
        %parallel_loop3A_264 = arith.index_cast %parallel_loop3A_262 : i32 to index
        %parallel_loop3A_265 = arith.constant 32 : index
        %parallel_loop3A_266 = tpu.vector_load %arg4[%parallel_loop3A_263, %parallel_loop3A_264, %parallel_loop3A_265] {strides = array<i32>} : memref<128x2x128xi32, #tpu.memory_space<vmem>>, vector<1x1x16xi32>,
        %parallel_loop3A_267 = vector.shape_cast %parallel_loop3A_266 : vector<1x1x16xi32> to vector<16xi32>
        %parallel_loop3A_268 = arith.addi %parallel_loop3A_267, %broadcast_in_dim3A_1 : vector<16xi32>
        %parallel_loop3A_269 = arith.constant 1 : i32
        %parallel_loop3A_270 = arith.index_cast %parallel_loop3A_121 : i32 to index
        %parallel_loop3A_271 = arith.index_cast %parallel_loop3A_269 : i32 to index
        %parallel_loop3A_272 = arith.constant 32 : index
        %parallel_loop3A_273 = tpu.vector_load %arg4[%parallel_loop3A_270, %parallel_loop3A_271, %parallel_loop3A_272] {strides = array<i32>} : memref<128x2x128xi32, #tpu.memory_space<vmem>>, vector<1x1x16xi32>,
        %parallel_loop3A_274 = vector.shape_cast %parallel_loop3A_273 : vector<1x1x16xi32> to vector<16xi32>
        %parallel_loop3A_275 = vector.shape_cast %parallel_loop3A_268 : vector<16xi32> to vector<1x1x16xi32>
        tpu.vector_store %arg4[%parallel_loop3A_270, %parallel_loop3A_271, %parallel_loop3A_272], %parallel_loop3A_275 {strides = array<i32>} : memref<128x2x128xi32, #tpu.memory_space<vmem>>, vector<1x1x16xi32>,
        %parallel_loop3A_276 = arith.constant 1 : i32
        %parallel_loop3A_277 = arith.index_cast %parallel_loop3A_121 : i32 to index
        %parallel_loop3A_278 = arith.index_cast %parallel_loop3A_276 : i32 to index
        %parallel_loop3A_279 = arith.constant 48 : index
        %parallel_loop3A_280 = tpu.vector_load %arg4[%parallel_loop3A_277, %parallel_loop3A_278, %parallel_loop3A_279] {strides = array<i32>} : memref<128x2x128xi32, #tpu.memory_space<vmem>>, vector<1x1x16xi32>,
        %parallel_loop3A_281 = vector.shape_cast %parallel_loop3A_280 : vector<1x1x16xi32> to vector<16xi32>
        %parallel_loop3A_282 = arith.addi %parallel_loop3A_281, %broadcast_in_dim3A_1 : vector<16xi32>
        %parallel_loop3A_283 = arith.constant 1 : i32
        %parallel_loop3A_284 = arith.index_cast %parallel_loop3A_121 : i32 to index
        %parallel_loop3A_285 = arith.index_cast %parallel_loop3A_283 : i32 to index
        %parallel_loop3A_286 = arith.constant 48 : index
        %parallel_loop3A_287 = tpu.vector_load %arg4[%parallel_loop3A_284, %parallel_loop3A_285, %parallel_loop3A_286] {strides = array<i32>} : memref<128x2x128xi32, #tpu.memory_space<vmem>>, vector<1x1x16xi32>,
        %parallel_loop3A_288 = vector.shape_cast %parallel_loop3A_287 : vector<1x1x16xi32> to vector<16xi32>
        %parallel_loop3A_289 = vector.shape_cast %parallel_loop3A_282 : vector<16xi32> to vector<1x1x16xi32>
        tpu.vector_store %arg4[%parallel_loop3A_284, %parallel_loop3A_285, %parallel_loop3A_286], %parallel_loop3A_289 {strides = array<i32>} : memref<128x2x128xi32, #tpu.memory_space<vmem>>, vector<1x1x16xi32>,
        %parallel_loop3A_290 = arith.constant 1 : i32
        %parallel_loop3A_291 = arith.index_cast %parallel_loop3A_121 : i32 to index
        %parallel_loop3A_292 = arith.index_cast %parallel_loop3A_290 : i32 to index
        %parallel_loop3A_293 = arith.constant 64 : index
        %parallel_loop3A_294 = tpu.vector_load %arg4[%parallel_loop3A_291, %parallel_loop3A_292, %parallel_loop3A_293] {strides = array<i32>} : memref<128x2x128xi32, #tpu.memory_space<vmem>>, vector<1x1x16xi32>,
        %parallel_loop3A_295 = vector.shape_cast %parallel_loop3A_294 : vector<1x1x16xi32> to vector<16xi32>
        %parallel_loop3A_296 = arith.addi %parallel_loop3A_295, %broadcast_in_dim3A_1 : vector<16xi32>
        %parallel_loop3A_297 = arith.constant 1 : i32
        %parallel_loop3A_298 = arith.index_cast %parallel_loop3A_121 : i32 to index
        %parallel_loop3A_299 = arith.index_cast %parallel_loop3A_297 : i32 to index
        %parallel_loop3A_300 = arith.constant 64 : index
        %parallel_loop3A_301 = tpu.vector_load %arg4[%parallel_loop3A_298, %parallel_loop3A_299, %parallel_loop3A_300] {strides = array<i32>} : memref<128x2x128xi32, #tpu.memory_space<vmem>>, vector<1x1x16xi32>,
        %parallel_loop3A_302 = vector.shape_cast %parallel_loop3A_301 : vector<1x1x16xi32> to vector<16xi32>
        %parallel_loop3A_303 = vector.shape_cast %parallel_loop3A_296 : vector<16xi32> to vector<1x1x16xi32>
        tpu.vector_store %arg4[%parallel_loop3A_298, %parallel_loop3A_299, %parallel_loop3A_300], %parallel_loop3A_303 {strides = array<i32>} : memref<128x2x128xi32, #tpu.memory_space<vmem>>, vector<1x1x16xi32>,
        %parallel_loop3A_304 = arith.constant 1 : i32
        %parallel_loop3A_305 = arith.index_cast %parallel_loop3A_121 : i32 to index
        %parallel_loop3A_306 = arith.index_cast %parallel_loop3A_304 : i32 to index
        %parallel_loop3A_307 = arith.constant 80 : index
        %parallel_loop3A_308 = tpu.vector_load %arg4[%parallel_loop3A_305, %parallel_loop3A_306, %parallel_loop3A_307] {strides = array<i32>} : memref<128x2x128xi32, #tpu.memory_space<vmem>>, vector<1x1x16xi32>,
        %parallel_loop3A_309 = vector.shape_cast %parallel_loop3A_308 : vector<1x1x16xi32> to vector<16xi32>
        %parallel_loop3A_310 = arith.addi %parallel_loop3A_309, %broadcast_in_dim3A_1 : vector<16xi32>
        %parallel_loop3A_311 = arith.constant 1 : i32
        %parallel_loop3A_312 = arith.index_cast %parallel_loop3A_121 : i32 to index
        %parallel_loop3A_313 = arith.index_cast %parallel_loop3A_311 : i32 to index
        %parallel_loop3A_314 = arith.constant 80 : index
        %parallel_loop3A_315 = tpu.vector_load %arg4[%parallel_loop3A_312, %parallel_loop3A_313, %parallel_loop3A_314] {strides = array<i32>} : memref<128x2x128xi32, #tpu.memory_space<vmem>>, vector<1x1x16xi32>,
        %parallel_loop3A_316 = vector.shape_cast %parallel_loop3A_315 : vector<1x1x16xi32> to vector<16xi32>
        %parallel_loop3A_317 = vector.shape_cast %parallel_loop3A_310 : vector<16xi32> to vector<1x1x16xi32>
        tpu.vector_store %arg4[%parallel_loop3A_312, %parallel_loop3A_313, %parallel_loop3A_314], %parallel_loop3A_317 {strides = array<i32>} : memref<128x2x128xi32, #tpu.memory_space<vmem>>, vector<1x1x16xi32>,
        %parallel_loop3A_318 = arith.constant 1 : i32
        %parallel_loop3A_319 = arith.index_cast %parallel_loop3A_121 : i32 to index
        %parallel_loop3A_320 = arith.index_cast %parallel_loop3A_318 : i32 to index
        %parallel_loop3A_321 = arith.constant 96 : index
        %parallel_loop3A_322 = tpu.vector_load %arg4[%parallel_loop3A_319, %parallel_loop3A_320, %parallel_loop3A_321] {strides = array<i32>} : memref<128x2x128xi32, #tpu.memory_space<vmem>>, vector<1x1x16xi32>,
        %parallel_loop3A_323 = vector.shape_cast %parallel_loop3A_322 : vector<1x1x16xi32> to vector<16xi32>
        %parallel_loop3A_324 = arith.addi %parallel_loop3A_323, %broadcast_in_dim3A_1 : vector<16xi32>
        %parallel_loop3A_325 = arith.constant 1 : i32
        %parallel_loop3A_326 = arith.index_cast %parallel_loop3A_121 : i32 to index
        %parallel_loop3A_327 = arith.index_cast %parallel_loop3A_325 : i32 to index
        %parallel_loop3A_328 = arith.constant 96 : index
        %parallel_loop3A_329 = tpu.vector_load %arg4[%parallel_loop3A_326, %parallel_loop3A_327, %parallel_loop3A_328] {strides = array<i32>} : memref<128x2x128xi32, #tpu.memory_space<vmem>>, vector<1x1x16xi32>,
        %parallel_loop3A_330 = vector.shape_cast %parallel_loop3A_329 : vector<1x1x16xi32> to vector<16xi32>
        %parallel_loop3A_331 = vector.shape_cast %parallel_loop3A_324 : vector<16xi32> to vector<1x1x16xi32>
        tpu.vector_store %arg4[%parallel_loop3A_326, %parallel_loop3A_327, %parallel_loop3A_328], %parallel_loop3A_331 {strides = array<i32>} : memref<128x2x128xi32, #tpu.memory_space<vmem>>, vector<1x1x16xi32>,
        %parallel_loop3A_332 = arith.constant 1 : i32
        %parallel_loop3A_333 = arith.index_cast %parallel_loop3A_121 : i32 to index
        %parallel_loop3A_334 = arith.index_cast %parallel_loop3A_332 : i32 to index
        %parallel_loop3A_335 = arith.constant 112 : index
        %parallel_loop3A_336 = tpu.vector_load %arg4[%parallel_loop3A_333, %parallel_loop3A_334, %parallel_loop3A_335] {strides = array<i32>} : memref<128x2x128xi32, #tpu.memory_space<vmem>>, vector<1x1x16xi32>,
        %parallel_loop3A_337 = vector.shape_cast %parallel_loop3A_336 : vector<1x1x16xi32> to vector<16xi32>
        %parallel_loop3A_338 = arith.addi %parallel_loop3A_337, %broadcast_in_dim3A_1 : vector<16xi32>
        %parallel_loop3A_339 = arith.constant 1 : i32
        %parallel_loop3A_340 = arith.index_cast %parallel_loop3A_121 : i32 to index
        %parallel_loop3A_341 = arith.index_cast %parallel_loop3A_339 : i32 to index
        %parallel_loop3A_342 = arith.constant 112 : index
        %parallel_loop3A_343 = tpu.vector_load %arg4[%parallel_loop3A_340, %parallel_loop3A_341, %parallel_loop3A_342] {strides = array<i32>} : memref<128x2x128xi32, #tpu.memory_space<vmem>>, vector<1x1x16xi32>,
        %parallel_loop3A_344 = vector.shape_cast %parallel_loop3A_343 : vector<1x1x16xi32> to vector<16xi32>
        %parallel_loop3A_345 = vector.shape_cast %parallel_loop3A_338 : vector<16xi32> to vector<1x1x16xi32>
        tpu.vector_store %arg4[%parallel_loop3A_340, %parallel_loop3A_341, %parallel_loop3A_342], %parallel_loop3A_345 {strides = array<i32>} : memref<128x2x128xi32, #tpu.memory_space<vmem>>, vector<1x1x16xi32>,
      } {sc.loop_unroll_factor = 2 : i64, sc.parallel_access}
      %add3A_112 = arith.constant 64 : i32
      %add3A_113 = arith.addi %add3A, %add3A_112 : i32
      %mul3A_114 = arith.constant 128 : i32
      %mul3A_115 = arith.muli %add3A_113, %mul3A_114 : i32
      %dma_start3A = arith.constant 0 : i32
      %dma_start3A_116 = arith.constant 0 : i32
      %dma_start3A_117 = tpu.memref_slice %arg3[%mul3A_115, %dma_start3A, %dma_start3A_116] : memref<20972x2x128xi32, #tpu.memory_space<hbm>> -> memref<128x2x128xi32, #tpu.memory_space<hbm>>
      %dma_start3A_118 = arith.constant 0 : i32
      %dma_start3A_119 = arith.constant 0 : i32
      %dma_start3A_120 = tpu.memref_slice %arg3[%mul3A_115, %dma_start3A_118, %dma_start3A_119] : memref<20972x2x128xi32, #tpu.memory_space<hbm>> -> memref<128x2x128xi32, #tpu.memory_space<hbm>>
      tpu.enqueue_dma source(%arg4 : memref<128x2x128xi32, #tpu.memory_space<vmem>>) target(%dma_start3A_120 : memref<128x2x128xi32, #tpu.memory_space<hbm>>) target_semaphore(%arg8 : memref<!tpu.dma_semaphore, #tpu.memory_space<semaphore_mem>>)
    } else {
    }
    %add3A_48 = arith.constant 128 : i32
    %add3A_49 = arith.addi %add3A, %add3A_48 : i32
    %lt3A_50 = arith.constant 163 : i32
    %lt3A_51 = arith.cmpi slt, %add3A_49, %lt3A_50 : i32
    %convert_element_type3A_52 = arith.extui %lt3A_51 : i1 to i32
    %cond3A_53 = arith.constant 0 : i32
    %cond3A_54 = arith.cmpi ne, %convert_element_type3A_52, %cond3A_53 : i32
    scf.if %cond3A_54 {
      %add3A_101 = arith.constant 64 : i32
      %add3A_102 = arith.addi %add3A, %add3A_101 : i32
      %mul3A_103 = arith.constant 128 : i32
      %mul3A_104 = arith.muli %add3A_102, %mul3A_103 : i32
      %dma_wait3A = arith.constant 0 : i32
      %dma_wait3A_105 = arith.constant 0 : i32
      %dma_wait3A_106 = tpu.memref_slice %arg3[%mul3A_104, %dma_wait3A, %dma_wait3A_105] : memref<20972x2x128xi32, #tpu.memory_space<hbm>> -> memref<128x2x128xi32, #tpu.memory_space<hbm>>
      %dma_wait3A_107 = arith.constant 0 : i32
      %dma_wait3A_108 = arith.constant 0 : i32
      %dma_wait3A_109 = tpu.memref_slice %arg3[%mul3A_104, %dma_wait3A_107, %dma_wait3A_108] : memref<20972x2x128xi32, #tpu.memory_space<hbm>> -> memref<128x2x128xi32, #tpu.memory_space<hbm>>
      tpu.wait_dma2 semaphore(%arg8 : memref<!tpu.dma_semaphore, #tpu.memory_space<semaphore_mem>>) src(%arg4 : memref<128x2x128xi32, #tpu.memory_space<vmem>>) dst(%dma_wait3A_109 : memref<128x2x128xi32, #tpu.memory_space<hbm>>)
      %add3A_110 = arith.constant 128 : i32
      %add3A_111 = arith.addi %add3A, %add3A_110 : i32
      %mul3A_112 = arith.constant 128 : i32
      %mul3A_113 = arith.muli %add3A_111, %mul3A_112 : i32
      %dma_start3A = arith.constant 0 : i32
      %dma_start3A_114 = arith.constant 0 : i32
      %dma_start3A_115 = tpu.memref_slice %arg2[%mul3A_113, %dma_start3A, %dma_start3A_114] : memref<20972x2x128xi32, #tpu.memory_space<hbm>> -> memref<128x2x128xi32, #tpu.memory_space<hbm>>
      %dma_start3A_116 = arith.constant 0 : i32
      %dma_start3A_117 = arith.constant 0 : i32
      %dma_start3A_118 = tpu.memref_slice %arg2[%mul3A_113, %dma_start3A_116, %dma_start3A_117] : memref<20972x2x128xi32, #tpu.memory_space<hbm>> -> memref<128x2x128xi32, #tpu.memory_space<hbm>>
      tpu.enqueue_dma source(%dma_start3A_118 : memref<128x2x128xi32, #tpu.memory_space<hbm>>) target(%arg4 : memref<128x2x128xi32, #tpu.memory_space<vmem>>) target_semaphore(%arg6 : memref<!tpu.dma_semaphore, #tpu.memory_space<semaphore_mem>>)
    } else {
    }
    %add3A_55 = arith.constant 96 : i32
    %add3A_56 = arith.addi %add3A, %add3A_55 : i32
    %lt3A_57 = arith.constant 163 : i32
    %lt3A_58 = arith.cmpi slt, %add3A_56, %lt3A_57 : i32
    %convert_element_type3A_59 = arith.extui %lt3A_58 : i1 to i32
    %cond3A_60 = arith.constant 0 : i32
    %cond3A_61 = arith.cmpi ne, %convert_element_type3A_59, %cond3A_60 : i32
    scf.if %cond3A_61 {
      %add3A_101 = arith.constant 96 : i32
      %add3A_102 = arith.addi %add3A, %add3A_101 : i32
      %mul3A_103 = arith.constant 128 : i32
      %mul3A_104 = arith.muli %add3A_102, %mul3A_103 : i32
      %dma_wait3A = arith.constant 0 : i32
      %dma_wait3A_105 = arith.constant 0 : i32
      %dma_wait3A_106 = tpu.memref_slice %arg2[%mul3A_104, %dma_wait3A, %dma_wait3A_105] : memref<20972x2x128xi32, #tpu.memory_space<hbm>> -> memref<128x2x128xi32, #tpu.memory_space<hbm>>
      %dma_wait3A_107 = arith.constant 0 : i32
      %dma_wait3A_108 = arith.constant 0 : i32
      %dma_wait3A_109 = tpu.memref_slice %arg2[%mul3A_104, %dma_wait3A_107, %dma_wait3A_108] : memref<20972x2x128xi32, #tpu.memory_space<hbm>> -> memref<128x2x128xi32, #tpu.memory_space<hbm>>
      tpu.wait_dma2 semaphore(%arg7 : memref<!tpu.dma_semaphore, #tpu.memory_space<semaphore_mem>>) src(%dma_wait3A_109 : memref<128x2x128xi32, #tpu.memory_space<hbm>>) dst(%arg5 : memref<128x2x128xi32, #tpu.memory_space<vmem>>)
      %parallel_loop3A = arith.constant 0 : i32
      %parallel_loop3A_110 = arith.constant 128 : i32
      %parallel_loop3A_111 = arith.constant 1 : i32
      scf.for %parallel_loop3A_121 = %parallel_loop3A to %parallel_loop3A_110 step %parallel_loop3A_111  : i32 {
        %parallel_loop3A_122 = arith.constant 0 : i32
        %parallel_loop3A_123 = arith.index_cast %parallel_loop3A_121 : i32 to index
        %parallel_loop3A_124 = arith.index_cast %parallel_loop3A_122 : i32 to index
        %parallel_loop3A_125 = arith.constant 0 : index
        %parallel_loop3A_126 = tpu.vector_load %arg5[%parallel_loop3A_123, %parallel_loop3A_124, %parallel_loop3A_125] {strides = array<i32>} : memref<128x2x128xi32, #tpu.memory_space<vmem>>, vector<1x1x16xi32>,
        %parallel_loop3A_127 = vector.shape_cast %parallel_loop3A_126 : vector<1x1x16xi32> to vector<16xi32>
        %parallel_loop3A_128 = arith.addi %parallel_loop3A_127, %broadcast_in_dim3A_1 : vector<16xi32>
        %parallel_loop3A_129 = arith.constant 0 : i32
        %parallel_loop3A_130 = arith.index_cast %parallel_loop3A_121 : i32 to index
        %parallel_loop3A_131 = arith.index_cast %parallel_loop3A_129 : i32 to index
        %parallel_loop3A_132 = arith.constant 0 : index
        %parallel_loop3A_133 = tpu.vector_load %arg5[%parallel_loop3A_130, %parallel_loop3A_131, %parallel_loop3A_132] {strides = array<i32>} : memref<128x2x128xi32, #tpu.memory_space<vmem>>, vector<1x1x16xi32>,
        %parallel_loop3A_134 = vector.shape_cast %parallel_loop3A_133 : vector<1x1x16xi32> to vector<16xi32>
        %parallel_loop3A_135 = vector.shape_cast %parallel_loop3A_128 : vector<16xi32> to vector<1x1x16xi32>
        tpu.vector_store %arg5[%parallel_loop3A_130, %parallel_loop3A_131, %parallel_loop3A_132], %parallel_loop3A_135 {strides = array<i32>} : memref<128x2x128xi32, #tpu.memory_space<vmem>>, vector<1x1x16xi32>,
        %parallel_loop3A_136 = arith.constant 0 : i32
        %parallel_loop3A_137 = arith.index_cast %parallel_loop3A_121 : i32 to index
        %parallel_loop3A_138 = arith.index_cast %parallel_loop3A_136 : i32 to index
        %parallel_loop3A_139 = arith.constant 16 : index
        %parallel_loop3A_140 = tpu.vector_load %arg5[%parallel_loop3A_137, %parallel_loop3A_138, %parallel_loop3A_139] {strides = array<i32>} : memref<128x2x128xi32, #tpu.memory_space<vmem>>, vector<1x1x16xi32>,
        %parallel_loop3A_141 = vector.shape_cast %parallel_loop3A_140 : vector<1x1x16xi32> to vector<16xi32>
        %parallel_loop3A_142 = arith.addi %parallel_loop3A_141, %broadcast_in_dim3A_1 : vector<16xi32>
        %parallel_loop3A_143 = arith.constant 0 : i32
        %parallel_loop3A_144 = arith.index_cast %parallel_loop3A_121 : i32 to index
        %parallel_loop3A_145 = arith.index_cast %parallel_loop3A_143 : i32 to index
        %parallel_loop3A_146 = arith.constant 16 : index
        %parallel_loop3A_147 = tpu.vector_load %arg5[%parallel_loop3A_144, %parallel_loop3A_145, %parallel_loop3A_146] {strides = array<i32>} : memref<128x2x128xi32, #tpu.memory_space<vmem>>, vector<1x1x16xi32>,
        %parallel_loop3A_148 = vector.shape_cast %parallel_loop3A_147 : vector<1x1x16xi32> to vector<16xi32>
        %parallel_loop3A_149 = vector.shape_cast %parallel_loop3A_142 : vector<16xi32> to vector<1x1x16xi32>
        tpu.vector_store %arg5[%parallel_loop3A_144, %parallel_loop3A_145, %parallel_loop3A_146], %parallel_loop3A_149 {strides = array<i32>} : memref<128x2x128xi32, #tpu.memory_space<vmem>>, vector<1x1x16xi32>,
        %parallel_loop3A_150 = arith.constant 0 : i32
        %parallel_loop3A_151 = arith.index_cast %parallel_loop3A_121 : i32 to index
        %parallel_loop3A_152 = arith.index_cast %parallel_loop3A_150 : i32 to index
        %parallel_loop3A_153 = arith.constant 32 : index
        %parallel_loop3A_154 = tpu.vector_load %arg5[%parallel_loop3A_151, %parallel_loop3A_152, %parallel_loop3A_153] {strides = array<i32>} : memref<128x2x128xi32, #tpu.memory_space<vmem>>, vector<1x1x16xi32>,
        %parallel_loop3A_155 = vector.shape_cast %parallel_loop3A_154 : vector<1x1x16xi32> to vector<16xi32>
        %parallel_loop3A_156 = arith.addi %parallel_loop3A_155, %broadcast_in_dim3A_1 : vector<16xi32>
        %parallel_loop3A_157 = arith.constant 0 : i32
        %parallel_loop3A_158 = arith.index_cast %parallel_loop3A_121 : i32 to index
        %parallel_loop3A_159 = arith.index_cast %parallel_loop3A_157 : i32 to index
        %parallel_loop3A_160 = arith.constant 32 : index
        %parallel_loop3A_161 = tpu.vector_load %arg5[%parallel_loop3A_158, %parallel_loop3A_159, %parallel_loop3A_160] {strides = array<i32>} : memref<128x2x128xi32, #tpu.memory_space<vmem>>, vector<1x1x16xi32>,
        %parallel_loop3A_162 = vector.shape_cast %parallel_loop3A_161 : vector<1x1x16xi32> to vector<16xi32>
        %parallel_loop3A_163 = vector.shape_cast %parallel_loop3A_156 : vector<16xi32> to vector<1x1x16xi32>
        tpu.vector_store %arg5[%parallel_loop3A_158, %parallel_loop3A_159, %parallel_loop3A_160], %parallel_loop3A_163 {strides = array<i32>} : memref<128x2x128xi32, #tpu.memory_space<vmem>>, vector<1x1x16xi32>,
        %parallel_loop3A_164 = arith.constant 0 : i32
        %parallel_loop3A_165 = arith.index_cast %parallel_loop3A_121 : i32 to index
        %parallel_loop3A_166 = arith.index_cast %parallel_loop3A_164 : i32 to index
        %parallel_loop3A_167 = arith.constant 48 : index
        %parallel_loop3A_168 = tpu.vector_load %arg5[%parallel_loop3A_165, %parallel_loop3A_166, %parallel_loop3A_167] {strides = array<i32>} : memref<128x2x128xi32, #tpu.memory_space<vmem>>, vector<1x1x16xi32>,
        %parallel_loop3A_169 = vector.shape_cast %parallel_loop3A_168 : vector<1x1x16xi32> to vector<16xi32>
        %parallel_loop3A_170 = arith.addi %parallel_loop3A_169, %broadcast_in_dim3A_1 : vector<16xi32>
        %parallel_loop3A_171 = arith.constant 0 : i32
        %parallel_loop3A_172 = arith.index_cast %parallel_loop3A_121 : i32 to index
        %parallel_loop3A_173 = arith.index_cast %parallel_loop3A_171 : i32 to index
        %parallel_loop3A_174 = arith.constant 48 : index
        %parallel_loop3A_175 = tpu.vector_load %arg5[%parallel_loop3A_172, %parallel_loop3A_173, %parallel_loop3A_174] {strides = array<i32>} : memref<128x2x128xi32, #tpu.memory_space<vmem>>, vector<1x1x16xi32>,
        %parallel_loop3A_176 = vector.shape_cast %parallel_loop3A_175 : vector<1x1x16xi32> to vector<16xi32>
        %parallel_loop3A_177 = vector.shape_cast %parallel_loop3A_170 : vector<16xi32> to vector<1x1x16xi32>
        tpu.vector_store %arg5[%parallel_loop3A_172, %parallel_loop3A_173, %parallel_loop3A_174], %parallel_loop3A_177 {strides = array<i32>} : memref<128x2x128xi32, #tpu.memory_space<vmem>>, vector<1x1x16xi32>,
        %parallel_loop3A_178 = arith.constant 0 : i32
        %parallel_loop3A_179 = arith.index_cast %parallel_loop3A_121 : i32 to index
        %parallel_loop3A_180 = arith.index_cast %parallel_loop3A_178 : i32 to index
        %parallel_loop3A_181 = arith.constant 64 : index
        %parallel_loop3A_182 = tpu.vector_load %arg5[%parallel_loop3A_179, %parallel_loop3A_180, %parallel_loop3A_181] {strides = array<i32>} : memref<128x2x128xi32, #tpu.memory_space<vmem>>, vector<1x1x16xi32>,
        %parallel_loop3A_183 = vector.shape_cast %parallel_loop3A_182 : vector<1x1x16xi32> to vector<16xi32>
        %parallel_loop3A_184 = arith.addi %parallel_loop3A_183, %broadcast_in_dim3A_1 : vector<16xi32>
        %parallel_loop3A_185 = arith.constant 0 : i32
        %parallel_loop3A_186 = arith.index_cast %parallel_loop3A_121 : i32 to index
        %parallel_loop3A_187 = arith.index_cast %parallel_loop3A_185 : i32 to index
        %parallel_loop3A_188 = arith.constant 64 : index
        %parallel_loop3A_189 = tpu.vector_load %arg5[%parallel_loop3A_186, %parallel_loop3A_187, %parallel_loop3A_188] {strides = array<i32>} : memref<128x2x128xi32, #tpu.memory_space<vmem>>, vector<1x1x16xi32>,
        %parallel_loop3A_190 = vector.shape_cast %parallel_loop3A_189 : vector<1x1x16xi32> to vector<16xi32>
        %parallel_loop3A_191 = vector.shape_cast %parallel_loop3A_184 : vector<16xi32> to vector<1x1x16xi32>
        tpu.vector_store %arg5[%parallel_loop3A_186, %parallel_loop3A_187, %parallel_loop3A_188], %parallel_loop3A_191 {strides = array<i32>} : memref<128x2x128xi32, #tpu.memory_space<vmem>>, vector<1x1x16xi32>,
        %parallel_loop3A_192 = arith.constant 0 : i32
        %parallel_loop3A_193 = arith.index_cast %parallel_loop3A_121 : i32 to index
        %parallel_loop3A_194 = arith.index_cast %parallel_loop3A_192 : i32 to index
        %parallel_loop3A_195 = arith.constant 80 : index
        %parallel_loop3A_196 = tpu.vector_load %arg5[%parallel_loop3A_193, %parallel_loop3A_194, %parallel_loop3A_195] {strides = array<i32>} : memref<128x2x128xi32, #tpu.memory_space<vmem>>, vector<1x1x16xi32>,
        %parallel_loop3A_197 = vector.shape_cast %parallel_loop3A_196 : vector<1x1x16xi32> to vector<16xi32>
        %parallel_loop3A_198 = arith.addi %parallel_loop3A_197, %broadcast_in_dim3A_1 : vector<16xi32>
        %parallel_loop3A_199 = arith.constant 0 : i32
        %parallel_loop3A_200 = arith.index_cast %parallel_loop3A_121 : i32 to index
        %parallel_loop3A_201 = arith.index_cast %parallel_loop3A_199 : i32 to index
        %parallel_loop3A_202 = arith.constant 80 : index
        %parallel_loop3A_203 = tpu.vector_load %arg5[%parallel_loop3A_200, %parallel_loop3A_201, %parallel_loop3A_202] {strides = array<i32>} : memref<128x2x128xi32, #tpu.memory_space<vmem>>, vector<1x1x16xi32>,
        %parallel_loop3A_204 = vector.shape_cast %parallel_loop3A_203 : vector<1x1x16xi32> to vector<16xi32>
        %parallel_loop3A_205 = vector.shape_cast %parallel_loop3A_198 : vector<16xi32> to vector<1x1x16xi32>
        tpu.vector_store %arg5[%parallel_loop3A_200, %parallel_loop3A_201, %parallel_loop3A_202], %parallel_loop3A_205 {strides = array<i32>} : memref<128x2x128xi32, #tpu.memory_space<vmem>>, vector<1x1x16xi32>,
        %parallel_loop3A_206 = arith.constant 0 : i32
        %parallel_loop3A_207 = arith.index_cast %parallel_loop3A_121 : i32 to index
        %parallel_loop3A_208 = arith.index_cast %parallel_loop3A_206 : i32 to index
        %parallel_loop3A_209 = arith.constant 96 : index
        %parallel_loop3A_210 = tpu.vector_load %arg5[%parallel_loop3A_207, %parallel_loop3A_208, %parallel_loop3A_209] {strides = array<i32>} : memref<128x2x128xi32, #tpu.memory_space<vmem>>, vector<1x1x16xi32>,
        %parallel_loop3A_211 = vector.shape_cast %parallel_loop3A_210 : vector<1x1x16xi32> to vector<16xi32>
        %parallel_loop3A_212 = arith.addi %parallel_loop3A_211, %broadcast_in_dim3A_1 : vector<16xi32>
        %parallel_loop3A_213 = arith.constant 0 : i32
        %parallel_loop3A_214 = arith.index_cast %parallel_loop3A_121 : i32 to index
        %parallel_loop3A_215 = arith.index_cast %parallel_loop3A_213 : i32 to index
        %parallel_loop3A_216 = arith.constant 96 : index
        %parallel_loop3A_217 = tpu.vector_load %arg5[%parallel_loop3A_214, %parallel_loop3A_215, %parallel_loop3A_216] {strides = array<i32>} : memref<128x2x128xi32, #tpu.memory_space<vmem>>, vector<1x1x16xi32>,
        %parallel_loop3A_218 = vector.shape_cast %parallel_loop3A_217 : vector<1x1x16xi32> to vector<16xi32>
        %parallel_loop3A_219 = vector.shape_cast %parallel_loop3A_212 : vector<16xi32> to vector<1x1x16xi32>
        tpu.vector_store %arg5[%parallel_loop3A_214, %parallel_loop3A_215, %parallel_loop3A_216], %parallel_loop3A_219 {strides = array<i32>} : memref<128x2x128xi32, #tpu.memory_space<vmem>>, vector<1x1x16xi32>,
        %parallel_loop3A_220 = arith.constant 0 : i32
        %parallel_loop3A_221 = arith.index_cast %parallel_loop3A_121 : i32 to index
        %parallel_loop3A_222 = arith.index_cast %parallel_loop3A_220 : i32 to index
        %parallel_loop3A_223 = arith.constant 112 : index
        %parallel_loop3A_224 = tpu.vector_load %arg5[%parallel_loop3A_221, %parallel_loop3A_222, %parallel_loop3A_223] {strides = array<i32>} : memref<128x2x128xi32, #tpu.memory_space<vmem>>, vector<1x1x16xi32>,
        %parallel_loop3A_225 = vector.shape_cast %parallel_loop3A_224 : vector<1x1x16xi32> to vector<16xi32>
        %parallel_loop3A_226 = arith.addi %parallel_loop3A_225, %broadcast_in_dim3A_1 : vector<16xi32>
        %parallel_loop3A_227 = arith.constant 0 : i32
        %parallel_loop3A_228 = arith.index_cast %parallel_loop3A_121 : i32 to index
        %parallel_loop3A_229 = arith.index_cast %parallel_loop3A_227 : i32 to index
        %parallel_loop3A_230 = arith.constant 112 : index
        %parallel_loop3A_231 = tpu.vector_load %arg5[%parallel_loop3A_228, %parallel_loop3A_229, %parallel_loop3A_230] {strides = array<i32>} : memref<128x2x128xi32, #tpu.memory_space<vmem>>, vector<1x1x16xi32>,
        %parallel_loop3A_232 = vector.shape_cast %parallel_loop3A_231 : vector<1x1x16xi32> to vector<16xi32>
        %parallel_loop3A_233 = vector.shape_cast %parallel_loop3A_226 : vector<16xi32> to vector<1x1x16xi32>
        tpu.vector_store %arg5[%parallel_loop3A_228, %parallel_loop3A_229, %parallel_loop3A_230], %parallel_loop3A_233 {strides = array<i32>} : memref<128x2x128xi32, #tpu.memory_space<vmem>>, vector<1x1x16xi32>,
        %parallel_loop3A_234 = arith.constant 1 : i32
        %parallel_loop3A_235 = arith.index_cast %parallel_loop3A_121 : i32 to index
        %parallel_loop3A_236 = arith.index_cast %parallel_loop3A_234 : i32 to index
        %parallel_loop3A_237 = arith.constant 0 : index
        %parallel_loop3A_238 = tpu.vector_load %arg5[%parallel_loop3A_235, %parallel_loop3A_236, %parallel_loop3A_237] {strides = array<i32>} : memref<128x2x128xi32, #tpu.memory_space<vmem>>, vector<1x1x16xi32>,
        %parallel_loop3A_239 = vector.shape_cast %parallel_loop3A_238 : vector<1x1x16xi32> to vector<16xi32>
        %parallel_loop3A_240 = arith.addi %parallel_loop3A_239, %broadcast_in_dim3A_1 : vector<16xi32>
        %parallel_loop3A_241 = arith.constant 1 : i32
        %parallel_loop3A_242 = arith.index_cast %parallel_loop3A_121 : i32 to index
        %parallel_loop3A_243 = arith.index_cast %parallel_loop3A_241 : i32 to index
        %parallel_loop3A_244 = arith.constant 0 : index
        %parallel_loop3A_245 = tpu.vector_load %arg5[%parallel_loop3A_242, %parallel_loop3A_243, %parallel_loop3A_244] {strides = array<i32>} : memref<128x2x128xi32, #tpu.memory_space<vmem>>, vector<1x1x16xi32>,
        %parallel_loop3A_246 = vector.shape_cast %parallel_loop3A_245 : vector<1x1x16xi32> to vector<16xi32>
        %parallel_loop3A_247 = vector.shape_cast %parallel_loop3A_240 : vector<16xi32> to vector<1x1x16xi32>
        tpu.vector_store %arg5[%parallel_loop3A_242, %parallel_loop3A_243, %parallel_loop3A_244], %parallel_loop3A_247 {strides = array<i32>} : memref<128x2x128xi32, #tpu.memory_space<vmem>>, vector<1x1x16xi32>,
        %parallel_loop3A_248 = arith.constant 1 : i32
        %parallel_loop3A_249 = arith.index_cast %parallel_loop3A_121 : i32 to index
        %parallel_loop3A_250 = arith.index_cast %parallel_loop3A_248 : i32 to index
        %parallel_loop3A_251 = arith.constant 16 : index
        %parallel_loop3A_252 = tpu.vector_load %arg5[%parallel_loop3A_249, %parallel_loop3A_250, %parallel_loop3A_251] {strides = array<i32>} : memref<128x2x128xi32, #tpu.memory_space<vmem>>, vector<1x1x16xi32>,
        %parallel_loop3A_253 = vector.shape_cast %parallel_loop3A_252 : vector<1x1x16xi32> to vector<16xi32>
        %parallel_loop3A_254 = arith.addi %parallel_loop3A_253, %broadcast_in_dim3A_1 : vector<16xi32>
        %parallel_loop3A_255 = arith.constant 1 : i32
        %parallel_loop3A_256 = arith.index_cast %parallel_loop3A_121 : i32 to index
        %parallel_loop3A_257 = arith.index_cast %parallel_loop3A_255 : i32 to index
        %parallel_loop3A_258 = arith.constant 16 : index
        %parallel_loop3A_259 = tpu.vector_load %arg5[%parallel_loop3A_256, %parallel_loop3A_257, %parallel_loop3A_258] {strides = array<i32>} : memref<128x2x128xi32, #tpu.memory_space<vmem>>, vector<1x1x16xi32>,
        %parallel_loop3A_260 = vector.shape_cast %parallel_loop3A_259 : vector<1x1x16xi32> to vector<16xi32>
        %parallel_loop3A_261 = vector.shape_cast %parallel_loop3A_254 : vector<16xi32> to vector<1x1x16xi32>
        tpu.vector_store %arg5[%parallel_loop3A_256, %parallel_loop3A_257, %parallel_loop3A_258], %parallel_loop3A_261 {strides = array<i32>} : memref<128x2x128xi32, #tpu.memory_space<vmem>>, vector<1x1x16xi32>,
        %parallel_loop3A_262 = arith.constant 1 : i32
        %parallel_loop3A_263 = arith.index_cast %parallel_loop3A_121 : i32 to index
        %parallel_loop3A_264 = arith.index_cast %parallel_loop3A_262 : i32 to index
        %parallel_loop3A_265 = arith.constant 32 : index
        %parallel_loop3A_266 = tpu.vector_load %arg5[%parallel_loop3A_263, %parallel_loop3A_264, %parallel_loop3A_265] {strides = array<i32>} : memref<128x2x128xi32, #tpu.memory_space<vmem>>, vector<1x1x16xi32>,
        %parallel_loop3A_267 = vector.shape_cast %parallel_loop3A_266 : vector<1x1x16xi32> to vector<16xi32>
        %parallel_loop3A_268 = arith.addi %parallel_loop3A_267, %broadcast_in_dim3A_1 : vector<16xi32>
        %parallel_loop3A_269 = arith.constant 1 : i32
        %parallel_loop3A_270 = arith.index_cast %parallel_loop3A_121 : i32 to index
        %parallel_loop3A_271 = arith.index_cast %parallel_loop3A_269 : i32 to index
        %parallel_loop3A_272 = arith.constant 32 : index
        %parallel_loop3A_273 = tpu.vector_load %arg5[%parallel_loop3A_270, %parallel_loop3A_271, %parallel_loop3A_272] {strides = array<i32>} : memref<128x2x128xi32, #tpu.memory_space<vmem>>, vector<1x1x16xi32>,
        %parallel_loop3A_274 = vector.shape_cast %parallel_loop3A_273 : vector<1x1x16xi32> to vector<16xi32>
        %parallel_loop3A_275 = vector.shape_cast %parallel_loop3A_268 : vector<16xi32> to vector<1x1x16xi32>
        tpu.vector_store %arg5[%parallel_loop3A_270, %parallel_loop3A_271, %parallel_loop3A_272], %parallel_loop3A_275 {strides = array<i32>} : memref<128x2x128xi32, #tpu.memory_space<vmem>>, vector<1x1x16xi32>,
        %parallel_loop3A_276 = arith.constant 1 : i32
        %parallel_loop3A_277 = arith.index_cast %parallel_loop3A_121 : i32 to index
        %parallel_loop3A_278 = arith.index_cast %parallel_loop3A_276 : i32 to index
        %parallel_loop3A_279 = arith.constant 48 : index
        %parallel_loop3A_280 = tpu.vector_load %arg5[%parallel_loop3A_277, %parallel_loop3A_278, %parallel_loop3A_279] {strides = array<i32>} : memref<128x2x128xi32, #tpu.memory_space<vmem>>, vector<1x1x16xi32>,
        %parallel_loop3A_281 = vector.shape_cast %parallel_loop3A_280 : vector<1x1x16xi32> to vector<16xi32>
        %parallel_loop3A_282 = arith.addi %parallel_loop3A_281, %broadcast_in_dim3A_1 : vector<16xi32>
        %parallel_loop3A_283 = arith.constant 1 : i32
        %parallel_loop3A_284 = arith.index_cast %parallel_loop3A_121 : i32 to index
        %parallel_loop3A_285 = arith.index_cast %parallel_loop3A_283 : i32 to index
        %parallel_loop3A_286 = arith.constant 48 : index
        %parallel_loop3A_287 = tpu.vector_load %arg5[%parallel_loop3A_284, %parallel_loop3A_285, %parallel_loop3A_286] {strides = array<i32>} : memref<128x2x128xi32, #tpu.memory_space<vmem>>, vector<1x1x16xi32>,
        %parallel_loop3A_288 = vector.shape_cast %parallel_loop3A_287 : vector<1x1x16xi32> to vector<16xi32>
        %parallel_loop3A_289 = vector.shape_cast %parallel_loop3A_282 : vector<16xi32> to vector<1x1x16xi32>
        tpu.vector_store %arg5[%parallel_loop3A_284, %parallel_loop3A_285, %parallel_loop3A_286], %parallel_loop3A_289 {strides = array<i32>} : memref<128x2x128xi32, #tpu.memory_space<vmem>>, vector<1x1x16xi32>,
        %parallel_loop3A_290 = arith.constant 1 : i32
        %parallel_loop3A_291 = arith.index_cast %parallel_loop3A_121 : i32 to index
        %parallel_loop3A_292 = arith.index_cast %parallel_loop3A_290 : i32 to index
        %parallel_loop3A_293 = arith.constant 64 : index
        %parallel_loop3A_294 = tpu.vector_load %arg5[%parallel_loop3A_291, %parallel_loop3A_292, %parallel_loop3A_293] {strides = array<i32>} : memref<128x2x128xi32, #tpu.memory_space<vmem>>, vector<1x1x16xi32>,
        %parallel_loop3A_295 = vector.shape_cast %parallel_loop3A_294 : vector<1x1x16xi32> to vector<16xi32>
        %parallel_loop3A_296 = arith.addi %parallel_loop3A_295, %broadcast_in_dim3A_1 : vector<16xi32>
        %parallel_loop3A_297 = arith.constant 1 : i32
        %parallel_loop3A_298 = arith.index_cast %parallel_loop3A_121 : i32 to index
        %parallel_loop3A_299 = arith.index_cast %parallel_loop3A_297 : i32 to index
        %parallel_loop3A_300 = arith.constant 64 : index
        %parallel_loop3A_301 = tpu.vector_load %arg5[%parallel_loop3A_298, %parallel_loop3A_299, %parallel_loop3A_300] {strides = array<i32>} : memref<128x2x128xi32, #tpu.memory_space<vmem>>, vector<1x1x16xi32>,
        %parallel_loop3A_302 = vector.shape_cast %parallel_loop3A_301 : vector<1x1x16xi32> to vector<16xi32>
        %parallel_loop3A_303 = vector.shape_cast %parallel_loop3A_296 : vector<16xi32> to vector<1x1x16xi32>
        tpu.vector_store %arg5[%parallel_loop3A_298, %parallel_loop3A_299, %parallel_loop3A_300], %parallel_loop3A_303 {strides = array<i32>} : memref<128x2x128xi32, #tpu.memory_space<vmem>>, vector<1x1x16xi32>,
        %parallel_loop3A_304 = arith.constant 1 : i32
        %parallel_loop3A_305 = arith.index_cast %parallel_loop3A_121 : i32 to index
        %parallel_loop3A_306 = arith.index_cast %parallel_loop3A_304 : i32 to index
        %parallel_loop3A_307 = arith.constant 80 : index
        %parallel_loop3A_308 = tpu.vector_load %arg5[%parallel_loop3A_305, %parallel_loop3A_306, %parallel_loop3A_307] {strides = array<i32>} : memref<128x2x128xi32, #tpu.memory_space<vmem>>, vector<1x1x16xi32>,
        %parallel_loop3A_309 = vector.shape_cast %parallel_loop3A_308 : vector<1x1x16xi32> to vector<16xi32>
        %parallel_loop3A_310 = arith.addi %parallel_loop3A_309, %broadcast_in_dim3A_1 : vector<16xi32>
        %parallel_loop3A_311 = arith.constant 1 : i32
        %parallel_loop3A_312 = arith.index_cast %parallel_loop3A_121 : i32 to index
        %parallel_loop3A_313 = arith.index_cast %parallel_loop3A_311 : i32 to index
        %parallel_loop3A_314 = arith.constant 80 : index
        %parallel_loop3A_315 = tpu.vector_load %arg5[%parallel_loop3A_312, %parallel_loop3A_313, %parallel_loop3A_314] {strides = array<i32>} : memref<128x2x128xi32, #tpu.memory_space<vmem>>, vector<1x1x16xi32>,
        %parallel_loop3A_316 = vector.shape_cast %parallel_loop3A_315 : vector<1x1x16xi32> to vector<16xi32>
        %parallel_loop3A_317 = vector.shape_cast %parallel_loop3A_310 : vector<16xi32> to vector<1x1x16xi32>
        tpu.vector_store %arg5[%parallel_loop3A_312, %parallel_loop3A_313, %parallel_loop3A_314], %parallel_loop3A_317 {strides = array<i32>} : memref<128x2x128xi32, #tpu.memory_space<vmem>>, vector<1x1x16xi32>,
        %parallel_loop3A_318 = arith.constant 1 : i32
        %parallel_loop3A_319 = arith.index_cast %parallel_loop3A_121 : i32 to index
        %parallel_loop3A_320 = arith.index_cast %parallel_loop3A_318 : i32 to index
        %parallel_loop3A_321 = arith.constant 96 : index
        %parallel_loop3A_322 = tpu.vector_load %arg5[%parallel_loop3A_319, %parallel_loop3A_320, %parallel_loop3A_321] {strides = array<i32>} : memref<128x2x128xi32, #tpu.memory_space<vmem>>, vector<1x1x16xi32>,
        %parallel_loop3A_323 = vector.shape_cast %parallel_loop3A_322 : vector<1x1x16xi32> to vector<16xi32>
        %parallel_loop3A_324 = arith.addi %parallel_loop3A_323, %broadcast_in_dim3A_1 : vector<16xi32>
        %parallel_loop3A_325 = arith.constant 1 : i32
        %parallel_loop3A_326 = arith.index_cast %parallel_loop3A_121 : i32 to index
        %parallel_loop3A_327 = arith.index_cast %parallel_loop3A_325 : i32 to index
        %parallel_loop3A_328 = arith.constant 96 : index
        %parallel_loop3A_329 = tpu.vector_load %arg5[%parallel_loop3A_326, %parallel_loop3A_327, %parallel_loop3A_328] {strides = array<i32>} : memref<128x2x128xi32, #tpu.memory_space<vmem>>, vector<1x1x16xi32>,
        %parallel_loop3A_330 = vector.shape_cast %parallel_loop3A_329 : vector<1x1x16xi32> to vector<16xi32>
        %parallel_loop3A_331 = vector.shape_cast %parallel_loop3A_324 : vector<16xi32> to vector<1x1x16xi32>
        tpu.vector_store %arg5[%parallel_loop3A_326, %parallel_loop3A_327, %parallel_loop3A_328], %parallel_loop3A_331 {strides = array<i32>} : memref<128x2x128xi32, #tpu.memory_space<vmem>>, vector<1x1x16xi32>,
        %parallel_loop3A_332 = arith.constant 1 : i32
        %parallel_loop3A_333 = arith.index_cast %parallel_loop3A_121 : i32 to index
        %parallel_loop3A_334 = arith.index_cast %parallel_loop3A_332 : i32 to index
        %parallel_loop3A_335 = arith.constant 112 : index
        %parallel_loop3A_336 = tpu.vector_load %arg5[%parallel_loop3A_333, %parallel_loop3A_334, %parallel_loop3A_335] {strides = array<i32>} : memref<128x2x128xi32, #tpu.memory_space<vmem>>, vector<1x1x16xi32>,
        %parallel_loop3A_337 = vector.shape_cast %parallel_loop3A_336 : vector<1x1x16xi32> to vector<16xi32>
        %parallel_loop3A_338 = arith.addi %parallel_loop3A_337, %broadcast_in_dim3A_1 : vector<16xi32>
        %parallel_loop3A_339 = arith.constant 1 : i32
        %parallel_loop3A_340 = arith.index_cast %parallel_loop3A_121 : i32 to index
        %parallel_loop3A_341 = arith.index_cast %parallel_loop3A_339 : i32 to index
        %parallel_loop3A_342 = arith.constant 112 : index
        %parallel_loop3A_343 = tpu.vector_load %arg5[%parallel_loop3A_340, %parallel_loop3A_341, %parallel_loop3A_342] {strides = array<i32>} : memref<128x2x128xi32, #tpu.memory_space<vmem>>, vector<1x1x16xi32>,
        %parallel_loop3A_344 = vector.shape_cast %parallel_loop3A_343 : vector<1x1x16xi32> to vector<16xi32>
        %parallel_loop3A_345 = vector.shape_cast %parallel_loop3A_338 : vector<16xi32> to vector<1x1x16xi32>
        tpu.vector_store %arg5[%parallel_loop3A_340, %parallel_loop3A_341, %parallel_loop3A_342], %parallel_loop3A_345 {strides = array<i32>} : memref<128x2x128xi32, #tpu.memory_space<vmem>>, vector<1x1x16xi32>,
      } {sc.loop_unroll_factor = 2 : i64, sc.parallel_access}
      %add3A_112 = arith.constant 96 : i32
      %add3A_113 = arith.addi %add3A, %add3A_112 : i32
      %mul3A_114 = arith.constant 128 : i32
      %mul3A_115 = arith.muli %add3A_113, %mul3A_114 : i32
      %dma_start3A = arith.constant 0 : i32
      %dma_start3A_116 = arith.constant 0 : i32
      %dma_start3A_117 = tpu.memref_slice %arg3[%mul3A_115, %dma_start3A, %dma_start3A_116] : memref<20972x2x128xi32, #tpu.memory_space<hbm>> -> memref<128x2x128xi32, #tpu.memory_space<hbm>>
      %dma_start3A_118 = arith.constant 0 : i32
      %dma_start3A_119 = arith.constant 0 : i32
      %dma_start3A_120 = tpu.memref_slice %arg3[%mul3A_115, %dma_start3A_118, %dma_start3A_119] : memref<20972x2x128xi32, #tpu.memory_space<hbm>> -> memref<128x2x128xi32, #tpu.memory_space<hbm>>
      tpu.enqueue_dma source(%arg5 : memref<128x2x128xi32, #tpu.memory_space<vmem>>) target(%dma_start3A_120 : memref<128x2x128xi32, #tpu.memory_space<hbm>>) target_semaphore(%arg9 : memref<!tpu.dma_semaphore, #tpu.memory_space<semaphore_mem>>)
    } else {
    }
    %add3A_62 = arith.constant 160 : i32
    %add3A_63 = arith.addi %add3A, %add3A_62 : i32
    %lt3A_64 = arith.constant 163 : i32
    %lt3A_65 = arith.cmpi slt, %add3A_63, %lt3A_64 : i32
    %convert_element_type3A_66 = arith.extui %lt3A_65 : i1 to i32
    %cond3A_67 = arith.constant 0 : i32
    %cond3A_68 = arith.cmpi ne, %convert_element_type3A_66, %cond3A_67 : i32
    scf.if %cond3A_68 {
      %add3A_101 = arith.constant 96 : i32
      %add3A_102 = arith.addi %add3A, %add3A_101 : i32
      %mul3A_103 = arith.constant 128 : i32
      %mul3A_104 = arith.muli %add3A_102, %mul3A_103 : i32
      %dma_wait3A = arith.constant 0 : i32
      %dma_wait3A_105 = arith.constant 0 : i32
      %dma_wait3A_106 = tpu.memref_slice %arg3[%mul3A_104, %dma_wait3A, %dma_wait3A_105] : memref<20972x2x128xi32, #tpu.memory_space<hbm>> -> memref<128x2x128xi32, #tpu.memory_space<hbm>>
      %dma_wait3A_107 = arith.constant 0 : i32
      %dma_wait3A_108 = arith.constant 0 : i32
      %dma_wait3A_109 = tpu.memref_slice %arg3[%mul3A_104, %dma_wait3A_107, %dma_wait3A_108] : memref<20972x2x128xi32, #tpu.memory_space<hbm>> -> memref<128x2x128xi32, #tpu.memory_space<hbm>>
      tpu.wait_dma2 semaphore(%arg9 : memref<!tpu.dma_semaphore, #tpu.memory_space<semaphore_mem>>) src(%arg5 : memref<128x2x128xi32, #tpu.memory_space<vmem>>) dst(%dma_wait3A_109 : memref<128x2x128xi32, #tpu.memory_space<hbm>>)
      %add3A_110 = arith.constant 160 : i32
      %add3A_111 = arith.addi %add3A, %add3A_110 : i32
      %mul3A_112 = arith.constant 128 : i32
      %mul3A_113 = arith.muli %add3A_111, %mul3A_112 : i32
      %dma_start3A = arith.constant 0 : i32
      %dma_start3A_114 = arith.constant 0 : i32
      %dma_start3A_115 = tpu.memref_slice %arg2[%mul3A_113, %dma_start3A, %dma_start3A_114] : memref<20972x2x128xi32, #tpu.memory_space<hbm>> -> memref<128x2x128xi32, #tpu.memory_space<hbm>>
      %dma_start3A_116 = arith.constant 0 : i32
      %dma_start3A_117 = arith.constant 0 : i32
      %dma_start3A_118 = tpu.memref_slice %arg2[%mul3A_113, %dma_start3A_116, %dma_start3A_117] : memref<20972x2x128xi32, #tpu.memory_space<hbm>> -> memref<128x2x128xi32, #tpu.memory_space<hbm>>
      tpu.enqueue_dma source(%dma_start3A_118 : memref<128x2x128xi32, #tpu.memory_space<hbm>>) target(%arg5 : memref<128x2x128xi32, #tpu.memory_space<vmem>>) target_semaphore(%arg7 : memref<!tpu.dma_semaphore, #tpu.memory_space<semaphore_mem>>)
    } else {
    }
    %add3A_69 = arith.constant 128 : i32
    %add3A_70 = arith.addi %add3A, %add3A_69 : i32
    %lt3A_71 = arith.constant 163 : i32
    %lt3A_72 = arith.cmpi slt, %add3A_70, %lt3A_71 : i32
    %convert_element_type3A_73 = arith.extui %lt3A_72 : i1 to i32
    %cond3A_74 = arith.constant 0 : i32
    %cond3A_75 = arith.cmpi ne, %convert_element_type3A_73, %cond3A_74 : i32
    scf.if %cond3A_75 {
      %add3A_101 = arith.constant 128 : i32
      %add3A_102 = arith.addi %add3A, %add3A_101 : i32
      %mul3A_103 = arith.constant 128 : i32
      %mul3A_104 = arith.muli %add3A_102, %mul3A_103 : i32
      %dma_wait3A = arith.constant 0 : i32
      %dma_wait3A_105 = arith.constant 0 : i32
      %dma_wait3A_106 = tpu.memref_slice %arg2[%mul3A_104, %dma_wait3A, %dma_wait3A_105] : memref<20972x2x128xi32, #tpu.memory_space<hbm>> -> memref<128x2x128xi32, #tpu.memory_space<hbm>>
      %dma_wait3A_107 = arith.constant 0 : i32
      %dma_wait3A_108 = arith.constant 0 : i32
      %dma_wait3A_109 = tpu.memref_slice %arg2[%mul3A_104, %dma_wait3A_107, %dma_wait3A_108] : memref<20972x2x128xi32, #tpu.memory_space<hbm>> -> memref<128x2x128xi32, #tpu.memory_space<hbm>>
      tpu.wait_dma2 semaphore(%arg6 : memref<!tpu.dma_semaphore, #tpu.memory_space<semaphore_mem>>) src(%dma_wait3A_109 : memref<128x2x128xi32, #tpu.memory_space<hbm>>) dst(%arg4 : memref<128x2x128xi32, #tpu.memory_space<vmem>>)
      %parallel_loop3A = arith.constant 0 : i32
      %parallel_loop3A_110 = arith.constant 128 : i32
      %parallel_loop3A_111 = arith.constant 1 : i32
      scf.for %parallel_loop3A_121 = %parallel_loop3A to %parallel_loop3A_110 step %parallel_loop3A_111  : i32 {
        %parallel_loop3A_122 = arith.constant 0 : i32
        %parallel_loop3A_123 = arith.index_cast %parallel_loop3A_121 : i32 to index
        %parallel_loop3A_124 = arith.index_cast %parallel_loop3A_122 : i32 to index
        %parallel_loop3A_125 = arith.constant 0 : index
        %parallel_loop3A_126 = tpu.vector_load %arg4[%parallel_loop3A_123, %parallel_loop3A_124, %parallel_loop3A_125] {strides = array<i32>} : memref<128x2x128xi32, #tpu.memory_space<vmem>>, vector<1x1x16xi32>,
        %parallel_loop3A_127 = vector.shape_cast %parallel_loop3A_126 : vector<1x1x16xi32> to vector<16xi32>
        %parallel_loop3A_128 = arith.addi %parallel_loop3A_127, %broadcast_in_dim3A_1 : vector<16xi32>
        %parallel_loop3A_129 = arith.constant 0 : i32
        %parallel_loop3A_130 = arith.index_cast %parallel_loop3A_121 : i32 to index
        %parallel_loop3A_131 = arith.index_cast %parallel_loop3A_129 : i32 to index
        %parallel_loop3A_132 = arith.constant 0 : index
        %parallel_loop3A_133 = tpu.vector_load %arg4[%parallel_loop3A_130, %parallel_loop3A_131, %parallel_loop3A_132] {strides = array<i32>} : memref<128x2x128xi32, #tpu.memory_space<vmem>>, vector<1x1x16xi32>,
        %parallel_loop3A_134 = vector.shape_cast %parallel_loop3A_133 : vector<1x1x16xi32> to vector<16xi32>
        %parallel_loop3A_135 = vector.shape_cast %parallel_loop3A_128 : vector<16xi32> to vector<1x1x16xi32>
        tpu.vector_store %arg4[%parallel_loop3A_130, %parallel_loop3A_131, %parallel_loop3A_132], %parallel_loop3A_135 {strides = array<i32>} : memref<128x2x128xi32, #tpu.memory_space<vmem>>, vector<1x1x16xi32>,
        %parallel_loop3A_136 = arith.constant 0 : i32
        %parallel_loop3A_137 = arith.index_cast %parallel_loop3A_121 : i32 to index
        %parallel_loop3A_138 = arith.index_cast %parallel_loop3A_136 : i32 to index
        %parallel_loop3A_139 = arith.constant 16 : index
        %parallel_loop3A_140 = tpu.vector_load %arg4[%parallel_loop3A_137, %parallel_loop3A_138, %parallel_loop3A_139] {strides = array<i32>} : memref<128x2x128xi32, #tpu.memory_space<vmem>>, vector<1x1x16xi32>,
        %parallel_loop3A_141 = vector.shape_cast %parallel_loop3A_140 : vector<1x1x16xi32> to vector<16xi32>
        %parallel_loop3A_142 = arith.addi %parallel_loop3A_141, %broadcast_in_dim3A_1 : vector<16xi32>
        %parallel_loop3A_143 = arith.constant 0 : i32
        %parallel_loop3A_144 = arith.index_cast %parallel_loop3A_121 : i32 to index
        %parallel_loop3A_145 = arith.index_cast %parallel_loop3A_143 : i32 to index
        %parallel_loop3A_146 = arith.constant 16 : index
        %parallel_loop3A_147 = tpu.vector_load %arg4[%parallel_loop3A_144, %parallel_loop3A_145, %parallel_loop3A_146] {strides = array<i32>} : memref<128x2x128xi32, #tpu.memory_space<vmem>>, vector<1x1x16xi32>,
        %parallel_loop3A_148 = vector.shape_cast %parallel_loop3A_147 : vector<1x1x16xi32> to vector<16xi32>
        %parallel_loop3A_149 = vector.shape_cast %parallel_loop3A_142 : vector<16xi32> to vector<1x1x16xi32>
        tpu.vector_store %arg4[%parallel_loop3A_144, %parallel_loop3A_145, %parallel_loop3A_146], %parallel_loop3A_149 {strides = array<i32>} : memref<128x2x128xi32, #tpu.memory_space<vmem>>, vector<1x1x16xi32>,
        %parallel_loop3A_150 = arith.constant 0 : i32
        %parallel_loop3A_151 = arith.index_cast %parallel_loop3A_121 : i32 to index
        %parallel_loop3A_152 = arith.index_cast %parallel_loop3A_150 : i32 to index
        %parallel_loop3A_153 = arith.constant 32 : index
        %parallel_loop3A_154 = tpu.vector_load %arg4[%parallel_loop3A_151, %parallel_loop3A_152, %parallel_loop3A_153] {strides = array<i32>} : memref<128x2x128xi32, #tpu.memory_space<vmem>>, vector<1x1x16xi32>,
        %parallel_loop3A_155 = vector.shape_cast %parallel_loop3A_154 : vector<1x1x16xi32> to vector<16xi32>
        %parallel_loop3A_156 = arith.addi %parallel_loop3A_155, %broadcast_in_dim3A_1 : vector<16xi32>
        %parallel_loop3A_157 = arith.constant 0 : i32
        %parallel_loop3A_158 = arith.index_cast %parallel_loop3A_121 : i32 to index
        %parallel_loop3A_159 = arith.index_cast %parallel_loop3A_157 : i32 to index
        %parallel_loop3A_160 = arith.constant 32 : index
        %parallel_loop3A_161 = tpu.vector_load %arg4[%parallel_loop3A_158, %parallel_loop3A_159, %parallel_loop3A_160] {strides = array<i32>} : memref<128x2x128xi32, #tpu.memory_space<vmem>>, vector<1x1x16xi32>,
        %parallel_loop3A_162 = vector.shape_cast %parallel_loop3A_161 : vector<1x1x16xi32> to vector<16xi32>
        %parallel_loop3A_163 = vector.shape_cast %parallel_loop3A_156 : vector<16xi32> to vector<1x1x16xi32>
        tpu.vector_store %arg4[%parallel_loop3A_158, %parallel_loop3A_159, %parallel_loop3A_160], %parallel_loop3A_163 {strides = array<i32>} : memref<128x2x128xi32, #tpu.memory_space<vmem>>, vector<1x1x16xi32>,
        %parallel_loop3A_164 = arith.constant 0 : i32
        %parallel_loop3A_165 = arith.index_cast %parallel_loop3A_121 : i32 to index
        %parallel_loop3A_166 = arith.index_cast %parallel_loop3A_164 : i32 to index
        %parallel_loop3A_167 = arith.constant 48 : index
        %parallel_loop3A_168 = tpu.vector_load %arg4[%parallel_loop3A_165, %parallel_loop3A_166, %parallel_loop3A_167] {strides = array<i32>} : memref<128x2x128xi32, #tpu.memory_space<vmem>>, vector<1x1x16xi32>,
        %parallel_loop3A_169 = vector.shape_cast %parallel_loop3A_168 : vector<1x1x16xi32> to vector<16xi32>
        %parallel_loop3A_170 = arith.addi %parallel_loop3A_169, %broadcast_in_dim3A_1 : vector<16xi32>
        %parallel_loop3A_171 = arith.constant 0 : i32
        %parallel_loop3A_172 = arith.index_cast %parallel_loop3A_121 : i32 to index
        %parallel_loop3A_173 = arith.index_cast %parallel_loop3A_171 : i32 to index
        %parallel_loop3A_174 = arith.constant 48 : index
        %parallel_loop3A_175 = tpu.vector_load %arg4[%parallel_loop3A_172, %parallel_loop3A_173, %parallel_loop3A_174] {strides = array<i32>} : memref<128x2x128xi32, #tpu.memory_space<vmem>>, vector<1x1x16xi32>,
        %parallel_loop3A_176 = vector.shape_cast %parallel_loop3A_175 : vector<1x1x16xi32> to vector<16xi32>
        %parallel_loop3A_177 = vector.shape_cast %parallel_loop3A_170 : vector<16xi32> to vector<1x1x16xi32>
        tpu.vector_store %arg4[%parallel_loop3A_172, %parallel_loop3A_173, %parallel_loop3A_174], %parallel_loop3A_177 {strides = array<i32>} : memref<128x2x128xi32, #tpu.memory_space<vmem>>, vector<1x1x16xi32>,
        %parallel_loop3A_178 = arith.constant 0 : i32
        %parallel_loop3A_179 = arith.index_cast %parallel_loop3A_121 : i32 to index
        %parallel_loop3A_180 = arith.index_cast %parallel_loop3A_178 : i32 to index
        %parallel_loop3A_181 = arith.constant 64 : index
        %parallel_loop3A_182 = tpu.vector_load %arg4[%parallel_loop3A_179, %parallel_loop3A_180, %parallel_loop3A_181] {strides = array<i32>} : memref<128x2x128xi32, #tpu.memory_space<vmem>>, vector<1x1x16xi32>,
        %parallel_loop3A_183 = vector.shape_cast %parallel_loop3A_182 : vector<1x1x16xi32> to vector<16xi32>
        %parallel_loop3A_184 = arith.addi %parallel_loop3A_183, %broadcast_in_dim3A_1 : vector<16xi32>
        %parallel_loop3A_185 = arith.constant 0 : i32
        %parallel_loop3A_186 = arith.index_cast %parallel_loop3A_121 : i32 to index
        %parallel_loop3A_187 = arith.index_cast %parallel_loop3A_185 : i32 to index
        %parallel_loop3A_188 = arith.constant 64 : index
        %parallel_loop3A_189 = tpu.vector_load %arg4[%parallel_loop3A_186, %parallel_loop3A_187, %parallel_loop3A_188] {strides = array<i32>} : memref<128x2x128xi32, #tpu.memory_space<vmem>>, vector<1x1x16xi32>,
        %parallel_loop3A_190 = vector.shape_cast %parallel_loop3A_189 : vector<1x1x16xi32> to vector<16xi32>
        %parallel_loop3A_191 = vector.shape_cast %parallel_loop3A_184 : vector<16xi32> to vector<1x1x16xi32>
        tpu.vector_store %arg4[%parallel_loop3A_186, %parallel_loop3A_187, %parallel_loop3A_188], %parallel_loop3A_191 {strides = array<i32>} : memref<128x2x128xi32, #tpu.memory_space<vmem>>, vector<1x1x16xi32>,
        %parallel_loop3A_192 = arith.constant 0 : i32
        %parallel_loop3A_193 = arith.index_cast %parallel_loop3A_121 : i32 to index
        %parallel_loop3A_194 = arith.index_cast %parallel_loop3A_192 : i32 to index
        %parallel_loop3A_195 = arith.constant 80 : index
        %parallel_loop3A_196 = tpu.vector_load %arg4[%parallel_loop3A_193, %parallel_loop3A_194, %parallel_loop3A_195] {strides = array<i32>} : memref<128x2x128xi32, #tpu.memory_space<vmem>>, vector<1x1x16xi32>,
        %parallel_loop3A_197 = vector.shape_cast %parallel_loop3A_196 : vector<1x1x16xi32> to vector<16xi32>
        %parallel_loop3A_198 = arith.addi %parallel_loop3A_197, %broadcast_in_dim3A_1 : vector<16xi32>
        %parallel_loop3A_199 = arith.constant 0 : i32
        %parallel_loop3A_200 = arith.index_cast %parallel_loop3A_121 : i32 to index
        %parallel_loop3A_201 = arith.index_cast %parallel_loop3A_199 : i32 to index
        %parallel_loop3A_202 = arith.constant 80 : index
        %parallel_loop3A_203 = tpu.vector_load %arg4[%parallel_loop3A_200, %parallel_loop3A_201, %parallel_loop3A_202] {strides = array<i32>} : memref<128x2x128xi32, #tpu.memory_space<vmem>>, vector<1x1x16xi32>,
        %parallel_loop3A_204 = vector.shape_cast %parallel_loop3A_203 : vector<1x1x16xi32> to vector<16xi32>
        %parallel_loop3A_205 = vector.shape_cast %parallel_loop3A_198 : vector<16xi32> to vector<1x1x16xi32>
        tpu.vector_store %arg4[%parallel_loop3A_200, %parallel_loop3A_201, %parallel_loop3A_202], %parallel_loop3A_205 {strides = array<i32>} : memref<128x2x128xi32, #tpu.memory_space<vmem>>, vector<1x1x16xi32>,
        %parallel_loop3A_206 = arith.constant 0 : i32
        %parallel_loop3A_207 = arith.index_cast %parallel_loop3A_121 : i32 to index
        %parallel_loop3A_208 = arith.index_cast %parallel_loop3A_206 : i32 to index
        %parallel_loop3A_209 = arith.constant 96 : index
        %parallel_loop3A_210 = tpu.vector_load %arg4[%parallel_loop3A_207, %parallel_loop3A_208, %parallel_loop3A_209] {strides = array<i32>} : memref<128x2x128xi32, #tpu.memory_space<vmem>>, vector<1x1x16xi32>,
        %parallel_loop3A_211 = vector.shape_cast %parallel_loop3A_210 : vector<1x1x16xi32> to vector<16xi32>
        %parallel_loop3A_212 = arith.addi %parallel_loop3A_211, %broadcast_in_dim3A_1 : vector<16xi32>
        %parallel_loop3A_213 = arith.constant 0 : i32
        %parallel_loop3A_214 = arith.index_cast %parallel_loop3A_121 : i32 to index
        %parallel_loop3A_215 = arith.index_cast %parallel_loop3A_213 : i32 to index
        %parallel_loop3A_216 = arith.constant 96 : index
        %parallel_loop3A_217 = tpu.vector_load %arg4[%parallel_loop3A_214, %parallel_loop3A_215, %parallel_loop3A_216] {strides = array<i32>} : memref<128x2x128xi32, #tpu.memory_space<vmem>>, vector<1x1x16xi32>,
        %parallel_loop3A_218 = vector.shape_cast %parallel_loop3A_217 : vector<1x1x16xi32> to vector<16xi32>
        %parallel_loop3A_219 = vector.shape_cast %parallel_loop3A_212 : vector<16xi32> to vector<1x1x16xi32>
        tpu.vector_store %arg4[%parallel_loop3A_214, %parallel_loop3A_215, %parallel_loop3A_216], %parallel_loop3A_219 {strides = array<i32>} : memref<128x2x128xi32, #tpu.memory_space<vmem>>, vector<1x1x16xi32>,
        %parallel_loop3A_220 = arith.constant 0 : i32
        %parallel_loop3A_221 = arith.index_cast %parallel_loop3A_121 : i32 to index
        %parallel_loop3A_222 = arith.index_cast %parallel_loop3A_220 : i32 to index
        %parallel_loop3A_223 = arith.constant 112 : index
        %parallel_loop3A_224 = tpu.vector_load %arg4[%parallel_loop3A_221, %parallel_loop3A_222, %parallel_loop3A_223] {strides = array<i32>} : memref<128x2x128xi32, #tpu.memory_space<vmem>>, vector<1x1x16xi32>,
        %parallel_loop3A_225 = vector.shape_cast %parallel_loop3A_224 : vector<1x1x16xi32> to vector<16xi32>
        %parallel_loop3A_226 = arith.addi %parallel_loop3A_225, %broadcast_in_dim3A_1 : vector<16xi32>
        %parallel_loop3A_227 = arith.constant 0 : i32
        %parallel_loop3A_228 = arith.index_cast %parallel_loop3A_121 : i32 to index
        %parallel_loop3A_229 = arith.index_cast %parallel_loop3A_227 : i32 to index
        %parallel_loop3A_230 = arith.constant 112 : index
        %parallel_loop3A_231 = tpu.vector_load %arg4[%parallel_loop3A_228, %parallel_loop3A_229, %parallel_loop3A_230] {strides = array<i32>} : memref<128x2x128xi32, #tpu.memory_space<vmem>>, vector<1x1x16xi32>,
        %parallel_loop3A_232 = vector.shape_cast %parallel_loop3A_231 : vector<1x1x16xi32> to vector<16xi32>
        %parallel_loop3A_233 = vector.shape_cast %parallel_loop3A_226 : vector<16xi32> to vector<1x1x16xi32>
        tpu.vector_store %arg4[%parallel_loop3A_228, %parallel_loop3A_229, %parallel_loop3A_230], %parallel_loop3A_233 {strides = array<i32>} : memref<128x2x128xi32, #tpu.memory_space<vmem>>, vector<1x1x16xi32>,
        %parallel_loop3A_234 = arith.constant 1 : i32
        %parallel_loop3A_235 = arith.index_cast %parallel_loop3A_121 : i32 to index
        %parallel_loop3A_236 = arith.index_cast %parallel_loop3A_234 : i32 to index
        %parallel_loop3A_237 = arith.constant 0 : index
        %parallel_loop3A_238 = tpu.vector_load %arg4[%parallel_loop3A_235, %parallel_loop3A_236, %parallel_loop3A_237] {strides = array<i32>} : memref<128x2x128xi32, #tpu.memory_space<vmem>>, vector<1x1x16xi32>,
        %parallel_loop3A_239 = vector.shape_cast %parallel_loop3A_238 : vector<1x1x16xi32> to vector<16xi32>
        %parallel_loop3A_240 = arith.addi %parallel_loop3A_239, %broadcast_in_dim3A_1 : vector<16xi32>
        %parallel_loop3A_241 = arith.constant 1 : i32
        %parallel_loop3A_242 = arith.index_cast %parallel_loop3A_121 : i32 to index
        %parallel_loop3A_243 = arith.index_cast %parallel_loop3A_241 : i32 to index
        %parallel_loop3A_244 = arith.constant 0 : index
        %parallel_loop3A_245 = tpu.vector_load %arg4[%parallel_loop3A_242, %parallel_loop3A_243, %parallel_loop3A_244] {strides = array<i32>} : memref<128x2x128xi32, #tpu.memory_space<vmem>>, vector<1x1x16xi32>,
        %parallel_loop3A_246 = vector.shape_cast %parallel_loop3A_245 : vector<1x1x16xi32> to vector<16xi32>
        %parallel_loop3A_247 = vector.shape_cast %parallel_loop3A_240 : vector<16xi32> to vector<1x1x16xi32>
        tpu.vector_store %arg4[%parallel_loop3A_242, %parallel_loop3A_243, %parallel_loop3A_244], %parallel_loop3A_247 {strides = array<i32>} : memref<128x2x128xi32, #tpu.memory_space<vmem>>, vector<1x1x16xi32>,
        %parallel_loop3A_248 = arith.constant 1 : i32
        %parallel_loop3A_249 = arith.index_cast %parallel_loop3A_121 : i32 to index
        %parallel_loop3A_250 = arith.index_cast %parallel_loop3A_248 : i32 to index
        %parallel_loop3A_251 = arith.constant 16 : index
        %parallel_loop3A_252 = tpu.vector_load %arg4[%parallel_loop3A_249, %parallel_loop3A_250, %parallel_loop3A_251] {strides = array<i32>} : memref<128x2x128xi32, #tpu.memory_space<vmem>>, vector<1x1x16xi32>,
        %parallel_loop3A_253 = vector.shape_cast %parallel_loop3A_252 : vector<1x1x16xi32> to vector<16xi32>
        %parallel_loop3A_254 = arith.addi %parallel_loop3A_253, %broadcast_in_dim3A_1 : vector<16xi32>
        %parallel_loop3A_255 = arith.constant 1 : i32
        %parallel_loop3A_256 = arith.index_cast %parallel_loop3A_121 : i32 to index
        %parallel_loop3A_257 = arith.index_cast %parallel_loop3A_255 : i32 to index
        %parallel_loop3A_258 = arith.constant 16 : index
        %parallel_loop3A_259 = tpu.vector_load %arg4[%parallel_loop3A_256, %parallel_loop3A_257, %parallel_loop3A_258] {strides = array<i32>} : memref<128x2x128xi32, #tpu.memory_space<vmem>>, vector<1x1x16xi32>,
        %parallel_loop3A_260 = vector.shape_cast %parallel_loop3A_259 : vector<1x1x16xi32> to vector<16xi32>
        %parallel_loop3A_261 = vector.shape_cast %parallel_loop3A_254 : vector<16xi32> to vector<1x1x16xi32>
        tpu.vector_store %arg4[%parallel_loop3A_256, %parallel_loop3A_257, %parallel_loop3A_258], %parallel_loop3A_261 {strides = array<i32>} : memref<128x2x128xi32, #tpu.memory_space<vmem>>, vector<1x1x16xi32>,
        %parallel_loop3A_262 = arith.constant 1 : i32
        %parallel_loop3A_263 = arith.index_cast %parallel_loop3A_121 : i32 to index
        %parallel_loop3A_264 = arith.index_cast %parallel_loop3A_262 : i32 to index
        %parallel_loop3A_265 = arith.constant 32 : index
        %parallel_loop3A_266 = tpu.vector_load %arg4[%parallel_loop3A_263, %parallel_loop3A_264, %parallel_loop3A_265] {strides = array<i32>} : memref<128x2x128xi32, #tpu.memory_space<vmem>>, vector<1x1x16xi32>,
        %parallel_loop3A_267 = vector.shape_cast %parallel_loop3A_266 : vector<1x1x16xi32> to vector<16xi32>
        %parallel_loop3A_268 = arith.addi %parallel_loop3A_267, %broadcast_in_dim3A_1 : vector<16xi32>
        %parallel_loop3A_269 = arith.constant 1 : i32
        %parallel_loop3A_270 = arith.index_cast %parallel_loop3A_121 : i32 to index
        %parallel_loop3A_271 = arith.index_cast %parallel_loop3A_269 : i32 to index
        %parallel_loop3A_272 = arith.constant 32 : index
        %parallel_loop3A_273 = tpu.vector_load %arg4[%parallel_loop3A_270, %parallel_loop3A_271, %parallel_loop3A_272] {strides = array<i32>} : memref<128x2x128xi32, #tpu.memory_space<vmem>>, vector<1x1x16xi32>,
        %parallel_loop3A_274 = vector.shape_cast %parallel_loop3A_273 : vector<1x1x16xi32> to vector<16xi32>
        %parallel_loop3A_275 = vector.shape_cast %parallel_loop3A_268 : vector<16xi32> to vector<1x1x16xi32>
        tpu.vector_store %arg4[%parallel_loop3A_270, %parallel_loop3A_271, %parallel_loop3A_272], %parallel_loop3A_275 {strides = array<i32>} : memref<128x2x128xi32, #tpu.memory_space<vmem>>, vector<1x1x16xi32>,
        %parallel_loop3A_276 = arith.constant 1 : i32
        %parallel_loop3A_277 = arith.index_cast %parallel_loop3A_121 : i32 to index
        %parallel_loop3A_278 = arith.index_cast %parallel_loop3A_276 : i32 to index
        %parallel_loop3A_279 = arith.constant 48 : index
        %parallel_loop3A_280 = tpu.vector_load %arg4[%parallel_loop3A_277, %parallel_loop3A_278, %parallel_loop3A_279] {strides = array<i32>} : memref<128x2x128xi32, #tpu.memory_space<vmem>>, vector<1x1x16xi32>,
        %parallel_loop3A_281 = vector.shape_cast %parallel_loop3A_280 : vector<1x1x16xi32> to vector<16xi32>
        %parallel_loop3A_282 = arith.addi %parallel_loop3A_281, %broadcast_in_dim3A_1 : vector<16xi32>
        %parallel_loop3A_283 = arith.constant 1 : i32
        %parallel_loop3A_284 = arith.index_cast %parallel_loop3A_121 : i32 to index
        %parallel_loop3A_285 = arith.index_cast %parallel_loop3A_283 : i32 to index
        %parallel_loop3A_286 = arith.constant 48 : index
        %parallel_loop3A_287 = tpu.vector_load %arg4[%parallel_loop3A_284, %parallel_loop3A_285, %parallel_loop3A_286] {strides = array<i32>} : memref<128x2x128xi32, #tpu.memory_space<vmem>>, vector<1x1x16xi32>,
        %parallel_loop3A_288 = vector.shape_cast %parallel_loop3A_287 : vector<1x1x16xi32> to vector<16xi32>
        %parallel_loop3A_289 = vector.shape_cast %parallel_loop3A_282 : vector<16xi32> to vector<1x1x16xi32>
        tpu.vector_store %arg4[%parallel_loop3A_284, %parallel_loop3A_285, %parallel_loop3A_286], %parallel_loop3A_289 {strides = array<i32>} : memref<128x2x128xi32, #tpu.memory_space<vmem>>, vector<1x1x16xi32>,
        %parallel_loop3A_290 = arith.constant 1 : i32
        %parallel_loop3A_291 = arith.index_cast %parallel_loop3A_121 : i32 to index
        %parallel_loop3A_292 = arith.index_cast %parallel_loop3A_290 : i32 to index
        %parallel_loop3A_293 = arith.constant 64 : index
        %parallel_loop3A_294 = tpu.vector_load %arg4[%parallel_loop3A_291, %parallel_loop3A_292, %parallel_loop3A_293] {strides = array<i32>} : memref<128x2x128xi32, #tpu.memory_space<vmem>>, vector<1x1x16xi32>,
        %parallel_loop3A_295 = vector.shape_cast %parallel_loop3A_294 : vector<1x1x16xi32> to vector<16xi32>
        %parallel_loop3A_296 = arith.addi %parallel_loop3A_295, %broadcast_in_dim3A_1 : vector<16xi32>
        %parallel_loop3A_297 = arith.constant 1 : i32
        %parallel_loop3A_298 = arith.index_cast %parallel_loop3A_121 : i32 to index
        %parallel_loop3A_299 = arith.index_cast %parallel_loop3A_297 : i32 to index
        %parallel_loop3A_300 = arith.constant 64 : index
        %parallel_loop3A_301 = tpu.vector_load %arg4[%parallel_loop3A_298, %parallel_loop3A_299, %parallel_loop3A_300] {strides = array<i32>} : memref<128x2x128xi32, #tpu.memory_space<vmem>>, vector<1x1x16xi32>,
        %parallel_loop3A_302 = vector.shape_cast %parallel_loop3A_301 : vector<1x1x16xi32> to vector<16xi32>
        %parallel_loop3A_303 = vector.shape_cast %parallel_loop3A_296 : vector<16xi32> to vector<1x1x16xi32>
        tpu.vector_store %arg4[%parallel_loop3A_298, %parallel_loop3A_299, %parallel_loop3A_300], %parallel_loop3A_303 {strides = array<i32>} : memref<128x2x128xi32, #tpu.memory_space<vmem>>, vector<1x1x16xi32>,
        %parallel_loop3A_304 = arith.constant 1 : i32
        %parallel_loop3A_305 = arith.index_cast %parallel_loop3A_121 : i32 to index
        %parallel_loop3A_306 = arith.index_cast %parallel_loop3A_304 : i32 to index
        %parallel_loop3A_307 = arith.constant 80 : index
        %parallel_loop3A_308 = tpu.vector_load %arg4[%parallel_loop3A_305, %parallel_loop3A_306, %parallel_loop3A_307] {strides = array<i32>} : memref<128x2x128xi32, #tpu.memory_space<vmem>>, vector<1x1x16xi32>,
        %parallel_loop3A_309 = vector.shape_cast %parallel_loop3A_308 : vector<1x1x16xi32> to vector<16xi32>
        %parallel_loop3A_310 = arith.addi %parallel_loop3A_309, %broadcast_in_dim3A_1 : vector<16xi32>
        %parallel_loop3A_311 = arith.constant 1 : i32
        %parallel_loop3A_312 = arith.index_cast %parallel_loop3A_121 : i32 to index
        %parallel_loop3A_313 = arith.index_cast %parallel_loop3A_311 : i32 to index
        %parallel_loop3A_314 = arith.constant 80 : index
        %parallel_loop3A_315 = tpu.vector_load %arg4[%parallel_loop3A_312, %parallel_loop3A_313, %parallel_loop3A_314] {strides = array<i32>} : memref<128x2x128xi32, #tpu.memory_space<vmem>>, vector<1x1x16xi32>,
        %parallel_loop3A_316 = vector.shape_cast %parallel_loop3A_315 : vector<1x1x16xi32> to vector<16xi32>
        %parallel_loop3A_317 = vector.shape_cast %parallel_loop3A_310 : vector<16xi32> to vector<1x1x16xi32>
        tpu.vector_store %arg4[%parallel_loop3A_312, %parallel_loop3A_313, %parallel_loop3A_314], %parallel_loop3A_317 {strides = array<i32>} : memref<128x2x128xi32, #tpu.memory_space<vmem>>, vector<1x1x16xi32>,
        %parallel_loop3A_318 = arith.constant 1 : i32
        %parallel_loop3A_319 = arith.index_cast %parallel_loop3A_121 : i32 to index
        %parallel_loop3A_320 = arith.index_cast %parallel_loop3A_318 : i32 to index
        %parallel_loop3A_321 = arith.constant 96 : index
        %parallel_loop3A_322 = tpu.vector_load %arg4[%parallel_loop3A_319, %parallel_loop3A_320, %parallel_loop3A_321] {strides = array<i32>} : memref<128x2x128xi32, #tpu.memory_space<vmem>>, vector<1x1x16xi32>,
        %parallel_loop3A_323 = vector.shape_cast %parallel_loop3A_322 : vector<1x1x16xi32> to vector<16xi32>
        %parallel_loop3A_324 = arith.addi %parallel_loop3A_323, %broadcast_in_dim3A_1 : vector<16xi32>
        %parallel_loop3A_325 = arith.constant 1 : i32
        %parallel_loop3A_326 = arith.index_cast %parallel_loop3A_121 : i32 to index
        %parallel_loop3A_327 = arith.index_cast %parallel_loop3A_325 : i32 to index
        %parallel_loop3A_328 = arith.constant 96 : index
        %parallel_loop3A_329 = tpu.vector_load %arg4[%parallel_loop3A_326, %parallel_loop3A_327, %parallel_loop3A_328] {strides = array<i32>} : memref<128x2x128xi32, #tpu.memory_space<vmem>>, vector<1x1x16xi32>,
        %parallel_loop3A_330 = vector.shape_cast %parallel_loop3A_329 : vector<1x1x16xi32> to vector<16xi32>
        %parallel_loop3A_331 = vector.shape_cast %parallel_loop3A_324 : vector<16xi32> to vector<1x1x16xi32>
        tpu.vector_store %arg4[%parallel_loop3A_326, %parallel_loop3A_327, %parallel_loop3A_328], %parallel_loop3A_331 {strides = array<i32>} : memref<128x2x128xi32, #tpu.memory_space<vmem>>, vector<1x1x16xi32>,
        %parallel_loop3A_332 = arith.constant 1 : i32
        %parallel_loop3A_333 = arith.index_cast %parallel_loop3A_121 : i32 to index
        %parallel_loop3A_334 = arith.index_cast %parallel_loop3A_332 : i32 to index
        %parallel_loop3A_335 = arith.constant 112 : index
        %parallel_loop3A_336 = tpu.vector_load %arg4[%parallel_loop3A_333, %parallel_loop3A_334, %parallel_loop3A_335] {strides = array<i32>} : memref<128x2x128xi32, #tpu.memory_space<vmem>>, vector<1x1x16xi32>,
        %parallel_loop3A_337 = vector.shape_cast %parallel_loop3A_336 : vector<1x1x16xi32> to vector<16xi32>
        %parallel_loop3A_338 = arith.addi %parallel_loop3A_337, %broadcast_in_dim3A_1 : vector<16xi32>
        %parallel_loop3A_339 = arith.constant 1 : i32
        %parallel_loop3A_340 = arith.index_cast %parallel_loop3A_121 : i32 to index
        %parallel_loop3A_341 = arith.index_cast %parallel_loop3A_339 : i32 to index
        %parallel_loop3A_342 = arith.constant 112 : index
        %parallel_loop3A_343 = tpu.vector_load %arg4[%parallel_loop3A_340, %parallel_loop3A_341, %parallel_loop3A_342] {strides = array<i32>} : memref<128x2x128xi32, #tpu.memory_space<vmem>>, vector<1x1x16xi32>,
        %parallel_loop3A_344 = vector.shape_cast %parallel_loop3A_343 : vector<1x1x16xi32> to vector<16xi32>
        %parallel_loop3A_345 = vector.shape_cast %parallel_loop3A_338 : vector<16xi32> to vector<1x1x16xi32>
        tpu.vector_store %arg4[%parallel_loop3A_340, %parallel_loop3A_341, %parallel_loop3A_342], %parallel_loop3A_345 {strides = array<i32>} : memref<128x2x128xi32, #tpu.memory_space<vmem>>, vector<1x1x16xi32>,
      } {sc.loop_unroll_factor = 2 : i64, sc.parallel_access}
      %add3A_112 = arith.constant 128 : i32
      %add3A_113 = arith.addi %add3A, %add3A_112 : i32
      %mul3A_114 = arith.constant 128 : i32
      %mul3A_115 = arith.muli %add3A_113, %mul3A_114 : i32
      %dma_start3A = arith.constant 0 : i32
      %dma_start3A_116 = arith.constant 0 : i32
      %dma_start3A_117 = tpu.memref_slice %arg3[%mul3A_115, %dma_start3A, %dma_start3A_116] : memref<20972x2x128xi32, #tpu.memory_space<hbm>> -> memref<128x2x128xi32, #tpu.memory_space<hbm>>
      %dma_start3A_118 = arith.constant 0 : i32
      %dma_start3A_119 = arith.constant 0 : i32
      %dma_start3A_120 = tpu.memref_slice %arg3[%mul3A_115, %dma_start3A_118, %dma_start3A_119] : memref<20972x2x128xi32, #tpu.memory_space<hbm>> -> memref<128x2x128xi32, #tpu.memory_space<hbm>>
      tpu.enqueue_dma source(%arg4 : memref<128x2x128xi32, #tpu.memory_space<vmem>>) target(%dma_start3A_120 : memref<128x2x128xi32, #tpu.memory_space<hbm>>) target_semaphore(%arg8 : memref<!tpu.dma_semaphore, #tpu.memory_space<semaphore_mem>>)
    } else {
    }
    %add3A_76 = arith.constant 160 : i32
    %add3A_77 = arith.addi %add3A, %add3A_76 : i32
    %lt3A_78 = arith.constant 163 : i32
    %lt3A_79 = arith.cmpi slt, %add3A_77, %lt3A_78 : i32
    %convert_element_type3A_80 = arith.extui %lt3A_79 : i1 to i32
    %cond3A_81 = arith.constant 0 : i32
    %cond3A_82 = arith.cmpi ne, %convert_element_type3A_80, %cond3A_81 : i32
    scf.if %cond3A_82 {
      %add3A_101 = arith.constant 160 : i32
      %add3A_102 = arith.addi %add3A, %add3A_101 : i32
      %mul3A_103 = arith.constant 128 : i32
      %mul3A_104 = arith.muli %add3A_102, %mul3A_103 : i32
      %dma_wait3A = arith.constant 0 : i32
      %dma_wait3A_105 = arith.constant 0 : i32
      %dma_wait3A_106 = tpu.memref_slice %arg2[%mul3A_104, %dma_wait3A, %dma_wait3A_105] : memref<20972x2x128xi32, #tpu.memory_space<hbm>> -> memref<128x2x128xi32, #tpu.memory_space<hbm>>
      %dma_wait3A_107 = arith.constant 0 : i32
      %dma_wait3A_108 = arith.constant 0 : i32
      %dma_wait3A_109 = tpu.memref_slice %arg2[%mul3A_104, %dma_wait3A_107, %dma_wait3A_108] : memref<20972x2x128xi32, #tpu.memory_space<hbm>> -> memref<128x2x128xi32, #tpu.memory_space<hbm>>
      tpu.wait_dma2 semaphore(%arg7 : memref<!tpu.dma_semaphore, #tpu.memory_space<semaphore_mem>>) src(%dma_wait3A_109 : memref<128x2x128xi32, #tpu.memory_space<hbm>>) dst(%arg5 : memref<128x2x128xi32, #tpu.memory_space<vmem>>)
      %parallel_loop3A = arith.constant 0 : i32
      %parallel_loop3A_110 = arith.constant 128 : i32
      %parallel_loop3A_111 = arith.constant 1 : i32
      scf.for %parallel_loop3A_121 = %parallel_loop3A to %parallel_loop3A_110 step %parallel_loop3A_111  : i32 {
        %parallel_loop3A_122 = arith.constant 0 : i32
        %parallel_loop3A_123 = arith.index_cast %parallel_loop3A_121 : i32 to index
        %parallel_loop3A_124 = arith.index_cast %parallel_loop3A_122 : i32 to index
        %parallel_loop3A_125 = arith.constant 0 : index
        %parallel_loop3A_126 = tpu.vector_load %arg5[%parallel_loop3A_123, %parallel_loop3A_124, %parallel_loop3A_125] {strides = array<i32>} : memref<128x2x128xi32, #tpu.memory_space<vmem>>, vector<1x1x16xi32>,
        %parallel_loop3A_127 = vector.shape_cast %parallel_loop3A_126 : vector<1x1x16xi32> to vector<16xi32>
        %parallel_loop3A_128 = arith.addi %parallel_loop3A_127, %broadcast_in_dim3A_1 : vector<16xi32>
        %parallel_loop3A_129 = arith.constant 0 : i32
        %parallel_loop3A_130 = arith.index_cast %parallel_loop3A_121 : i32 to index
        %parallel_loop3A_131 = arith.index_cast %parallel_loop3A_129 : i32 to index
        %parallel_loop3A_132 = arith.constant 0 : index
        %parallel_loop3A_133 = tpu.vector_load %arg5[%parallel_loop3A_130, %parallel_loop3A_131, %parallel_loop3A_132] {strides = array<i32>} : memref<128x2x128xi32, #tpu.memory_space<vmem>>, vector<1x1x16xi32>,
        %parallel_loop3A_134 = vector.shape_cast %parallel_loop3A_133 : vector<1x1x16xi32> to vector<16xi32>
        %parallel_loop3A_135 = vector.shape_cast %parallel_loop3A_128 : vector<16xi32> to vector<1x1x16xi32>
        tpu.vector_store %arg5[%parallel_loop3A_130, %parallel_loop3A_131, %parallel_loop3A_132], %parallel_loop3A_135 {strides = array<i32>} : memref<128x2x128xi32, #tpu.memory_space<vmem>>, vector<1x1x16xi32>,
        %parallel_loop3A_136 = arith.constant 0 : i32
        %parallel_loop3A_137 = arith.index_cast %parallel_loop3A_121 : i32 to index
        %parallel_loop3A_138 = arith.index_cast %parallel_loop3A_136 : i32 to index
        %parallel_loop3A_139 = arith.constant 16 : index
        %parallel_loop3A_140 = tpu.vector_load %arg5[%parallel_loop3A_137, %parallel_loop3A_138, %parallel_loop3A_139] {strides = array<i32>} : memref<128x2x128xi32, #tpu.memory_space<vmem>>, vector<1x1x16xi32>,
        %parallel_loop3A_141 = vector.shape_cast %parallel_loop3A_140 : vector<1x1x16xi32> to vector<16xi32>
        %parallel_loop3A_142 = arith.addi %parallel_loop3A_141, %broadcast_in_dim3A_1 : vector<16xi32>
        %parallel_loop3A_143 = arith.constant 0 : i32
        %parallel_loop3A_144 = arith.index_cast %parallel_loop3A_121 : i32 to index
        %parallel_loop3A_145 = arith.index_cast %parallel_loop3A_143 : i32 to index
        %parallel_loop3A_146 = arith.constant 16 : index
        %parallel_loop3A_147 = tpu.vector_load %arg5[%parallel_loop3A_144, %parallel_loop3A_145, %parallel_loop3A_146] {strides = array<i32>} : memref<128x2x128xi32, #tpu.memory_space<vmem>>, vector<1x1x16xi32>,
        %parallel_loop3A_148 = vector.shape_cast %parallel_loop3A_147 : vector<1x1x16xi32> to vector<16xi32>
        %parallel_loop3A_149 = vector.shape_cast %parallel_loop3A_142 : vector<16xi32> to vector<1x1x16xi32>
        tpu.vector_store %arg5[%parallel_loop3A_144, %parallel_loop3A_145, %parallel_loop3A_146], %parallel_loop3A_149 {strides = array<i32>} : memref<128x2x128xi32, #tpu.memory_space<vmem>>, vector<1x1x16xi32>,
        %parallel_loop3A_150 = arith.constant 0 : i32
        %parallel_loop3A_151 = arith.index_cast %parallel_loop3A_121 : i32 to index
        %parallel_loop3A_152 = arith.index_cast %parallel_loop3A_150 : i32 to index
        %parallel_loop3A_153 = arith.constant 32 : index
        %parallel_loop3A_154 = tpu.vector_load %arg5[%parallel_loop3A_151, %parallel_loop3A_152, %parallel_loop3A_153] {strides = array<i32>} : memref<128x2x128xi32, #tpu.memory_space<vmem>>, vector<1x1x16xi32>,
        %parallel_loop3A_155 = vector.shape_cast %parallel_loop3A_154 : vector<1x1x16xi32> to vector<16xi32>
        %parallel_loop3A_156 = arith.addi %parallel_loop3A_155, %broadcast_in_dim3A_1 : vector<16xi32>
        %parallel_loop3A_157 = arith.constant 0 : i32
        %parallel_loop3A_158 = arith.index_cast %parallel_loop3A_121 : i32 to index
        %parallel_loop3A_159 = arith.index_cast %parallel_loop3A_157 : i32 to index
        %parallel_loop3A_160 = arith.constant 32 : index
        %parallel_loop3A_161 = tpu.vector_load %arg5[%parallel_loop3A_158, %parallel_loop3A_159, %parallel_loop3A_160] {strides = array<i32>} : memref<128x2x128xi32, #tpu.memory_space<vmem>>, vector<1x1x16xi32>,
        %parallel_loop3A_162 = vector.shape_cast %parallel_loop3A_161 : vector<1x1x16xi32> to vector<16xi32>
        %parallel_loop3A_163 = vector.shape_cast %parallel_loop3A_156 : vector<16xi32> to vector<1x1x16xi32>
        tpu.vector_store %arg5[%parallel_loop3A_158, %parallel_loop3A_159, %parallel_loop3A_160], %parallel_loop3A_163 {strides = array<i32>} : memref<128x2x128xi32, #tpu.memory_space<vmem>>, vector<1x1x16xi32>,
        %parallel_loop3A_164 = arith.constant 0 : i32
        %parallel_loop3A_165 = arith.index_cast %parallel_loop3A_121 : i32 to index
        %parallel_loop3A_166 = arith.index_cast %parallel_loop3A_164 : i32 to index
        %parallel_loop3A_167 = arith.constant 48 : index
        %parallel_loop3A_168 = tpu.vector_load %arg5[%parallel_loop3A_165, %parallel_loop3A_166, %parallel_loop3A_167] {strides = array<i32>} : memref<128x2x128xi32, #tpu.memory_space<vmem>>, vector<1x1x16xi32>,
        %parallel_loop3A_169 = vector.shape_cast %parallel_loop3A_168 : vector<1x1x16xi32> to vector<16xi32>
        %parallel_loop3A_170 = arith.addi %parallel_loop3A_169, %broadcast_in_dim3A_1 : vector<16xi32>
        %parallel_loop3A_171 = arith.constant 0 : i32
        %parallel_loop3A_172 = arith.index_cast %parallel_loop3A_121 : i32 to index
        %parallel_loop3A_173 = arith.index_cast %parallel_loop3A_171 : i32 to index
        %parallel_loop3A_174 = arith.constant 48 : index
        %parallel_loop3A_175 = tpu.vector_load %arg5[%parallel_loop3A_172, %parallel_loop3A_173, %parallel_loop3A_174] {strides = array<i32>} : memref<128x2x128xi32, #tpu.memory_space<vmem>>, vector<1x1x16xi32>,
        %parallel_loop3A_176 = vector.shape_cast %parallel_loop3A_175 : vector<1x1x16xi32> to vector<16xi32>
        %parallel_loop3A_177 = vector.shape_cast %parallel_loop3A_170 : vector<16xi32> to vector<1x1x16xi32>
        tpu.vector_store %arg5[%parallel_loop3A_172, %parallel_loop3A_173, %parallel_loop3A_174], %parallel_loop3A_177 {strides = array<i32>} : memref<128x2x128xi32, #tpu.memory_space<vmem>>, vector<1x1x16xi32>,
        %parallel_loop3A_178 = arith.constant 0 : i32
        %parallel_loop3A_179 = arith.index_cast %parallel_loop3A_121 : i32 to index
        %parallel_loop3A_180 = arith.index_cast %parallel_loop3A_178 : i32 to index
        %parallel_loop3A_181 = arith.constant 64 : index
        %parallel_loop3A_182 = tpu.vector_load %arg5[%parallel_loop3A_179, %parallel_loop3A_180, %parallel_loop3A_181] {strides = array<i32>} : memref<128x2x128xi32, #tpu.memory_space<vmem>>, vector<1x1x16xi32>,
        %parallel_loop3A_183 = vector.shape_cast %parallel_loop3A_182 : vector<1x1x16xi32> to vector<16xi32>
        %parallel_loop3A_184 = arith.addi %parallel_loop3A_183, %broadcast_in_dim3A_1 : vector<16xi32>
        %parallel_loop3A_185 = arith.constant 0 : i32
        %parallel_loop3A_186 = arith.index_cast %parallel_loop3A_121 : i32 to index
        %parallel_loop3A_187 = arith.index_cast %parallel_loop3A_185 : i32 to index
        %parallel_loop3A_188 = arith.constant 64 : index
        %parallel_loop3A_189 = tpu.vector_load %arg5[%parallel_loop3A_186, %parallel_loop3A_187, %parallel_loop3A_188] {strides = array<i32>} : memref<128x2x128xi32, #tpu.memory_space<vmem>>, vector<1x1x16xi32>,
        %parallel_loop3A_190 = vector.shape_cast %parallel_loop3A_189 : vector<1x1x16xi32> to vector<16xi32>
        %parallel_loop3A_191 = vector.shape_cast %parallel_loop3A_184 : vector<16xi32> to vector<1x1x16xi32>
        tpu.vector_store %arg5[%parallel_loop3A_186, %parallel_loop3A_187, %parallel_loop3A_188], %parallel_loop3A_191 {strides = array<i32>} : memref<128x2x128xi32, #tpu.memory_space<vmem>>, vector<1x1x16xi32>,
        %parallel_loop3A_192 = arith.constant 0 : i32
        %parallel_loop3A_193 = arith.index_cast %parallel_loop3A_121 : i32 to index
        %parallel_loop3A_194 = arith.index_cast %parallel_loop3A_192 : i32 to index
        %parallel_loop3A_195 = arith.constant 80 : index
        %parallel_loop3A_196 = tpu.vector_load %arg5[%parallel_loop3A_193, %parallel_loop3A_194, %parallel_loop3A_195] {strides = array<i32>} : memref<128x2x128xi32, #tpu.memory_space<vmem>>, vector<1x1x16xi32>,
        %parallel_loop3A_197 = vector.shape_cast %parallel_loop3A_196 : vector<1x1x16xi32> to vector<16xi32>
        %parallel_loop3A_198 = arith.addi %parallel_loop3A_197, %broadcast_in_dim3A_1 : vector<16xi32>
        %parallel_loop3A_199 = arith.constant 0 : i32
        %parallel_loop3A_200 = arith.index_cast %parallel_loop3A_121 : i32 to index
        %parallel_loop3A_201 = arith.index_cast %parallel_loop3A_199 : i32 to index
        %parallel_loop3A_202 = arith.constant 80 : index
        %parallel_loop3A_203 = tpu.vector_load %arg5[%parallel_loop3A_200, %parallel_loop3A_201, %parallel_loop3A_202] {strides = array<i32>} : memref<128x2x128xi32, #tpu.memory_space<vmem>>, vector<1x1x16xi32>,
        %parallel_loop3A_204 = vector.shape_cast %parallel_loop3A_203 : vector<1x1x16xi32> to vector<16xi32>
        %parallel_loop3A_205 = vector.shape_cast %parallel_loop3A_198 : vector<16xi32> to vector<1x1x16xi32>
        tpu.vector_store %arg5[%parallel_loop3A_200, %parallel_loop3A_201, %parallel_loop3A_202], %parallel_loop3A_205 {strides = array<i32>} : memref<128x2x128xi32, #tpu.memory_space<vmem>>, vector<1x1x16xi32>,
        %parallel_loop3A_206 = arith.constant 0 : i32
        %parallel_loop3A_207 = arith.index_cast %parallel_loop3A_121 : i32 to index
        %parallel_loop3A_208 = arith.index_cast %parallel_loop3A_206 : i32 to index
        %parallel_loop3A_209 = arith.constant 96 : index
        %parallel_loop3A_210 = tpu.vector_load %arg5[%parallel_loop3A_207, %parallel_loop3A_208, %parallel_loop3A_209] {strides = array<i32>} : memref<128x2x128xi32, #tpu.memory_space<vmem>>, vector<1x1x16xi32>,
        %parallel_loop3A_211 = vector.shape_cast %parallel_loop3A_210 : vector<1x1x16xi32> to vector<16xi32>
        %parallel_loop3A_212 = arith.addi %parallel_loop3A_211, %broadcast_in_dim3A_1 : vector<16xi32>
        %parallel_loop3A_213 = arith.constant 0 : i32
        %parallel_loop3A_214 = arith.index_cast %parallel_loop3A_121 : i32 to index
        %parallel_loop3A_215 = arith.index_cast %parallel_loop3A_213 : i32 to index
        %parallel_loop3A_216 = arith.constant 96 : index
        %parallel_loop3A_217 = tpu.vector_load %arg5[%parallel_loop3A_214, %parallel_loop3A_215, %parallel_loop3A_216] {strides = array<i32>} : memref<128x2x128xi32, #tpu.memory_space<vmem>>, vector<1x1x16xi32>,
        %parallel_loop3A_218 = vector.shape_cast %parallel_loop3A_217 : vector<1x1x16xi32> to vector<16xi32>
        %parallel_loop3A_219 = vector.shape_cast %parallel_loop3A_212 : vector<16xi32> to vector<1x1x16xi32>
        tpu.vector_store %arg5[%parallel_loop3A_214, %parallel_loop3A_215, %parallel_loop3A_216], %parallel_loop3A_219 {strides = array<i32>} : memref<128x2x128xi32, #tpu.memory_space<vmem>>, vector<1x1x16xi32>,
        %parallel_loop3A_220 = arith.constant 0 : i32
        %parallel_loop3A_221 = arith.index_cast %parallel_loop3A_121 : i32 to index
        %parallel_loop3A_222 = arith.index_cast %parallel_loop3A_220 : i32 to index
        %parallel_loop3A_223 = arith.constant 112 : index
        %parallel_loop3A_224 = tpu.vector_load %arg5[%parallel_loop3A_221, %parallel_loop3A_222, %parallel_loop3A_223] {strides = array<i32>} : memref<128x2x128xi32, #tpu.memory_space<vmem>>, vector<1x1x16xi32>,
        %parallel_loop3A_225 = vector.shape_cast %parallel_loop3A_224 : vector<1x1x16xi32> to vector<16xi32>
        %parallel_loop3A_226 = arith.addi %parallel_loop3A_225, %broadcast_in_dim3A_1 : vector<16xi32>
        %parallel_loop3A_227 = arith.constant 0 : i32
        %parallel_loop3A_228 = arith.index_cast %parallel_loop3A_121 : i32 to index
        %parallel_loop3A_229 = arith.index_cast %parallel_loop3A_227 : i32 to index
        %parallel_loop3A_230 = arith.constant 112 : index
        %parallel_loop3A_231 = tpu.vector_load %arg5[%parallel_loop3A_228, %parallel_loop3A_229, %parallel_loop3A_230] {strides = array<i32>} : memref<128x2x128xi32, #tpu.memory_space<vmem>>, vector<1x1x16xi32>,
        %parallel_loop3A_232 = vector.shape_cast %parallel_loop3A_231 : vector<1x1x16xi32> to vector<16xi32>
        %parallel_loop3A_233 = vector.shape_cast %parallel_loop3A_226 : vector<16xi32> to vector<1x1x16xi32>
        tpu.vector_store %arg5[%parallel_loop3A_228, %parallel_loop3A_229, %parallel_loop3A_230], %parallel_loop3A_233 {strides = array<i32>} : memref<128x2x128xi32, #tpu.memory_space<vmem>>, vector<1x1x16xi32>,
        %parallel_loop3A_234 = arith.constant 1 : i32
        %parallel_loop3A_235 = arith.index_cast %parallel_loop3A_121 : i32 to index
        %parallel_loop3A_236 = arith.index_cast %parallel_loop3A_234 : i32 to index
        %parallel_loop3A_237 = arith.constant 0 : index
        %parallel_loop3A_238 = tpu.vector_load %arg5[%parallel_loop3A_235, %parallel_loop3A_236, %parallel_loop3A_237] {strides = array<i32>} : memref<128x2x128xi32, #tpu.memory_space<vmem>>, vector<1x1x16xi32>,
        %parallel_loop3A_239 = vector.shape_cast %parallel_loop3A_238 : vector<1x1x16xi32> to vector<16xi32>
        %parallel_loop3A_240 = arith.addi %parallel_loop3A_239, %broadcast_in_dim3A_1 : vector<16xi32>
        %parallel_loop3A_241 = arith.constant 1 : i32
        %parallel_loop3A_242 = arith.index_cast %parallel_loop3A_121 : i32 to index
        %parallel_loop3A_243 = arith.index_cast %parallel_loop3A_241 : i32 to index
        %parallel_loop3A_244 = arith.constant 0 : index
        %parallel_loop3A_245 = tpu.vector_load %arg5[%parallel_loop3A_242, %parallel_loop3A_243, %parallel_loop3A_244] {strides = array<i32>} : memref<128x2x128xi32, #tpu.memory_space<vmem>>, vector<1x1x16xi32>,
        %parallel_loop3A_246 = vector.shape_cast %parallel_loop3A_245 : vector<1x1x16xi32> to vector<16xi32>
        %parallel_loop3A_247 = vector.shape_cast %parallel_loop3A_240 : vector<16xi32> to vector<1x1x16xi32>
        tpu.vector_store %arg5[%parallel_loop3A_242, %parallel_loop3A_243, %parallel_loop3A_244], %parallel_loop3A_247 {strides = array<i32>} : memref<128x2x128xi32, #tpu.memory_space<vmem>>, vector<1x1x16xi32>,
        %parallel_loop3A_248 = arith.constant 1 : i32
        %parallel_loop3A_249 = arith.index_cast %parallel_loop3A_121 : i32 to index
        %parallel_loop3A_250 = arith.index_cast %parallel_loop3A_248 : i32 to index
        %parallel_loop3A_251 = arith.constant 16 : index
        %parallel_loop3A_252 = tpu.vector_load %arg5[%parallel_loop3A_249, %parallel_loop3A_250, %parallel_loop3A_251] {strides = array<i32>} : memref<128x2x128xi32, #tpu.memory_space<vmem>>, vector<1x1x16xi32>,
        %parallel_loop3A_253 = vector.shape_cast %parallel_loop3A_252 : vector<1x1x16xi32> to vector<16xi32>
        %parallel_loop3A_254 = arith.addi %parallel_loop3A_253, %broadcast_in_dim3A_1 : vector<16xi32>
        %parallel_loop3A_255 = arith.constant 1 : i32
        %parallel_loop3A_256 = arith.index_cast %parallel_loop3A_121 : i32 to index
        %parallel_loop3A_257 = arith.index_cast %parallel_loop3A_255 : i32 to index
        %parallel_loop3A_258 = arith.constant 16 : index
        %parallel_loop3A_259 = tpu.vector_load %arg5[%parallel_loop3A_256, %parallel_loop3A_257, %parallel_loop3A_258] {strides = array<i32>} : memref<128x2x128xi32, #tpu.memory_space<vmem>>, vector<1x1x16xi32>,
        %parallel_loop3A_260 = vector.shape_cast %parallel_loop3A_259 : vector<1x1x16xi32> to vector<16xi32>
        %parallel_loop3A_261 = vector.shape_cast %parallel_loop3A_254 : vector<16xi32> to vector<1x1x16xi32>
        tpu.vector_store %arg5[%parallel_loop3A_256, %parallel_loop3A_257, %parallel_loop3A_258], %parallel_loop3A_261 {strides = array<i32>} : memref<128x2x128xi32, #tpu.memory_space<vmem>>, vector<1x1x16xi32>,
        %parallel_loop3A_262 = arith.constant 1 : i32
        %parallel_loop3A_263 = arith.index_cast %parallel_loop3A_121 : i32 to index
        %parallel_loop3A_264 = arith.index_cast %parallel_loop3A_262 : i32 to index
        %parallel_loop3A_265 = arith.constant 32 : index
        %parallel_loop3A_266 = tpu.vector_load %arg5[%parallel_loop3A_263, %parallel_loop3A_264, %parallel_loop3A_265] {strides = array<i32>} : memref<128x2x128xi32, #tpu.memory_space<vmem>>, vector<1x1x16xi32>,
        %parallel_loop3A_267 = vector.shape_cast %parallel_loop3A_266 : vector<1x1x16xi32> to vector<16xi32>
        %parallel_loop3A_268 = arith.addi %parallel_loop3A_267, %broadcast_in_dim3A_1 : vector<16xi32>
        %parallel_loop3A_269 = arith.constant 1 : i32
        %parallel_loop3A_270 = arith.index_cast %parallel_loop3A_121 : i32 to index
        %parallel_loop3A_271 = arith.index_cast %parallel_loop3A_269 : i32 to index
        %parallel_loop3A_272 = arith.constant 32 : index
        %parallel_loop3A_273 = tpu.vector_load %arg5[%parallel_loop3A_270, %parallel_loop3A_271, %parallel_loop3A_272] {strides = array<i32>} : memref<128x2x128xi32, #tpu.memory_space<vmem>>, vector<1x1x16xi32>,
        %parallel_loop3A_274 = vector.shape_cast %parallel_loop3A_273 : vector<1x1x16xi32> to vector<16xi32>
        %parallel_loop3A_275 = vector.shape_cast %parallel_loop3A_268 : vector<16xi32> to vector<1x1x16xi32>
        tpu.vector_store %arg5[%parallel_loop3A_270, %parallel_loop3A_271, %parallel_loop3A_272], %parallel_loop3A_275 {strides = array<i32>} : memref<128x2x128xi32, #tpu.memory_space<vmem>>, vector<1x1x16xi32>,
        %parallel_loop3A_276 = arith.constant 1 : i32
        %parallel_loop3A_277 = arith.index_cast %parallel_loop3A_121 : i32 to index
        %parallel_loop3A_278 = arith.index_cast %parallel_loop3A_276 : i32 to index
        %parallel_loop3A_279 = arith.constant 48 : index
        %parallel_loop3A_280 = tpu.vector_load %arg5[%parallel_loop3A_277, %parallel_loop3A_278, %parallel_loop3A_279] {strides = array<i32>} : memref<128x2x128xi32, #tpu.memory_space<vmem>>, vector<1x1x16xi32>,
        %parallel_loop3A_281 = vector.shape_cast %parallel_loop3A_280 : vector<1x1x16xi32> to vector<16xi32>
        %parallel_loop3A_282 = arith.addi %parallel_loop3A_281, %broadcast_in_dim3A_1 : vector<16xi32>
        %parallel_loop3A_283 = arith.constant 1 : i32
        %parallel_loop3A_284 = arith.index_cast %parallel_loop3A_121 : i32 to index
        %parallel_loop3A_285 = arith.index_cast %parallel_loop3A_283 : i32 to index
        %parallel_loop3A_286 = arith.constant 48 : index
        %parallel_loop3A_287 = tpu.vector_load %arg5[%parallel_loop3A_284, %parallel_loop3A_285, %parallel_loop3A_286] {strides = array<i32>} : memref<128x2x128xi32, #tpu.memory_space<vmem>>, vector<1x1x16xi32>,
        %parallel_loop3A_288 = vector.shape_cast %parallel_loop3A_287 : vector<1x1x16xi32> to vector<16xi32>
        %parallel_loop3A_289 = vector.shape_cast %parallel_loop3A_282 : vector<16xi32> to vector<1x1x16xi32>
        tpu.vector_store %arg5[%parallel_loop3A_284, %parallel_loop3A_285, %parallel_loop3A_286], %parallel_loop3A_289 {strides = array<i32>} : memref<128x2x128xi32, #tpu.memory_space<vmem>>, vector<1x1x16xi32>,
        %parallel_loop3A_290 = arith.constant 1 : i32
        %parallel_loop3A_291 = arith.index_cast %parallel_loop3A_121 : i32 to index
        %parallel_loop3A_292 = arith.index_cast %parallel_loop3A_290 : i32 to index
        %parallel_loop3A_293 = arith.constant 64 : index
        %parallel_loop3A_294 = tpu.vector_load %arg5[%parallel_loop3A_291, %parallel_loop3A_292, %parallel_loop3A_293] {strides = array<i32>} : memref<128x2x128xi32, #tpu.memory_space<vmem>>, vector<1x1x16xi32>,
        %parallel_loop3A_295 = vector.shape_cast %parallel_loop3A_294 : vector<1x1x16xi32> to vector<16xi32>
        %parallel_loop3A_296 = arith.addi %parallel_loop3A_295, %broadcast_in_dim3A_1 : vector<16xi32>
        %parallel_loop3A_297 = arith.constant 1 : i32
        %parallel_loop3A_298 = arith.index_cast %parallel_loop3A_121 : i32 to index
        %parallel_loop3A_299 = arith.index_cast %parallel_loop3A_297 : i32 to index
        %parallel_loop3A_300 = arith.constant 64 : index
        %parallel_loop3A_301 = tpu.vector_load %arg5[%parallel_loop3A_298, %parallel_loop3A_299, %parallel_loop3A_300] {strides = array<i32>} : memref<128x2x128xi32, #tpu.memory_space<vmem>>, vector<1x1x16xi32>,
        %parallel_loop3A_302 = vector.shape_cast %parallel_loop3A_301 : vector<1x1x16xi32> to vector<16xi32>
        %parallel_loop3A_303 = vector.shape_cast %parallel_loop3A_296 : vector<16xi32> to vector<1x1x16xi32>
        tpu.vector_store %arg5[%parallel_loop3A_298, %parallel_loop3A_299, %parallel_loop3A_300], %parallel_loop3A_303 {strides = array<i32>} : memref<128x2x128xi32, #tpu.memory_space<vmem>>, vector<1x1x16xi32>,
        %parallel_loop3A_304 = arith.constant 1 : i32
        %parallel_loop3A_305 = arith.index_cast %parallel_loop3A_121 : i32 to index
        %parallel_loop3A_306 = arith.index_cast %parallel_loop3A_304 : i32 to index
        %parallel_loop3A_307 = arith.constant 80 : index
        %parallel_loop3A_308 = tpu.vector_load %arg5[%parallel_loop3A_305, %parallel_loop3A_306, %parallel_loop3A_307] {strides = array<i32>} : memref<128x2x128xi32, #tpu.memory_space<vmem>>, vector<1x1x16xi32>,
        %parallel_loop3A_309 = vector.shape_cast %parallel_loop3A_308 : vector<1x1x16xi32> to vector<16xi32>
        %parallel_loop3A_310 = arith.addi %parallel_loop3A_309, %broadcast_in_dim3A_1 : vector<16xi32>
        %parallel_loop3A_311 = arith.constant 1 : i32
        %parallel_loop3A_312 = arith.index_cast %parallel_loop3A_121 : i32 to index
        %parallel_loop3A_313 = arith.index_cast %parallel_loop3A_311 : i32 to index
        %parallel_loop3A_314 = arith.constant 80 : index
        %parallel_loop3A_315 = tpu.vector_load %arg5[%parallel_loop3A_312, %parallel_loop3A_313, %parallel_loop3A_314] {strides = array<i32>} : memref<128x2x128xi32, #tpu.memory_space<vmem>>, vector<1x1x16xi32>,
        %parallel_loop3A_316 = vector.shape_cast %parallel_loop3A_315 : vector<1x1x16xi32> to vector<16xi32>
        %parallel_loop3A_317 = vector.shape_cast %parallel_loop3A_310 : vector<16xi32> to vector<1x1x16xi32>
        tpu.vector_store %arg5[%parallel_loop3A_312, %parallel_loop3A_313, %parallel_loop3A_314], %parallel_loop3A_317 {strides = array<i32>} : memref<128x2x128xi32, #tpu.memory_space<vmem>>, vector<1x1x16xi32>,
        %parallel_loop3A_318 = arith.constant 1 : i32
        %parallel_loop3A_319 = arith.index_cast %parallel_loop3A_121 : i32 to index
        %parallel_loop3A_320 = arith.index_cast %parallel_loop3A_318 : i32 to index
        %parallel_loop3A_321 = arith.constant 96 : index
        %parallel_loop3A_322 = tpu.vector_load %arg5[%parallel_loop3A_319, %parallel_loop3A_320, %parallel_loop3A_321] {strides = array<i32>} : memref<128x2x128xi32, #tpu.memory_space<vmem>>, vector<1x1x16xi32>,
        %parallel_loop3A_323 = vector.shape_cast %parallel_loop3A_322 : vector<1x1x16xi32> to vector<16xi32>
        %parallel_loop3A_324 = arith.addi %parallel_loop3A_323, %broadcast_in_dim3A_1 : vector<16xi32>
        %parallel_loop3A_325 = arith.constant 1 : i32
        %parallel_loop3A_326 = arith.index_cast %parallel_loop3A_121 : i32 to index
        %parallel_loop3A_327 = arith.index_cast %parallel_loop3A_325 : i32 to index
        %parallel_loop3A_328 = arith.constant 96 : index
        %parallel_loop3A_329 = tpu.vector_load %arg5[%parallel_loop3A_326, %parallel_loop3A_327, %parallel_loop3A_328] {strides = array<i32>} : memref<128x2x128xi32, #tpu.memory_space<vmem>>, vector<1x1x16xi32>,
        %parallel_loop3A_330 = vector.shape_cast %parallel_loop3A_329 : vector<1x1x16xi32> to vector<16xi32>
        %parallel_loop3A_331 = vector.shape_cast %parallel_loop3A_324 : vector<16xi32> to vector<1x1x16xi32>
        tpu.vector_store %arg5[%parallel_loop3A_326, %parallel_loop3A_327, %parallel_loop3A_328], %parallel_loop3A_331 {strides = array<i32>} : memref<128x2x128xi32, #tpu.memory_space<vmem>>, vector<1x1x16xi32>,
        %parallel_loop3A_332 = arith.constant 1 : i32
        %parallel_loop3A_333 = arith.index_cast %parallel_loop3A_121 : i32 to index
        %parallel_loop3A_334 = arith.index_cast %parallel_loop3A_332 : i32 to index
        %parallel_loop3A_335 = arith.constant 112 : index
        %parallel_loop3A_336 = tpu.vector_load %arg5[%parallel_loop3A_333, %parallel_loop3A_334, %parallel_loop3A_335] {strides = array<i32>} : memref<128x2x128xi32, #tpu.memory_space<vmem>>, vector<1x1x16xi32>,
        %parallel_loop3A_337 = vector.shape_cast %parallel_loop3A_336 : vector<1x1x16xi32> to vector<16xi32>
        %parallel_loop3A_338 = arith.addi %parallel_loop3A_337, %broadcast_in_dim3A_1 : vector<16xi32>
        %parallel_loop3A_339 = arith.constant 1 : i32
        %parallel_loop3A_340 = arith.index_cast %parallel_loop3A_121 : i32 to index
        %parallel_loop3A_341 = arith.index_cast %parallel_loop3A_339 : i32 to index
        %parallel_loop3A_342 = arith.constant 112 : index
        %parallel_loop3A_343 = tpu.vector_load %arg5[%parallel_loop3A_340, %parallel_loop3A_341, %parallel_loop3A_342] {strides = array<i32>} : memref<128x2x128xi32, #tpu.memory_space<vmem>>, vector<1x1x16xi32>,
        %parallel_loop3A_344 = vector.shape_cast %parallel_loop3A_343 : vector<1x1x16xi32> to vector<16xi32>
        %parallel_loop3A_345 = vector.shape_cast %parallel_loop3A_338 : vector<16xi32> to vector<1x1x16xi32>
        tpu.vector_store %arg5[%parallel_loop3A_340, %parallel_loop3A_341, %parallel_loop3A_342], %parallel_loop3A_345 {strides = array<i32>} : memref<128x2x128xi32, #tpu.memory_space<vmem>>, vector<1x1x16xi32>,
      } {sc.loop_unroll_factor = 2 : i64, sc.parallel_access}
      %add3A_112 = arith.constant 160 : i32
      %add3A_113 = arith.addi %add3A, %add3A_112 : i32
      %mul3A_114 = arith.constant 128 : i32
      %mul3A_115 = arith.muli %add3A_113, %mul3A_114 : i32
      %dma_start3A = arith.constant 0 : i32
      %dma_start3A_116 = arith.constant 0 : i32
      %dma_start3A_117 = tpu.memref_slice %arg3[%mul3A_115, %dma_start3A, %dma_start3A_116] : memref<20972x2x128xi32, #tpu.memory_space<hbm>> -> memref<128x2x128xi32, #tpu.memory_space<hbm>>
      %dma_start3A_118 = arith.constant 0 : i32
      %dma_start3A_119 = arith.constant 0 : i32
      %dma_start3A_120 = tpu.memref_slice %arg3[%mul3A_115, %dma_start3A_118, %dma_start3A_119] : memref<20972x2x128xi32, #tpu.memory_space<hbm>> -> memref<128x2x128xi32, #tpu.memory_space<hbm>>
      tpu.enqueue_dma source(%arg5 : memref<128x2x128xi32, #tpu.memory_space<vmem>>) target(%dma_start3A_120 : memref<128x2x128xi32, #tpu.memory_space<hbm>>) target_semaphore(%arg9 : memref<!tpu.dma_semaphore, #tpu.memory_space<semaphore_mem>>)
    } else {
    }
    %add3A_83 = arith.constant 128 : i32
    %add3A_84 = arith.addi %add3A, %add3A_83 : i32
    %lt3A_85 = arith.constant 163 : i32
    %lt3A_86 = arith.cmpi slt, %add3A_84, %lt3A_85 : i32
    %convert_element_type3A_87 = arith.extui %lt3A_86 : i1 to i32
    %cond3A_88 = arith.constant 0 : i32
    %cond3A_89 = arith.cmpi ne, %convert_element_type3A_87, %cond3A_88 : i32
    scf.if %cond3A_89 {
      %add3A_101 = arith.constant 128 : i32
      %add3A_102 = arith.addi %add3A, %add3A_101 : i32
      %mul3A_103 = arith.constant 128 : i32
      %mul3A_104 = arith.muli %add3A_102, %mul3A_103 : i32
      %dma_wait3A = arith.constant 0 : i32
      %dma_wait3A_105 = arith.constant 0 : i32
      %dma_wait3A_106 = tpu.memref_slice %arg3[%mul3A_104, %dma_wait3A, %dma_wait3A_105] : memref<20972x2x128xi32, #tpu.memory_space<hbm>> -> memref<128x2x128xi32, #tpu.memory_space<hbm>>
      %dma_wait3A_107 = arith.constant 0 : i32
      %dma_wait3A_108 = arith.constant 0 : i32
      %dma_wait3A_109 = tpu.memref_slice %arg3[%mul3A_104, %dma_wait3A_107, %dma_wait3A_108] : memref<20972x2x128xi32, #tpu.memory_space<hbm>> -> memref<128x2x128xi32, #tpu.memory_space<hbm>>
      tpu.wait_dma2 semaphore(%arg8 : memref<!tpu.dma_semaphore, #tpu.memory_space<semaphore_mem>>) src(%arg4 : memref<128x2x128xi32, #tpu.memory_space<vmem>>) dst(%dma_wait3A_109 : memref<128x2x128xi32, #tpu.memory_space<hbm>>)
    } else {
    }
    %add3A_90 = arith.constant 160 : i32
    %add3A_91 = arith.addi %add3A, %add3A_90 : i32
    %lt3A_92 = arith.constant 163 : i32
    %lt3A_93 = arith.cmpi slt, %add3A_91, %lt3A_92 : i32
    %convert_element_type3A_94 = arith.extui %lt3A_93 : i1 to i32
    %cond3A_95 = arith.constant 0 : i32
    %cond3A_96 = arith.cmpi ne, %convert_element_type3A_94, %cond3A_95 : i32
    scf.if %cond3A_96 {
      %add3A_101 = arith.constant 160 : i32
      %add3A_102 = arith.addi %add3A, %add3A_101 : i32
      %mul3A_103 = arith.constant 128 : i32
      %mul3A_104 = arith.muli %add3A_102, %mul3A_103 : i32
      %dma_wait3A = arith.constant 0 : i32
      %dma_wait3A_105 = arith.constant 0 : i32
      %dma_wait3A_106 = tpu.memref_slice %arg3[%mul3A_104, %dma_wait3A, %dma_wait3A_105] : memref<20972x2x128xi32, #tpu.memory_space<hbm>> -> memref<128x2x128xi32, #tpu.memory_space<hbm>>
      %dma_wait3A_107 = arith.constant 0 : i32
      %dma_wait3A_108 = arith.constant 0 : i32
      %dma_wait3A_109 = tpu.memref_slice %arg3[%mul3A_104, %dma_wait3A_107, %dma_wait3A_108] : memref<20972x2x128xi32, #tpu.memory_space<hbm>> -> memref<128x2x128xi32, #tpu.memory_space<hbm>>
      tpu.wait_dma2 semaphore(%arg9 : memref<!tpu.dma_semaphore, #tpu.memory_space<semaphore_mem>>) src(%arg5 : memref<128x2x128xi32, #tpu.memory_space<vmem>>) dst(%dma_wait3A_109 : memref<128x2x128xi32, #tpu.memory_space<hbm>>)
    } else {
    }
    %eq3A = arith.constant 31 : i32
    %eq3A_97 = arith.cmpi eq, %add3A, %eq3A : i32
    %convert_element_type3A_98 = arith.extui %eq3A_97 : i1 to i32
    %cond3A_99 = arith.constant 0 : i32
    %cond3A_100 = arith.cmpi ne, %convert_element_type3A_98, %cond3A_99 : i32
    scf.if %cond3A_100 {
      "tpu.region"() ({
        %run_scoped3A = tpu.sem_alloc : memref<!tpu.dma_semaphore, #tpu.memory_space<semaphore_mem>>
        %dma_start3A = arith.constant 0 : i32
        %dma_start3A_103 = arith.constant 0 : i32
        %dma_start3A_104 = arith.constant 0 : i32
        %dma_start3A_105 = tpu.memref_slice %arg4[%dma_start3A, %dma_start3A_103, %dma_start3A_104] : memref<128x2x128xi32, #tpu.memory_space<vmem>> -> memref<108x2x128xi32, #tpu.memory_space<vmem>>
        %dma_start3A_106 = arith.constant 20864 : i32
        %dma_start3A_107 = arith.constant 0 : i32
        %dma_start3A_108 = arith.constant 0 : i32
        %dma_start3A_109 = tpu.memref_slice %arg2[%dma_start3A_106, %dma_start3A_107, %dma_start3A_108] : memref<20972x2x128xi32, #tpu.memory_space<hbm>> -> memref<108x2x128xi32, #tpu.memory_space<hbm>>
        %dma_start3A_110 = arith.constant 0 : i32
        %dma_start3A_111 = arith.constant 0 : i32
        %dma_start3A_112 = arith.constant 0 : i32
        %dma_start3A_113 = tpu.memref_slice %arg4[%dma_start3A_110, %dma_start3A_111, %dma_start3A_112] : memref<128x2x128xi32, #tpu.memory_space<vmem>> -> memref<108x2x128xi32, #tpu.memory_space<vmem>>
        %dma_start3A_114 = arith.constant 20864 : i32
        %dma_start3A_115 = arith.constant 0 : i32
        %dma_start3A_116 = arith.constant 0 : i32
        %dma_start3A_117 = tpu.memref_slice %arg2[%dma_start3A_114, %dma_start3A_115, %dma_start3A_116] : memref<20972x2x128xi32, #tpu.memory_space<hbm>> -> memref<108x2x128xi32, #tpu.memory_space<hbm>>
        tpu.enqueue_dma source(%dma_start3A_117 : memref<108x2x128xi32, #tpu.memory_space<hbm>>) target(%dma_start3A_113 : memref<108x2x128xi32, #tpu.memory_space<vmem>>) target_semaphore(%run_scoped3A : memref<!tpu.dma_semaphore, #tpu.memory_space<semaphore_mem>>)
        %dma_wait3A = arith.constant 0 : i32
        %dma_wait3A_118 = arith.constant 0 : i32
        %dma_wait3A_119 = arith.constant 0 : i32
        %dma_wait3A_120 = tpu.memref_slice %arg4[%dma_wait3A, %dma_wait3A_118, %dma_wait3A_119] : memref<128x2x128xi32, #tpu.memory_space<vmem>> -> memref<108x2x128xi32, #tpu.memory_space<vmem>>
        %dma_wait3A_121 = arith.constant 20864 : i32
        %dma_wait3A_122 = arith.constant 0 : i32
        %dma_wait3A_123 = arith.constant 0 : i32
        %dma_wait3A_124 = tpu.memref_slice %arg2[%dma_wait3A_121, %dma_wait3A_122, %dma_wait3A_123] : memref<20972x2x128xi32, #tpu.memory_space<hbm>> -> memref<108x2x128xi32, #tpu.memory_space<hbm>>
        %dma_wait3A_125 = arith.constant 0 : i32
        %dma_wait3A_126 = arith.constant 0 : i32
        %dma_wait3A_127 = arith.constant 0 : i32
        %dma_wait3A_128 = tpu.memref_slice %arg4[%dma_wait3A_125, %dma_wait3A_126, %dma_wait3A_127] : memref<128x2x128xi32, #tpu.memory_space<vmem>> -> memref<108x2x128xi32, #tpu.memory_space<vmem>>
        %dma_wait3A_129 = arith.constant 20864 : i32
        %dma_wait3A_130 = arith.constant 0 : i32
        %dma_wait3A_131 = arith.constant 0 : i32
        %dma_wait3A_132 = tpu.memref_slice %arg2[%dma_wait3A_129, %dma_wait3A_130, %dma_wait3A_131] : memref<20972x2x128xi32, #tpu.memory_space<hbm>> -> memref<108x2x128xi32, #tpu.memory_space<hbm>>
        tpu.wait_dma2 semaphore(%run_scoped3A : memref<!tpu.dma_semaphore, #tpu.memory_space<semaphore_mem>>) src(%dma_wait3A_132 : memref<108x2x128xi32, #tpu.memory_space<hbm>>) dst(%dma_wait3A_128 : memref<108x2x128xi32, #tpu.memory_space<vmem>>)
        tpu.yield
      }) : () -> ()
      %parallel_loop3A = arith.constant 0 : i32
      %parallel_loop3A_101 = arith.constant 108 : i32
      %parallel_loop3A_102 = arith.constant 1 : i32
      scf.for %parallel_loop3A_103 = %parallel_loop3A to %parallel_loop3A_101 step %parallel_loop3A_102  : i32 {
        %parallel_loop3A_104 = arith.constant 0 : i32
        %parallel_loop3A_105 = arith.index_cast %parallel_loop3A_103 : i32 to index
        %parallel_loop3A_106 = arith.index_cast %parallel_loop3A_104 : i32 to index
        %parallel_loop3A_107 = arith.constant 0 : index
        %parallel_loop3A_108 = tpu.vector_load %arg4[%parallel_loop3A_105, %parallel_loop3A_106, %parallel_loop3A_107] {strides = array<i32>} : memref<128x2x128xi32, #tpu.memory_space<vmem>>, vector<1x1x16xi32>,
        %parallel_loop3A_109 = vector.shape_cast %parallel_loop3A_108 : vector<1x1x16xi32> to vector<16xi32>
        %parallel_loop3A_110 = arith.addi %parallel_loop3A_109, %broadcast_in_dim3A_1 : vector<16xi32>
        %parallel_loop3A_111 = arith.constant 0 : i32
        %parallel_loop3A_112 = arith.index_cast %parallel_loop3A_103 : i32 to index
        %parallel_loop3A_113 = arith.index_cast %parallel_loop3A_111 : i32 to index
        %parallel_loop3A_114 = arith.constant 0 : index
        %parallel_loop3A_115 = tpu.vector_load %arg4[%parallel_loop3A_112, %parallel_loop3A_113, %parallel_loop3A_114] {strides = array<i32>} : memref<128x2x128xi32, #tpu.memory_space<vmem>>, vector<1x1x16xi32>,
        %parallel_loop3A_116 = vector.shape_cast %parallel_loop3A_115 : vector<1x1x16xi32> to vector<16xi32>
        %parallel_loop3A_117 = vector.shape_cast %parallel_loop3A_110 : vector<16xi32> to vector<1x1x16xi32>
        tpu.vector_store %arg4[%parallel_loop3A_112, %parallel_loop3A_113, %parallel_loop3A_114], %parallel_loop3A_117 {strides = array<i32>} : memref<128x2x128xi32, #tpu.memory_space<vmem>>, vector<1x1x16xi32>,
        %parallel_loop3A_118 = arith.constant 0 : i32
        %parallel_loop3A_119 = arith.index_cast %parallel_loop3A_103 : i32 to index
        %parallel_loop3A_120 = arith.index_cast %parallel_loop3A_118 : i32 to index
        %parallel_loop3A_121 = arith.constant 16 : index
        %parallel_loop3A_122 = tpu.vector_load %arg4[%parallel_loop3A_119, %parallel_loop3A_120, %parallel_loop3A_121] {strides = array<i32>} : memref<128x2x128xi32, #tpu.memory_space<vmem>>, vector<1x1x16xi32>,
        %parallel_loop3A_123 = vector.shape_cast %parallel_loop3A_122 : vector<1x1x16xi32> to vector<16xi32>
        %parallel_loop3A_124 = arith.addi %parallel_loop3A_123, %broadcast_in_dim3A_1 : vector<16xi32>
        %parallel_loop3A_125 = arith.constant 0 : i32
        %parallel_loop3A_126 = arith.index_cast %parallel_loop3A_103 : i32 to index
        %parallel_loop3A_127 = arith.index_cast %parallel_loop3A_125 : i32 to index
        %parallel_loop3A_128 = arith.constant 16 : index
        %parallel_loop3A_129 = tpu.vector_load %arg4[%parallel_loop3A_126, %parallel_loop3A_127, %parallel_loop3A_128] {strides = array<i32>} : memref<128x2x128xi32, #tpu.memory_space<vmem>>, vector<1x1x16xi32>,
        %parallel_loop3A_130 = vector.shape_cast %parallel_loop3A_129 : vector<1x1x16xi32> to vector<16xi32>
        %parallel_loop3A_131 = vector.shape_cast %parallel_loop3A_124 : vector<16xi32> to vector<1x1x16xi32>
        tpu.vector_store %arg4[%parallel_loop3A_126, %parallel_loop3A_127, %parallel_loop3A_128], %parallel_loop3A_131 {strides = array<i32>} : memref<128x2x128xi32, #tpu.memory_space<vmem>>, vector<1x1x16xi32>,
        %parallel_loop3A_132 = arith.constant 0 : i32
        %parallel_loop3A_133 = arith.index_cast %parallel_loop3A_103 : i32 to index
        %parallel_loop3A_134 = arith.index_cast %parallel_loop3A_132 : i32 to index
        %parallel_loop3A_135 = arith.constant 32 : index
        %parallel_loop3A_136 = tpu.vector_load %arg4[%parallel_loop3A_133, %parallel_loop3A_134, %parallel_loop3A_135] {strides = array<i32>} : memref<128x2x128xi32, #tpu.memory_space<vmem>>, vector<1x1x16xi32>,
        %parallel_loop3A_137 = vector.shape_cast %parallel_loop3A_136 : vector<1x1x16xi32> to vector<16xi32>
        %parallel_loop3A_138 = arith.addi %parallel_loop3A_137, %broadcast_in_dim3A_1 : vector<16xi32>
        %parallel_loop3A_139 = arith.constant 0 : i32
        %parallel_loop3A_140 = arith.index_cast %parallel_loop3A_103 : i32 to index
        %parallel_loop3A_141 = arith.index_cast %parallel_loop3A_139 : i32 to index
        %parallel_loop3A_142 = arith.constant 32 : index
        %parallel_loop3A_143 = tpu.vector_load %arg4[%parallel_loop3A_140, %parallel_loop3A_141, %parallel_loop3A_142] {strides = array<i32>} : memref<128x2x128xi32, #tpu.memory_space<vmem>>, vector<1x1x16xi32>,
        %parallel_loop3A_144 = vector.shape_cast %parallel_loop3A_143 : vector<1x1x16xi32> to vector<16xi32>
        %parallel_loop3A_145 = vector.shape_cast %parallel_loop3A_138 : vector<16xi32> to vector<1x1x16xi32>
        tpu.vector_store %arg4[%parallel_loop3A_140, %parallel_loop3A_141, %parallel_loop3A_142], %parallel_loop3A_145 {strides = array<i32>} : memref<128x2x128xi32, #tpu.memory_space<vmem>>, vector<1x1x16xi32>,
        %parallel_loop3A_146 = arith.constant 0 : i32
        %parallel_loop3A_147 = arith.index_cast %parallel_loop3A_103 : i32 to index
        %parallel_loop3A_148 = arith.index_cast %parallel_loop3A_146 : i32 to index
        %parallel_loop3A_149 = arith.constant 48 : index
        %parallel_loop3A_150 = tpu.vector_load %arg4[%parallel_loop3A_147, %parallel_loop3A_148, %parallel_loop3A_149] {strides = array<i32>} : memref<128x2x128xi32, #tpu.memory_space<vmem>>, vector<1x1x16xi32>,
        %parallel_loop3A_151 = vector.shape_cast %parallel_loop3A_150 : vector<1x1x16xi32> to vector<16xi32>
        %parallel_loop3A_152 = arith.addi %parallel_loop3A_151, %broadcast_in_dim3A_1 : vector<16xi32>
        %parallel_loop3A_153 = arith.constant 0 : i32
        %parallel_loop3A_154 = arith.index_cast %parallel_loop3A_103 : i32 to index
        %parallel_loop3A_155 = arith.index_cast %parallel_loop3A_153 : i32 to index
        %parallel_loop3A_156 = arith.constant 48 : index
        %parallel_loop3A_157 = tpu.vector_load %arg4[%parallel_loop3A_154, %parallel_loop3A_155, %parallel_loop3A_156] {strides = array<i32>} : memref<128x2x128xi32, #tpu.memory_space<vmem>>, vector<1x1x16xi32>,
        %parallel_loop3A_158 = vector.shape_cast %parallel_loop3A_157 : vector<1x1x16xi32> to vector<16xi32>
        %parallel_loop3A_159 = vector.shape_cast %parallel_loop3A_152 : vector<16xi32> to vector<1x1x16xi32>
        tpu.vector_store %arg4[%parallel_loop3A_154, %parallel_loop3A_155, %parallel_loop3A_156], %parallel_loop3A_159 {strides = array<i32>} : memref<128x2x128xi32, #tpu.memory_space<vmem>>, vector<1x1x16xi32>,
        %parallel_loop3A_160 = arith.constant 0 : i32
        %parallel_loop3A_161 = arith.index_cast %parallel_loop3A_103 : i32 to index
        %parallel_loop3A_162 = arith.index_cast %parallel_loop3A_160 : i32 to index
        %parallel_loop3A_163 = arith.constant 64 : index
        %parallel_loop3A_164 = tpu.vector_load %arg4[%parallel_loop3A_161, %parallel_loop3A_162, %parallel_loop3A_163] {strides = array<i32>} : memref<128x2x128xi32, #tpu.memory_space<vmem>>, vector<1x1x16xi32>,
        %parallel_loop3A_165 = vector.shape_cast %parallel_loop3A_164 : vector<1x1x16xi32> to vector<16xi32>
        %parallel_loop3A_166 = arith.addi %parallel_loop3A_165, %broadcast_in_dim3A_1 : vector<16xi32>
        %parallel_loop3A_167 = arith.constant 0 : i32
        %parallel_loop3A_168 = arith.index_cast %parallel_loop3A_103 : i32 to index
        %parallel_loop3A_169 = arith.index_cast %parallel_loop3A_167 : i32 to index
        %parallel_loop3A_170 = arith.constant 64 : index
        %parallel_loop3A_171 = tpu.vector_load %arg4[%parallel_loop3A_168, %parallel_loop3A_169, %parallel_loop3A_170] {strides = array<i32>} : memref<128x2x128xi32, #tpu.memory_space<vmem>>, vector<1x1x16xi32>,
        %parallel_loop3A_172 = vector.shape_cast %parallel_loop3A_171 : vector<1x1x16xi32> to vector<16xi32>
        %parallel_loop3A_173 = vector.shape_cast %parallel_loop3A_166 : vector<16xi32> to vector<1x1x16xi32>
        tpu.vector_store %arg4[%parallel_loop3A_168, %parallel_loop3A_169, %parallel_loop3A_170], %parallel_loop3A_173 {strides = array<i32>} : memref<128x2x128xi32, #tpu.memory_space<vmem>>, vector<1x1x16xi32>,
        %parallel_loop3A_174 = arith.constant 0 : i32
        %parallel_loop3A_175 = arith.index_cast %parallel_loop3A_103 : i32 to index
        %parallel_loop3A_176 = arith.index_cast %parallel_loop3A_174 : i32 to index
        %parallel_loop3A_177 = arith.constant 80 : index
        %parallel_loop3A_178 = tpu.vector_load %arg4[%parallel_loop3A_175, %parallel_loop3A_176, %parallel_loop3A_177] {strides = array<i32>} : memref<128x2x128xi32, #tpu.memory_space<vmem>>, vector<1x1x16xi32>,
        %parallel_loop3A_179 = vector.shape_cast %parallel_loop3A_178 : vector<1x1x16xi32> to vector<16xi32>
        %parallel_loop3A_180 = arith.addi %parallel_loop3A_179, %broadcast_in_dim3A_1 : vector<16xi32>
        %parallel_loop3A_181 = arith.constant 0 : i32
        %parallel_loop3A_182 = arith.index_cast %parallel_loop3A_103 : i32 to index
        %parallel_loop3A_183 = arith.index_cast %parallel_loop3A_181 : i32 to index
        %parallel_loop3A_184 = arith.constant 80 : index
        %parallel_loop3A_185 = tpu.vector_load %arg4[%parallel_loop3A_182, %parallel_loop3A_183, %parallel_loop3A_184] {strides = array<i32>} : memref<128x2x128xi32, #tpu.memory_space<vmem>>, vector<1x1x16xi32>,
        %parallel_loop3A_186 = vector.shape_cast %parallel_loop3A_185 : vector<1x1x16xi32> to vector<16xi32>
        %parallel_loop3A_187 = vector.shape_cast %parallel_loop3A_180 : vector<16xi32> to vector<1x1x16xi32>
        tpu.vector_store %arg4[%parallel_loop3A_182, %parallel_loop3A_183, %parallel_loop3A_184], %parallel_loop3A_187 {strides = array<i32>} : memref<128x2x128xi32, #tpu.memory_space<vmem>>, vector<1x1x16xi32>,
        %parallel_loop3A_188 = arith.constant 0 : i32
        %parallel_loop3A_189 = arith.index_cast %parallel_loop3A_103 : i32 to index
        %parallel_loop3A_190 = arith.index_cast %parallel_loop3A_188 : i32 to index
        %parallel_loop3A_191 = arith.constant 96 : index
        %parallel_loop3A_192 = tpu.vector_load %arg4[%parallel_loop3A_189, %parallel_loop3A_190, %parallel_loop3A_191] {strides = array<i32>} : memref<128x2x128xi32, #tpu.memory_space<vmem>>, vector<1x1x16xi32>,
        %parallel_loop3A_193 = vector.shape_cast %parallel_loop3A_192 : vector<1x1x16xi32> to vector<16xi32>
        %parallel_loop3A_194 = arith.addi %parallel_loop3A_193, %broadcast_in_dim3A_1 : vector<16xi32>
        %parallel_loop3A_195 = arith.constant 0 : i32
        %parallel_loop3A_196 = arith.index_cast %parallel_loop3A_103 : i32 to index
        %parallel_loop3A_197 = arith.index_cast %parallel_loop3A_195 : i32 to index
        %parallel_loop3A_198 = arith.constant 96 : index
        %parallel_loop3A_199 = tpu.vector_load %arg4[%parallel_loop3A_196, %parallel_loop3A_197, %parallel_loop3A_198] {strides = array<i32>} : memref<128x2x128xi32, #tpu.memory_space<vmem>>, vector<1x1x16xi32>,
        %parallel_loop3A_200 = vector.shape_cast %parallel_loop3A_199 : vector<1x1x16xi32> to vector<16xi32>
        %parallel_loop3A_201 = vector.shape_cast %parallel_loop3A_194 : vector<16xi32> to vector<1x1x16xi32>
        tpu.vector_store %arg4[%parallel_loop3A_196, %parallel_loop3A_197, %parallel_loop3A_198], %parallel_loop3A_201 {strides = array<i32>} : memref<128x2x128xi32, #tpu.memory_space<vmem>>, vector<1x1x16xi32>,
        %parallel_loop3A_202 = arith.constant 0 : i32
        %parallel_loop3A_203 = arith.index_cast %parallel_loop3A_103 : i32 to index
        %parallel_loop3A_204 = arith.index_cast %parallel_loop3A_202 : i32 to index
        %parallel_loop3A_205 = arith.constant 112 : index
        %parallel_loop3A_206 = tpu.vector_load %arg4[%parallel_loop3A_203, %parallel_loop3A_204, %parallel_loop3A_205] {strides = array<i32>} : memref<128x2x128xi32, #tpu.memory_space<vmem>>, vector<1x1x16xi32>,
        %parallel_loop3A_207 = vector.shape_cast %parallel_loop3A_206 : vector<1x1x16xi32> to vector<16xi32>
        %parallel_loop3A_208 = arith.addi %parallel_loop3A_207, %broadcast_in_dim3A_1 : vector<16xi32>
        %parallel_loop3A_209 = arith.constant 0 : i32
        %parallel_loop3A_210 = arith.index_cast %parallel_loop3A_103 : i32 to index
        %parallel_loop3A_211 = arith.index_cast %parallel_loop3A_209 : i32 to index
        %parallel_loop3A_212 = arith.constant 112 : index
        %parallel_loop3A_213 = tpu.vector_load %arg4[%parallel_loop3A_210, %parallel_loop3A_211, %parallel_loop3A_212] {strides = array<i32>} : memref<128x2x128xi32, #tpu.memory_space<vmem>>, vector<1x1x16xi32>,
        %parallel_loop3A_214 = vector.shape_cast %parallel_loop3A_213 : vector<1x1x16xi32> to vector<16xi32>
        %parallel_loop3A_215 = vector.shape_cast %parallel_loop3A_208 : vector<16xi32> to vector<1x1x16xi32>
        tpu.vector_store %arg4[%parallel_loop3A_210, %parallel_loop3A_211, %parallel_loop3A_212], %parallel_loop3A_215 {strides = array<i32>} : memref<128x2x128xi32, #tpu.memory_space<vmem>>, vector<1x1x16xi32>,
        %parallel_loop3A_216 = arith.constant 1 : i32
        %parallel_loop3A_217 = arith.index_cast %parallel_loop3A_103 : i32 to index
        %parallel_loop3A_218 = arith.index_cast %parallel_loop3A_216 : i32 to index
        %parallel_loop3A_219 = arith.constant 0 : index
        %parallel_loop3A_220 = tpu.vector_load %arg4[%parallel_loop3A_217, %parallel_loop3A_218, %parallel_loop3A_219] {strides = array<i32>} : memref<128x2x128xi32, #tpu.memory_space<vmem>>, vector<1x1x16xi32>,
        %parallel_loop3A_221 = vector.shape_cast %parallel_loop3A_220 : vector<1x1x16xi32> to vector<16xi32>
        %parallel_loop3A_222 = arith.addi %parallel_loop3A_221, %broadcast_in_dim3A_1 : vector<16xi32>
        %parallel_loop3A_223 = arith.constant 1 : i32
        %parallel_loop3A_224 = arith.index_cast %parallel_loop3A_103 : i32 to index
        %parallel_loop3A_225 = arith.index_cast %parallel_loop3A_223 : i32 to index
        %parallel_loop3A_226 = arith.constant 0 : index
        %parallel_loop3A_227 = tpu.vector_load %arg4[%parallel_loop3A_224, %parallel_loop3A_225, %parallel_loop3A_226] {strides = array<i32>} : memref<128x2x128xi32, #tpu.memory_space<vmem>>, vector<1x1x16xi32>,
        %parallel_loop3A_228 = vector.shape_cast %parallel_loop3A_227 : vector<1x1x16xi32> to vector<16xi32>
        %parallel_loop3A_229 = vector.shape_cast %parallel_loop3A_222 : vector<16xi32> to vector<1x1x16xi32>
        tpu.vector_store %arg4[%parallel_loop3A_224, %parallel_loop3A_225, %parallel_loop3A_226], %parallel_loop3A_229 {strides = array<i32>} : memref<128x2x128xi32, #tpu.memory_space<vmem>>, vector<1x1x16xi32>,
        %parallel_loop3A_230 = arith.constant 1 : i32
        %parallel_loop3A_231 = arith.index_cast %parallel_loop3A_103 : i32 to index
        %parallel_loop3A_232 = arith.index_cast %parallel_loop3A_230 : i32 to index
        %parallel_loop3A_233 = arith.constant 16 : index
        %parallel_loop3A_234 = tpu.vector_load %arg4[%parallel_loop3A_231, %parallel_loop3A_232, %parallel_loop3A_233] {strides = array<i32>} : memref<128x2x128xi32, #tpu.memory_space<vmem>>, vector<1x1x16xi32>,
        %parallel_loop3A_235 = vector.shape_cast %parallel_loop3A_234 : vector<1x1x16xi32> to vector<16xi32>
        %parallel_loop3A_236 = arith.addi %parallel_loop3A_235, %broadcast_in_dim3A_1 : vector<16xi32>
        %parallel_loop3A_237 = arith.constant 1 : i32
        %parallel_loop3A_238 = arith.index_cast %parallel_loop3A_103 : i32 to index
        %parallel_loop3A_239 = arith.index_cast %parallel_loop3A_237 : i32 to index
        %parallel_loop3A_240 = arith.constant 16 : index
        %parallel_loop3A_241 = tpu.vector_load %arg4[%parallel_loop3A_238, %parallel_loop3A_239, %parallel_loop3A_240] {strides = array<i32>} : memref<128x2x128xi32, #tpu.memory_space<vmem>>, vector<1x1x16xi32>,
        %parallel_loop3A_242 = vector.shape_cast %parallel_loop3A_241 : vector<1x1x16xi32> to vector<16xi32>
        %parallel_loop3A_243 = vector.shape_cast %parallel_loop3A_236 : vector<16xi32> to vector<1x1x16xi32>
        tpu.vector_store %arg4[%parallel_loop3A_238, %parallel_loop3A_239, %parallel_loop3A_240], %parallel_loop3A_243 {strides = array<i32>} : memref<128x2x128xi32, #tpu.memory_space<vmem>>, vector<1x1x16xi32>,
        %parallel_loop3A_244 = arith.constant 1 : i32
        %parallel_loop3A_245 = arith.index_cast %parallel_loop3A_103 : i32 to index
        %parallel_loop3A_246 = arith.index_cast %parallel_loop3A_244 : i32 to index
        %parallel_loop3A_247 = arith.constant 32 : index
        %parallel_loop3A_248 = tpu.vector_load %arg4[%parallel_loop3A_245, %parallel_loop3A_246, %parallel_loop3A_247] {strides = array<i32>} : memref<128x2x128xi32, #tpu.memory_space<vmem>>, vector<1x1x16xi32>,
        %parallel_loop3A_249 = vector.shape_cast %parallel_loop3A_248 : vector<1x1x16xi32> to vector<16xi32>
        %parallel_loop3A_250 = arith.addi %parallel_loop3A_249, %broadcast_in_dim3A_1 : vector<16xi32>
        %parallel_loop3A_251 = arith.constant 1 : i32
        %parallel_loop3A_252 = arith.index_cast %parallel_loop3A_103 : i32 to index
        %parallel_loop3A_253 = arith.index_cast %parallel_loop3A_251 : i32 to index
        %parallel_loop3A_254 = arith.constant 32 : index
        %parallel_loop3A_255 = tpu.vector_load %arg4[%parallel_loop3A_252, %parallel_loop3A_253, %parallel_loop3A_254] {strides = array<i32>} : memref<128x2x128xi32, #tpu.memory_space<vmem>>, vector<1x1x16xi32>,
        %parallel_loop3A_256 = vector.shape_cast %parallel_loop3A_255 : vector<1x1x16xi32> to vector<16xi32>
        %parallel_loop3A_257 = vector.shape_cast %parallel_loop3A_250 : vector<16xi32> to vector<1x1x16xi32>
        tpu.vector_store %arg4[%parallel_loop3A_252, %parallel_loop3A_253, %parallel_loop3A_254], %parallel_loop3A_257 {strides = array<i32>} : memref<128x2x128xi32, #tpu.memory_space<vmem>>, vector<1x1x16xi32>,
        %parallel_loop3A_258 = arith.constant 1 : i32
        %parallel_loop3A_259 = arith.index_cast %parallel_loop3A_103 : i32 to index
        %parallel_loop3A_260 = arith.index_cast %parallel_loop3A_258 : i32 to index
        %parallel_loop3A_261 = arith.constant 48 : index
        %parallel_loop3A_262 = tpu.vector_load %arg4[%parallel_loop3A_259, %parallel_loop3A_260, %parallel_loop3A_261] {strides = array<i32>} : memref<128x2x128xi32, #tpu.memory_space<vmem>>, vector<1x1x16xi32>,
        %parallel_loop3A_263 = vector.shape_cast %parallel_loop3A_262 : vector<1x1x16xi32> to vector<16xi32>
        %parallel_loop3A_264 = arith.addi %parallel_loop3A_263, %broadcast_in_dim3A_1 : vector<16xi32>
        %parallel_loop3A_265 = arith.constant 1 : i32
        %parallel_loop3A_266 = arith.index_cast %parallel_loop3A_103 : i32 to index
        %parallel_loop3A_267 = arith.index_cast %parallel_loop3A_265 : i32 to index
        %parallel_loop3A_268 = arith.constant 48 : index
        %parallel_loop3A_269 = tpu.vector_load %arg4[%parallel_loop3A_266, %parallel_loop3A_267, %parallel_loop3A_268] {strides = array<i32>} : memref<128x2x128xi32, #tpu.memory_space<vmem>>, vector<1x1x16xi32>,
        %parallel_loop3A_270 = vector.shape_cast %parallel_loop3A_269 : vector<1x1x16xi32> to vector<16xi32>
        %parallel_loop3A_271 = vector.shape_cast %parallel_loop3A_264 : vector<16xi32> to vector<1x1x16xi32>
        tpu.vector_store %arg4[%parallel_loop3A_266, %parallel_loop3A_267, %parallel_loop3A_268], %parallel_loop3A_271 {strides = array<i32>} : memref<128x2x128xi32, #tpu.memory_space<vmem>>, vector<1x1x16xi32>,
        %parallel_loop3A_272 = arith.constant 1 : i32
        %parallel_loop3A_273 = arith.index_cast %parallel_loop3A_103 : i32 to index
        %parallel_loop3A_274 = arith.index_cast %parallel_loop3A_272 : i32 to index
        %parallel_loop3A_275 = arith.constant 64 : index
        %parallel_loop3A_276 = tpu.vector_load %arg4[%parallel_loop3A_273, %parallel_loop3A_274, %parallel_loop3A_275] {strides = array<i32>} : memref<128x2x128xi32, #tpu.memory_space<vmem>>, vector<1x1x16xi32>,
        %parallel_loop3A_277 = vector.shape_cast %parallel_loop3A_276 : vector<1x1x16xi32> to vector<16xi32>
        %parallel_loop3A_278 = arith.addi %parallel_loop3A_277, %broadcast_in_dim3A_1 : vector<16xi32>
        %parallel_loop3A_279 = arith.constant 1 : i32
        %parallel_loop3A_280 = arith.index_cast %parallel_loop3A_103 : i32 to index
        %parallel_loop3A_281 = arith.index_cast %parallel_loop3A_279 : i32 to index
        %parallel_loop3A_282 = arith.constant 64 : index
        %parallel_loop3A_283 = tpu.vector_load %arg4[%parallel_loop3A_280, %parallel_loop3A_281, %parallel_loop3A_282] {strides = array<i32>} : memref<128x2x128xi32, #tpu.memory_space<vmem>>, vector<1x1x16xi32>,
        %parallel_loop3A_284 = vector.shape_cast %parallel_loop3A_283 : vector<1x1x16xi32> to vector<16xi32>
        %parallel_loop3A_285 = vector.shape_cast %parallel_loop3A_278 : vector<16xi32> to vector<1x1x16xi32>
        tpu.vector_store %arg4[%parallel_loop3A_280, %parallel_loop3A_281, %parallel_loop3A_282], %parallel_loop3A_285 {strides = array<i32>} : memref<128x2x128xi32, #tpu.memory_space<vmem>>, vector<1x1x16xi32>,
        %parallel_loop3A_286 = arith.constant 1 : i32
        %parallel_loop3A_287 = arith.index_cast %parallel_loop3A_103 : i32 to index
        %parallel_loop3A_288 = arith.index_cast %parallel_loop3A_286 : i32 to index
        %parallel_loop3A_289 = arith.constant 80 : index
        %parallel_loop3A_290 = tpu.vector_load %arg4[%parallel_loop3A_287, %parallel_loop3A_288, %parallel_loop3A_289] {strides = array<i32>} : memref<128x2x128xi32, #tpu.memory_space<vmem>>, vector<1x1x16xi32>,
        %parallel_loop3A_291 = vector.shape_cast %parallel_loop3A_290 : vector<1x1x16xi32> to vector<16xi32>
        %parallel_loop3A_292 = arith.addi %parallel_loop3A_291, %broadcast_in_dim3A_1 : vector<16xi32>
        %parallel_loop3A_293 = arith.constant 1 : i32
        %parallel_loop3A_294 = arith.index_cast %parallel_loop3A_103 : i32 to index
        %parallel_loop3A_295 = arith.index_cast %parallel_loop3A_293 : i32 to index
        %parallel_loop3A_296 = arith.constant 80 : index
        %parallel_loop3A_297 = tpu.vector_load %arg4[%parallel_loop3A_294, %parallel_loop3A_295, %parallel_loop3A_296] {strides = array<i32>} : memref<128x2x128xi32, #tpu.memory_space<vmem>>, vector<1x1x16xi32>,
        %parallel_loop3A_298 = vector.shape_cast %parallel_loop3A_297 : vector<1x1x16xi32> to vector<16xi32>
        %parallel_loop3A_299 = vector.shape_cast %parallel_loop3A_292 : vector<16xi32> to vector<1x1x16xi32>
        tpu.vector_store %arg4[%parallel_loop3A_294, %parallel_loop3A_295, %parallel_loop3A_296], %parallel_loop3A_299 {strides = array<i32>} : memref<128x2x128xi32, #tpu.memory_space<vmem>>, vector<1x1x16xi32>,
        %parallel_loop3A_300 = arith.constant 1 : i32
        %parallel_loop3A_301 = arith.index_cast %parallel_loop3A_103 : i32 to index
        %parallel_loop3A_302 = arith.index_cast %parallel_loop3A_300 : i32 to index
        %parallel_loop3A_303 = arith.constant 96 : index
        %parallel_loop3A_304 = tpu.vector_load %arg4[%parallel_loop3A_301, %parallel_loop3A_302, %parallel_loop3A_303] {strides = array<i32>} : memref<128x2x128xi32, #tpu.memory_space<vmem>>, vector<1x1x16xi32>,
        %parallel_loop3A_305 = vector.shape_cast %parallel_loop3A_304 : vector<1x1x16xi32> to vector<16xi32>
        %parallel_loop3A_306 = arith.addi %parallel_loop3A_305, %broadcast_in_dim3A_1 : vector<16xi32>
        %parallel_loop3A_307 = arith.constant 1 : i32
        %parallel_loop3A_308 = arith.index_cast %parallel_loop3A_103 : i32 to index
        %parallel_loop3A_309 = arith.index_cast %parallel_loop3A_307 : i32 to index
        %parallel_loop3A_310 = arith.constant 96 : index
        %parallel_loop3A_311 = tpu.vector_load %arg4[%parallel_loop3A_308, %parallel_loop3A_309, %parallel_loop3A_310] {strides = array<i32>} : memref<128x2x128xi32, #tpu.memory_space<vmem>>, vector<1x1x16xi32>,
        %parallel_loop3A_312 = vector.shape_cast %parallel_loop3A_311 : vector<1x1x16xi32> to vector<16xi32>
        %parallel_loop3A_313 = vector.shape_cast %parallel_loop3A_306 : vector<16xi32> to vector<1x1x16xi32>
        tpu.vector_store %arg4[%parallel_loop3A_308, %parallel_loop3A_309, %parallel_loop3A_310], %parallel_loop3A_313 {strides = array<i32>} : memref<128x2x128xi32, #tpu.memory_space<vmem>>, vector<1x1x16xi32>,
        %parallel_loop3A_314 = arith.constant 1 : i32
        %parallel_loop3A_315 = arith.index_cast %parallel_loop3A_103 : i32 to index
        %parallel_loop3A_316 = arith.index_cast %parallel_loop3A_314 : i32 to index
        %parallel_loop3A_317 = arith.constant 112 : index
        %parallel_loop3A_318 = tpu.vector_load %arg4[%parallel_loop3A_315, %parallel_loop3A_316, %parallel_loop3A_317] {strides = array<i32>} : memref<128x2x128xi32, #tpu.memory_space<vmem>>, vector<1x1x16xi32>,
        %parallel_loop3A_319 = vector.shape_cast %parallel_loop3A_318 : vector<1x1x16xi32> to vector<16xi32>
        %parallel_loop3A_320 = arith.addi %parallel_loop3A_319, %broadcast_in_dim3A_1 : vector<16xi32>
        %parallel_loop3A_321 = arith.constant 1 : i32
        %parallel_loop3A_322 = arith.index_cast %parallel_loop3A_103 : i32 to index
        %parallel_loop3A_323 = arith.index_cast %parallel_loop3A_321 : i32 to index
        %parallel_loop3A_324 = arith.constant 112 : index
        %parallel_loop3A_325 = tpu.vector_load %arg4[%parallel_loop3A_322, %parallel_loop3A_323, %parallel_loop3A_324] {strides = array<i32>} : memref<128x2x128xi32, #tpu.memory_space<vmem>>, vector<1x1x16xi32>,
        %parallel_loop3A_326 = vector.shape_cast %parallel_loop3A_325 : vector<1x1x16xi32> to vector<16xi32>
        %parallel_loop3A_327 = vector.shape_cast %parallel_loop3A_320 : vector<16xi32> to vector<1x1x16xi32>
        tpu.vector_store %arg4[%parallel_loop3A_322, %parallel_loop3A_323, %parallel_loop3A_324], %parallel_loop3A_327 {strides = array<i32>} : memref<128x2x128xi32, #tpu.memory_space<vmem>>, vector<1x1x16xi32>,
      } {sc.loop_unroll_factor = 2 : i64, sc.parallel_access}
      "tpu.region"() ({
        %run_scoped3A = tpu.sem_alloc : memref<!tpu.dma_semaphore, #tpu.memory_space<semaphore_mem>>
        %dma_start3A = arith.constant 0 : i32
        %dma_start3A_103 = arith.constant 0 : i32
        %dma_start3A_104 = arith.constant 0 : i32
        %dma_start3A_105 = tpu.memref_slice %arg4[%dma_start3A, %dma_start3A_103, %dma_start3A_104] : memref<128x2x128xi32, #tpu.memory_space<vmem>> -> memref<108x2x128xi32, #tpu.memory_space<vmem>>
        %dma_start3A_106 = arith.constant 20864 : i32
        %dma_start3A_107 = arith.constant 0 : i32
        %dma_start3A_108 = arith.constant 0 : i32
        %dma_start3A_109 = tpu.memref_slice %arg3[%dma_start3A_106, %dma_start3A_107, %dma_start3A_108] : memref<20972x2x128xi32, #tpu.memory_space<hbm>> -> memref<108x2x128xi32, #tpu.memory_space<hbm>>
        %dma_start3A_110 = arith.constant 20864 : i32
        %dma_start3A_111 = arith.constant 0 : i32
        %dma_start3A_112 = arith.constant 0 : i32
        %dma_start3A_113 = tpu.memref_slice %arg3[%dma_start3A_110, %dma_start3A_111, %dma_start3A_112] : memref<20972x2x128xi32, #tpu.memory_space<hbm>> -> memref<108x2x128xi32, #tpu.memory_space<hbm>>
        %dma_start3A_114 = arith.constant 0 : i32
        %dma_start3A_115 = arith.constant 0 : i32
        %dma_start3A_116 = arith.constant 0 : i32
        %dma_start3A_117 = tpu.memref_slice %arg4[%dma_start3A_114, %dma_start3A_115, %dma_start3A_116] : memref<128x2x128xi32, #tpu.memory_space<vmem>> -> memref<108x2x128xi32, #tpu.memory_space<vmem>>
        tpu.enqueue_dma source(%dma_start3A_117 : memref<108x2x128xi32, #tpu.memory_space<vmem>>) target(%dma_start3A_113 : memref<108x2x128xi32, #tpu.memory_space<hbm>>) target_semaphore(%run_scoped3A : memref<!tpu.dma_semaphore, #tpu.memory_space<semaphore_mem>>)
        %dma_wait3A = arith.constant 0 : i32
        %dma_wait3A_118 = arith.constant 0 : i32
        %dma_wait3A_119 = arith.constant 0 : i32
        %dma_wait3A_120 = tpu.memref_slice %arg4[%dma_wait3A, %dma_wait3A_118, %dma_wait3A_119] : memref<128x2x128xi32, #tpu.memory_space<vmem>> -> memref<108x2x128xi32, #tpu.memory_space<vmem>>
        %dma_wait3A_121 = arith.constant 20864 : i32
        %dma_wait3A_122 = arith.constant 0 : i32
        %dma_wait3A_123 = arith.constant 0 : i32
        %dma_wait3A_124 = tpu.memref_slice %arg3[%dma_wait3A_121, %dma_wait3A_122, %dma_wait3A_123] : memref<20972x2x128xi32, #tpu.memory_space<hbm>> -> memref<108x2x128xi32, #tpu.memory_space<hbm>>
        %dma_wait3A_125 = arith.constant 20864 : i32
        %dma_wait3A_126 = arith.constant 0 : i32
        %dma_wait3A_127 = arith.constant 0 : i32
        %dma_wait3A_128 = tpu.memref_slice %arg3[%dma_wait3A_125, %dma_wait3A_126, %dma_wait3A_127] : memref<20972x2x128xi32, #tpu.memory_space<hbm>> -> memref<108x2x128xi32, #tpu.memory_space<hbm>>
        %dma_wait3A_129 = arith.constant 0 : i32
        %dma_wait3A_130 = arith.constant 0 : i32
        %dma_wait3A_131 = arith.constant 0 : i32
        %dma_wait3A_132 = tpu.memref_slice %arg4[%dma_wait3A_129, %dma_wait3A_130, %dma_wait3A_131] : memref<128x2x128xi32, #tpu.memory_space<vmem>> -> memref<108x2x128xi32, #tpu.memory_space<vmem>>
        tpu.wait_dma2 semaphore(%run_scoped3A : memref<!tpu.dma_semaphore, #tpu.memory_space<semaphore_mem>>) src(%dma_wait3A_132 : memref<108x2x128xi32, #tpu.memory_space<vmem>>) dst(%dma_wait3A_128 : memref<108x2x128xi32, #tpu.memory_space<hbm>>)
        tpu.yield
      }) : () -> ()
    } else {
    }
    return
  }
}

</mosaic_0001>

<sc_bundles>
// kernel: kernel.3.cloned.1.call-start
scs
__scs_entry_jumppad:
0x0: {  	(pc) =	sbr.rel $0x88, $3  }
0x1: {  	(tag) =	ssettag $0x0;
	lr =	simm.s32 $0x1  }
0x2: {  	[smem:$0x3F9F] =	sst lr;
	_ =	strace $0xD0000000  }
0x3: {  	_ = 	snop  }
0x4: {  	_ = 	snop  }
0x5: {  	_ = 	snop  }
0x6: {  	_ = 	snop  }
0x7: {  	_ = 	snop  }
__scs_overlays_trampoline_lowered:
0x8: {  	[smem:$0x3FAE] =	sst s0  }
0x9: {  	[smem:$0x3FAF] =	sst s1  }
0xa: {  	[smem:$0x3FB0] =	sst s2  }
0xb: {  	[smem:$0x3FB1] =	sst s3  }
0xc: {  	[smem:$0x3FB2] =	sst s4  }
0xd: {  	[smem:$0x3FB3] =	sst s5  }
0xe: {  	[smem:$0x3FB4] =	sst s6  }
0xf: {  	[smem:$0x3FB5] =	sst s7  }
0x10: {  	[smem:$0x3FB6] =	sst s8  }
0x11: {  	[smem:$0x3FB7] =	sst s9;
	s0 =	simm.s32 @!p0 $0x0  }
0x12: {  	s1 =	sld [smem:$0x3F9D];
	s0 =	simm.s32 @p0 $0x1  }
0x13: {  	[smem:$0x3FB8] =	sst s0;
	s0 =	simm.s32 @!p1 $0x0  }
0x14: {  	s2 =	sld [smem:$0x3F9C];
	s0 =	simm.s32 @p1 $0x1  }
0x15: {  	[smem:$0x3FB9] =	sst s0;
	s0 =	simm.s32 @!p2 $0x0  }
0x16: {  	s3 =	sld [smem:$0x3FDB];
	s0 =	simm.s32 @p2 $0x1  }
0x17: {  	s4 =	simm.s32 $0x1BF5;
	[smem:$0x3FBB] =	sst s0  }
0x18: {  	s0 =	sld [smem:$0x3F9E];
	_ =	swait.ge [sflag:s4], $0x0  }
0x19: {  	s7 =	sld [smem:$0x3F9F]  }
0x1a: {  	s8 =	sadd.s32 $0xFFFFE003, lr  }
0x1b: {  	s9 =	sadd.s32 $0xFFFFFEF7, lr;
	s5 =	simm.s32 $0xFFFFFFFF;
	p2 =	slt.u32 s8, $0xFFFFF086  }
0x1c: {  	p1 =	slt.u32 s9, $0xF7A;
	s5 =	simm.s32 @!p2 $0x0  }
0x1d: {  	s5 =	simm.s32 @p1 $0x1;
	p0 =	seq.s32 s7, s2  }
0x1e: {  	s7 =	smul.u32 @!p0 $0xF7A, s2;
	p2 =	seq.s32 @!p0 s5, $0x0  }
0x1f: {  	s9 =	smul.u32 $0xF7A, s1;
	s8 =	simm.s32 @!p0 $0x1BF5;
	p2 =	por !p2, p0  }
0x20: {  	[sflag:s8] =	ssyncset.s32 @!p0 $0xFFFFF086;
	s6 =	sadd.s32 @!p0 s3, s7;
	s7 =	simm.s32 @!p0 $0x108  }
0x21: {  	s3 =	sadd.s32 s3, s9;
	s6 =	sadd.s32 @!p0 $0x88, s6;
	s7 =	simm.s32 @p2 $0x1082  }
0x22: {  	[simem:s7], [sflag:s8] =	dma.local @!p0 [hbm:s6], $0xF7A  }
0x23: {  	s9 =	sor.u32 $0xD0000000, s2;
	s6 =	simm.s32 $0x108;
	_ =	swait.ge @!p0 [sflag:s8], $0x0  }
0x24: {  	s3 =	sadd.s32 $0x88, s3;
	s6 =	simm.s32 @!p1 $0x1082;
	[sflag:s4] =	ssyncset.s32 $0xFFFFF086  }
0x25: {  	[simem:s6], [sflag:s4] =	dma.local [hbm:s3], $0xF7A  }
0x26: {  	[smem:$0x3F9F] =	sst s1;
	(tag) =	ssettag s2;
	_ =	strace s9  }
0x27: {  	s1 =	sld [smem:$0x3FAF]  }
0x28: {  	s2 =	sld [smem:$0x3FB0]  }
0x29: {  	s4 =	sld [smem:$0x3FB2]  }
0x2a: {  	p0 =	seq.s32 s5, $0x0;
	s5 =	sld [smem:$0x3FB3]  }
0x2b: {  	s6 =	sld [smem:$0x3FB4]  }
0x2c: {  	s7 =	sld [smem:$0x3FB5]  }
0x2d: {  	s3 =	simm.s32 $0x108;
	s8 =	sld [smem:$0x3FB6]  }
0x2e: {  	s3 =	simm.s32 @!p0 $0x1082;
	s9 =	sld [smem:$0x3FB7]  }
0x2f: {  	lr =	sadd.s32 s0, s3;
	s0 =	sld [smem:$0x3FAE]  }
0x30: {  	s3 =	sld [smem:$0x3FB1]  }
0x31: {  	[smem:$0x3FBA] =	sst s10  }
0x32: {  	s10 =	sld [smem:$0x3FB8];
	_ =	sdelay $0x3  }
0x33: {  	p0 =	seq.s32 s10, $0x1;
	s10 =	sld [smem:$0x3FBA];
	_ =	sdelay $0x3  }
0x34: {  	[smem:$0x3FBA] =	sst s10  }
0x35: {  	s10 =	sld [smem:$0x3FB9];
	_ =	sdelay $0x3  }
0x36: {  	p1 =	seq.s32 s10, $0x1;
	s10 =	sld [smem:$0x3FBA];
	_ =	sdelay $0x3  }
0x37: {  	[smem:$0x3FBA] =	sst s10  }
0x38: {  	s10 =	sld [smem:$0x3FBB]  }
0x39: {  	_ = 	snop;
	(pc) =	sbr.ind lr, $3  }
0x3a: {  	_ = 	snop  }
0x3b: {  	_ = 	snop  }
0x3c: {  	p2 =	seq.s32 s10, $0x1;
	s10 =	sld [smem:$0x3FBA]  }
0x3d: {  	_ =	shalt  }
0x3e: {  	_ =	shalt  }
0x3f: {  	_ =	shalt  }
0x40: {  	_ =	shalt  }
0x41: {  	_ =	shalt  }
0x42: {  	_ =	shalt  }
0x43: {  	_ =	shalt  }
0x44: {  	_ =	shalt  }
0x45: {  	_ =	shalt  }
0x46: {  	_ =	shalt  }
0x47: {  	_ =	shalt  }
0x48: {  	_ =	shalt  }
0x49: {  	_ =	shalt  }
0x4a: {  	_ =	shalt  }
0x4b: {  	_ =	shalt  }
0x4c: {  	_ =	shalt  }
0x4d: {  	_ =	shalt  }
0x4e: {  	_ =	shalt  }
0x4f: {  	_ =	shalt  }
0x50: {  	_ =	shalt  }
0x51: {  	_ =	shalt  }
0x52: {  	_ =	shalt  }
0x53: {  	_ =	shalt  }
0x54: {  	_ =	shalt  }
0x55: {  	_ =	shalt  }
0x56: {  	_ =	shalt  }
0x57: {  	_ =	shalt  }
0x58: {  	_ =	shalt  }
0x59: {  	_ =	shalt  }
0x5a: {  	_ =	shalt  }
0x5b: {  	_ =	shalt  }
0x5c: {  	_ =	shalt  }
0x5d: {  	_ =	shalt  }
0x5e: {  	_ =	shalt  }
0x5f: {  	_ =	shalt  }
0x60: {  	_ =	shalt  }
0x61: {  	_ =	shalt  }
0x62: {  	_ =	shalt  }
0x63: {  	_ =	shalt  }
0x64: {  	_ =	shalt  }
0x65: {  	_ =	shalt  }
0x66: {  	_ =	shalt  }
0x67: {  	_ =	shalt  }
0x68: {  	_ =	shalt  }
0x69: {  	_ =	shalt  }
0x6a: {  	_ =	shalt  }
0x6b: {  	_ =	shalt  }
0x6c: {  	_ =	shalt  }
0x6d: {  	_ =	shalt  }
0x6e: {  	_ =	shalt  }
0x6f: {  	_ =	shalt  }
0x70: {  	_ =	shalt  }
0x71: {  	_ =	shalt  }
0x72: {  	_ =	shalt  }
0x73: {  	_ =	shalt  }
0x74: {  	_ =	shalt  }
0x75: {  	_ =	shalt  }
0x76: {  	_ =	shalt  }
0x77: {  	_ =	shalt  }
0x78: {  	_ =	shalt  }
0x79: {  	_ =	shalt  }
0x7a: {  	_ =	shalt  }
0x7b: {  	_ =	shalt  }
0x7c: {  	_ =	shalt  }
0x7d: {  	_ =	shalt  }
0x7e: {  	_ =	shalt  }
0x7f: {  	_ =	shalt  }
0x80: {  	_ =	shalt  }
0x81: {  	_ =	shalt  }
0x82: {  	_ =	shalt  }
0x83: {  	_ =	shalt  }
0x84: {  	_ =	shalt  }
0x85: {  	_ =	shalt  }
0x86: {  	_ =	shalt  }
0x87: {  	_ =	shalt  }
.Lfunc_end0:
.L_simem_size_0:
called_computation_lowered:
.L_overlay_start_0:
0x88: {  	s2 =	sld [smem:$0x3FD9]  }
0x89: {  	s3 =	sld [smem:$0x3FFE];
	_ =	sdelay $0x1  }
0x8a: {  	s1 =	srdreg.scid  }
0x8b: {  	s0 =	sand.u32 $0x1, s1  }
0x8c: {  	s14 =	sshll.u32 s0, $0xA;
	s2 =	sadd.s32 s3, s2  }
0x8d: {  	s2 =	sadd.s32 s2, s14  }
0x8e: {  	[smem:$0x3FC6] =	sst s2  }
0x8f: {  	_ = 	snop  }
0x90: {  	s2 =	sld [smem:$0x3FD0];
	_ =	sdelay $0x2  }
0x91: {  	s15 =	simm.s32 $0xA;
	s4 =	simm.s32 $0x10  }
0x92: {  	[smem:s4], [sflag:s15] =	dma.local [hbm:s2], $0x1  }
0x93: {  	_ =	swait.eq [sflag:s15], $0x1  }
0x94: {  	[sflag:s15] =	ssyncset.done $0x0  }
0x95: {  	[sflag:s15] =	ssyncadd.s32 $0xFFFFFFFF  }
0x96: {  	s16 =	sld [smem:$0x10];
	(tm) =	ssettm $0x1  }
0x97: {  	s17 =	sld [smem:$0x3FFB];
	_ =	sdelay $0x3  }
0x98: {  	_ =	strace s17  }
0x99: {  	s3 =	sld [smem:$0x3FFC];
	_ =	sdelay $0x3  }
0x9a: {  	_ =	strace s3  }
0x9b: {  	s3 =	sld [smem:$0x3FFD];
	_ =	sdelay $0x3  }
0x9c: {  	_ =	strace s3  }
0x9d: {  	_ =	strace $0x8FFFFFFF  }
0x9e: {  	s18 =	sld [smem:$0x3FDB];
	_ =	sdelay $0x1  }
0x9f: {  	s19 =	simm.s32 $_scs_section_size  }
0xa0: {  	s5 =	simm.s32 $_size__tile_overlayer_lowered;
	s6 =	simm.s32 $_tile_overlayer_lowered  }
0xa1: {  	s22 =	simm.s32 $0x1BFF;
	s21 =	sshll.u32 s6, $0x1;
	s3 =	sadd.s32 s19, s18  }
0xa2: {  	s7 =	simm.s32 $0x0;
	s20 =	sshll.u32 s5, $0x1;
	s5 =	sadd.s32 s21, s3  }
0xa3: {  	[timem:s7], [sflag:s22] =	dma.local [hbm:s5], s20  }
0xa4: {  	_ =	swait.ge [sflag:s22], s20  }
0xa5: {  	s4 =	ssub.s32 $0x0, s20;
	[sflag:s22] =	ssyncset.done $0x0  }
0xa6: {  	[sflag:s22] =	ssyncadd.s32 s4;
	_ =	sdelay $0x1  }
0xa7: {  	s23 =	simm.s32 $0x1B8B  }
0xa8: {  	_ =	swait.ge [sflag:s23], $0x1  }
0xa9: {  	[sflag:s23] =	ssyncset.done $0x0  }
0xaa: {  	s25 =	simm.s32 $0x1B8E;
	s24 =	sld [smem:$0x3FFE];
	[sflag:s23] =	ssyncadd.s32 $0xFFFFFFFF  }
0xab: {  	s26 =	simm.s32 $execute0_lowered;
	[smem:$0x3FD2] =	sst s25  }
0xac: {  	s5 =	sshll.u32 s26, $0x1;
	_ =	strace $0x80000046;
	[dreg:$0x1] =	wrdreg $0xFFFFFFFF  }
0xad: {  	s28 =	simm.s32 $_size_execute0_lowered;
	s3 =	sadd.s32 s3, s5;
	[dreg:$0x0] =	wrdreg $0x0  }
0xae: {  	s5 =	sshll.u32 s28, $0x1;
	[dreg:$0x2] =	wrdreg s3  }
0xaf: {  	[dreg:$0x3] =	wrdreg s5  }
0xb0: {  	[dreg:$0x4] =	wrdreg $0xC0  }
0xb1: {  	_ =	task [dreg:s7], $0x5FFFF  }
0xb2: {  	[dreg:$0x1] =	wrdreg $0xFFFFFFFF  }
0xb3: {  	[dreg:$0x0] =	wrdreg $0x60  }
0xb4: {  	[dreg:$0x2] =	wrdreg s24  }
0xb5: {  	[dreg:$0x3] =	wrdreg s16  }
0xb6: {  	[dreg:$0x4] =	wrdreg $0x9  }
0xb7: {  	_ =	task.clear_ibuf [dreg:s7], $0x5FFFF;
	_ =	strace $0x90000046  }
0xb8: {  	s29 =	simm.s32 $0x9;
	_ =	strace $0x80000048  }
0xb9: {  	_ =	swait.ge [sflag:s29], $0x1  }
0xba: {  	[sflag:s29] =	ssyncadd.s32 $0xFFFFFFFF  }
0xbb: {  	_ =	strace $0x90000048  }
0xbc: {  	_ =	sfence  }
0xbd: {  	s30 =	sld [smem:$0x0];
	_ =	sdelay $0x2  }
0xbe: {  	s31 =	sshll.u32 s1, $0xD;
	s1 =	sshrl.u32 s1, $0x2  }
0xbf: {  	s3 =	sand.u32 $0x4000, s31;
	s1 =	sadd.s32 s1, s30  }
0xc0: {  	s0 =	sor.u32 s3, s0;
	s1 =	sshll.u32 s1, $0x11  }
0xc1: {  	s0 =	sor.u32 s1, s0  }
0xc2: {  	s0 =	sadd.s32 $0x8F2B, s0  }
0xc3: {  	[sflag:s0] =	ssyncadd.remote.s32 $0x1  }
0xc4: {  	_ =	sfence.sel $0xFFFF  }
0xc5: {  	[dreg:$0x0] =	wrdreg $0xFFFFFFFF;
	(pc) =	sbr.abs _section_cstart, $3  }
0xc6: {  	[dreg:$0x1] =	wrdreg $0xFFFFFFFF  }
0xc7: {  	_ =	task.clear_ibuf [dreg:s7], $0x2FFFF;
	_ =	strace $0x9FFFFFFF  }
0xc8: {  	(tm) =	ssettm $0x7FFFFFFF  }
0xc9: {  	_ =	shalt  }
tec
execute0_lowered:
.L_overlay_start_1:
0x0: {  	(tag) =	ssettag $0x1  }
0x1: {  	s15 =	rddreg [dreg:$0x0]  }
0x2: {  	s16 =	rddreg [dreg:$0x1]  }
0x3: {  	s0 =	rddreg [dreg:$0x2];
	s2 =	simm.s32 $0x0  }
0x4: {  	s3 =	srdreg.scid;
	s1 =	stileid.u32;
	s19 =	simm.s32 $0x1  }
0x5: {  	s20 =	simm.s32 $0x3;
	s21 =	simm.s32 $0x2;
	s22 =	simm.s32 $0x4  }
0x6: {  	s24 =	simm.s32 $0x0;
	[smem:$0x7FF] =	sst s2;
	s3 =	sand.u32 $0x1, s3  }
0x7: {  	s4 =	sshll.u32 s1, $0x1;
	s12 =	sadd.s32 $0x1000, s15;
	s15 =	sadd.s32 $0xA4000, s15  }
0x8: {  	_ =	strace $0x80000047;
	s5 =	ssub.s32 $0x2, s3;
	s23 =	sor.u32 s3, s4  }
0x9: {  	s31 =	sshrl.u32 s5, $0x1;
	s13 =	sshll.u32 s23, $0xC;
	p0 =	sgt.u32 s23, $0x2  }
0xa: {  	p1 =	sne.s32 s23, $0x1F;
	s23 =	simm.s32 $0x5;
	s17 =	ssub.s32 s5, s31  }
0xb: {  	s3 =	sadd.s32 s12, s13;
	s7 =	sor.u32 $0x20000, s13;
	s5 =	sadd.s32 s16, s13  }
0xc: {  	s9 =	sor.u32 $0x40000, s13;
	s11 =	sor.u32 $0x60000, s13;
	s14 =	sor.u32 $0x80000, s13  }
.Ltmp0:
0xd: {  	s18 =	sor.u32 $0xA0000, s13;
	s4 =	sadd.s32 s12, s7;
	(pc) =	sbr.rel .LBB2_1-.Ltmp0, $4  }
0xe: {  	s6 =	sadd.s32 s12, s9;
	s7 =	sadd.s32 s16, s7;
	s8 =	sadd.s32 s12, s11  }
0xf: {  	s9 =	sadd.s32 s16, s9;
	s10 =	sadd.s32 s12, s14;
	s11 =	sadd.s32 s16, s11  }
0x10: {  	s12 =	sadd.s32 s12, s18;
	s13 =	sadd.s32 s16, s14;
	s14 =	sadd.s32 s16, s18  }
0x11: {  	s16 =	sadd.s32 $0xA3000, s16;
	s17 =	smax.u32 s17, $0x1;
	s18 =	simm.s32 $0x8000  }
.LBB2_18:
0x12: {  	[tilespmem:s25+$0xA0] =	vst v5;
	v0 =	vadd.s32 $0x4000, v0  }
0x13: {  	v60 =	vadd.s32 $0x4000, v1;
	[tilespmem:s25+$0xB0] =	vst v0  }
0x14: {  	v61 =	vadd.s32 $0x4000, v2;
	[tilespmem:s25+$0xC0] =	vst v60  }
0x15: {  	v62 =	vadd.s32 $0x4000, v3;
	[tilespmem:s25+$0xD0] =	vst v61  }
0x16: {  	v63 =	vadd.s32 $0x4000, v4;
	[tilespmem:s25+$0xE0] =	vst v62  }
0x17: {  	[tilespmem:s25+$0xFFFFFF00] =	vst v63  }
0x18: {  	[hbm4b:s16+s2] =	stream.linear.scatter [tilespmem:s2], [sflag:$0x5], $0x6C00, $0x38;
	[tilespmem:$0x10000] =	vst v63  }
0x19: {  	_ =	swait.ge [sflag:s23], $0x6C00  }
0x1a: {  	[sflag:s23] =	ssyncset.done $0x0  }
0x1b: {  	[sflag:s23] =	ssyncadd.s32 $0xFFFF9400  }
.LBB2_19:
0x1c: {  	s24 =	sadd.s32 $0x1, s24  }
0x1d: {  	p2 =	sne.s32 s24, s17  }
.Ltmp1:
0x1e: {  	_ = 	snop;
	(pc) =	sbr.rel @!p2 .LBB2_20-.Ltmp1, $1  }
0x1f: {  	_ =	sdelay $0x3  }
.LBB2_1:
0x20: {  	[tilespmem:s2], [sflag:$0x1] =	stream.linear.gather [hbm4b:s3+s2], $0x8000, $0x38;
	[tilespmem:$0x10000] =	vst v63  }
0x21: {  	_ = 	snop  }
0x22: {  	[tilespmem:s18], [sflag:$0x2] =	stream.linear.gather [hbm4b:s4+s2], $0x8000, $0x38;
	[tilespmem:$0x10000] =	vst v63  }
0x23: {  	_ =	swait.ge [sflag:s19], $0x8000  }
0x24: {  	[sflag:s19] =	ssyncset.done $0x0  }
0x25: {  	s25 =	simm.s32 $0x100;
	[sflag:s19] =	ssyncadd.s32 $0xFFFF8000  }
0x26: {  	v0 =	vld [tilespmem:s25+$0xFFFFFF10]  }
0x27: {  	v6 =	vld [tilespmem:s25+$0xF0]  }
0x28: {  	v5 =	vld [tilespmem:s25+$0xFFFFFF60]  }
0x29: {  	v1 =	vld [tilespmem:s25+$0xFFFFFF20]  }
0x2a: {  	v2 =	vld [tilespmem:s25+$0xFFFFFF30]  }
0x2b: {  	v3 =	vld [tilespmem:s25+$0xFFFFFF40];
	v0 =	vadd.s32 $0x4000, v0  }
0x2c: {  	v4 =	vld [tilespmem:s25+$0xFFFFFF50];
	v6 =	vadd.s32 $0x4000, v6;
	[tilespmem:s25+$0xFFFFFF10] =	vst v0  }
0x2d: {  	v5 =	vadd.s32 $0x4000, v5;
	[tilespmem:s25+$0xF0] =	vst v6;
	v6 =	vld [tilespmem:s25+$0x0]  }
0x2e: {  	v0 =	vadd.s32 $0x4000, v1;
	v1 =	vld [tilespmem:s25+$0xFFFFFF70];
	[tilespmem:s25+$0xFFFFFF60] =	vst v5  }
0x2f: {  	v7 =	vld [tilespmem:s25+$0x10];
	[tilespmem:s25+$0xFFFFFF20] =	vst v0;
	v0 =	vadd.s32 $0x4000, v2  }
0x30: {  	v2 =	vld [tilespmem:s25+$0xFFFFFF80];
	[tilespmem:s25+$0xFFFFFF30] =	vst v0;
	v0 =	vadd.s32 $0x4000, v3  }
0x31: {  	v8 =	vld [tilespmem:s25+$0x20];
	[tilespmem:s25+$0xFFFFFF40] =	vst v0;
	v0 =	vadd.s32 $0x4000, v4  }
0x32: {  	v3 =	vld [tilespmem:s25+$0xFFFFFF90];
	[tilespmem:s25+$0xFFFFFF50] =	vst v0;
	v5 =	vadd.s32 $0x4000, v6  }
0x33: {  	v9 =	vld [tilespmem:s25+$0x30];
	v1 =	vadd.s32 $0x4000, v1;
	[tilespmem:s25+$0x0] =	vst v5  }
0x34: {  	v4 =	vld [tilespmem:s25+$0xFFFFFFA0];
	[tilespmem:s25+$0xFFFFFF70] =	vst v1;
	v1 =	vadd.s32 $0x4000, v7  }
0x35: {  	v10 =	vld [tilespmem:s25+$0x40];
	v2 =	vadd.s32 $0x4000, v2;
	[tilespmem:s25+$0x10] =	vst v1  }
0x36: {  	v0 =	vld [tilespmem:s25+$0xFFFFFFB0];
	[tilespmem:s25+$0xFFFFFF80] =	vst v2;
	v2 =	vadd.s32 $0x4000, v8  }
0x37: {  	v6 =	vld [tilespmem:s25+$0x50];
	v3 =	vadd.s32 $0x4000, v3;
	[tilespmem:s25+$0x20] =	vst v2  }
0x38: {  	v5 =	vld [tilespmem:s25+$0xFFFFFFC0];
	[tilespmem:s25+$0xFFFFFF90] =	vst v3;
	v3 =	vadd.s32 $0x4000, v9  }
0x39: {  	v7 =	vld [tilespmem:s25+$0x60];
	v4 =	vadd.s32 $0x4000, v4;
	[tilespmem:s25+$0x30] =	vst v3  }
0x3a: {  	v63 =	vld [tilespmem:s25+$0x90];
	[tilespmem:s25+$0xFFFFFFA0] =	vst v4;
	v4 =	vadd.s32 $0x4000, v10  }
0x3b: {  	v1 =	vld [tilespmem:s25+$0xFFFFFFD0];
	v0 =	vadd.s32 $0x4000, v0;
	[tilespmem:s25+$0x40] =	vst v4  }
0x3c: {  	v61 =	vld [tilespmem:s25+$0x70];
	[tilespmem:s25+$0xFFFFFFB0] =	vst v0;
	v0 =	vadd.s32 $0x4000, v6  }
0x3d: {  	v2 =	vld [tilespmem:s25+$0xFFFFFFE0];
	[tilespmem:s25+$0x50] =	vst v0;
	v0 =	vadd.s32 $0x4000, v5  }
0x3e: {  	v3 =	vld [tilespmem:s25+$0xFFFFFFF0];
	v4 =	vadd.s32 $0x4000, v7;
	[tilespmem:s25+$0xFFFFFFC0] =	vst v0  }
0x3f: {  	v62 =	vld [tilespmem:s25+$0x80];
	v5 =	vadd.s32 $0x4000, v63;
	[tilespmem:s25+$0x60] =	vst v4  }
0x40: {  	v6 =	vld [tilespmem:s25+$0xA0];
	v1 =	vadd.s32 $0x4000, v1;
	[tilespmem:s25+$0x90] =	vst v5  }
0x41: {  	v0 =	vld [tilespmem:s25+$0xB0];
	v4 =	vadd.s32 $0x4000, v61;
	[tilespmem:s25+$0xFFFFFFD0] =	vst v1  }
0x42: {  	v1 =	vld [tilespmem:s25+$0xC0];
	[tilespmem:s25+$0x70] =	vst v4;
	v2 =	vadd.s32 $0x4000, v2  }
0x43: {  	[tilespmem:s25+$0xFFFFFFE0] =	vst v2;
	v2 =	vld [tilespmem:s25+$0xD0];
	v3 =	vadd.s32 $0x4000, v3  }
0x44: {  	v4 =	vadd.s32 $0x4000, v62;
	[tilespmem:s25+$0xFFFFFFF0] =	vst v3;
	v3 =	vld [tilespmem:s25+$0xE0]  }
0x45: {  	s26 =	simm.s32 $0x0;
	s28 =	simm.s32 $0x300;
	[tilespmem:s25+$0x80] =	vst v4;
	v4 =	vld [tilespmem:s25+$0xFFFFFF00];
	v5 =	vadd.s32 $0x4000, v6  }
.LBB2_2:
0x46: {  	v6 =	vld [tilespmem:s28+$0xF0];
	s26 =	sadd.s32 $0x2, s26;
	[tilespmem:s25+$0xA0] =	vst v5;
	v0 =	vadd.s32 $0x4000, v0  }
0x47: {  	v5 =	vld [tilespmem:s28+$0xFFFFFF10];
	p2 =	slt.u32 s26, $0x7E;
	[tilespmem:s25+$0xB0] =	vst v0;
	v0 =	vadd.s32 $0x4000, v1  }
0x48: {  	v1 =	vld [tilespmem:s28+$0xFFFFFF20];
	[tilespmem:s25+$0xC0] =	vst v0;
	v0 =	vadd.s32 $0x4000, v2  }
0x49: {  	v2 =	vld [tilespmem:s28+$0xFFFFFF30];
	[tilespmem:s25+$0xD0] =	vst v0;
	v0 =	vadd.s32 $0x4000, v3  }
0x4a: {  	v3 =	vld [tilespmem:s28+$0xFFFFFF40];
	v4 =	vadd.s32 $0x4000, v4;
	[tilespmem:s25+$0xE0] =	vst v0  }
0x4b: {  	v0 =	vld [tilespmem:s28+$0xFFFFFF50];
	v6 =	vadd.s32 $0x4000, v6;
	[tilespmem:s25+$0xFFFFFF00] =	vst v4;
	s25 =	smov.u32 s28  }
0x4c: {  	v4 =	vadd.s32 $0x4000, v5;
	v5 =	vld [tilespmem:s28+$0xFFFFFF60];
	[tilespmem:s28+$0xF0] =	vst v6  }
0x4d: {  	[tilespmem:s28+$0xFFFFFF10] =	vst v4;
	v1 =	vadd.s32 $0x4000, v1;
	v4 =	vld [tilespmem:s28+$0xFFFFFF70]  }
0x4e: {  	[tilespmem:s28+$0xFFFFFF20] =	vst v1;
	v1 =	vadd.s32 $0x4000, v2;
	v2 =	vld [tilespmem:s28+$0xFFFFFF80]  }
0x4f: {  	[tilespmem:s28+$0xFFFFFF30] =	vst v1;
	v1 =	vadd.s32 $0x4000, v3;
	v3 =	vld [tilespmem:s28+$0xFFFFFF90]  }
0x50: {  	[tilespmem:s28+$0xFFFFFF40] =	vst v1;
	v0 =	vadd.s32 $0x4000, v0;
	v1 =	vld [tilespmem:s28+$0xFFFFFFA0]  }
0x51: {  	[tilespmem:s28+$0xFFFFFF50] =	vst v0;
	v0 =	vadd.s32 $0x4000, v5;
	v5 =	vld [tilespmem:s28+$0xFFFFFFB0]  }
0x52: {  	[tilespmem:s28+$0xFFFFFF60] =	vst v0;
	v0 =	vadd.s32 $0x4000, v4;
	v4 =	vld [tilespmem:s28+$0xFFFFFFC0]  }
0x53: {  	[tilespmem:s28+$0xFFFFFF70] =	vst v0;
	v0 =	vadd.s32 $0x4000, v2;
	v2 =	vld [tilespmem:s28+$0xFFFFFFD0]  }
0x54: {  	[tilespmem:s28+$0xFFFFFF80] =	vst v0;
	v0 =	vadd.s32 $0x4000, v3;
	v3 =	vld [tilespmem:s28+$0xFFFFFFE0]  }
0x55: {  	[tilespmem:s28+$0xFFFFFF90] =	vst v0;
	v0 =	vadd.s32 $0x4000, v1;
	v1 =	vld [tilespmem:s28+$0xFFFFFFF0]  }
0x56: {  	[tilespmem:s28+$0xFFFFFFA0] =	vst v0;
	v0 =	vadd.s32 $0x4000, v5;
	v5 =	vld [tilespmem:s28+$0x0]  }
0x57: {  	[tilespmem:s28+$0xFFFFFFB0] =	vst v0;
	v0 =	vadd.s32 $0x4000, v4;
	v4 =	vld [tilespmem:s28+$0x10]  }
0x58: {  	[tilespmem:s28+$0xFFFFFFC0] =	vst v0;
	v0 =	vadd.s32 $0x4000, v2;
	v2 =	vld [tilespmem:s28+$0x20]  }
0x59: {  	[tilespmem:s28+$0xFFFFFFD0] =	vst v0;
	v0 =	vadd.s32 $0x4000, v3;
	v3 =	vld [tilespmem:s28+$0x30]  }
0x5a: {  	[tilespmem:s28+$0xFFFFFFE0] =	vst v0;
	v0 =	vadd.s32 $0x4000, v1;
	v1 =	vld [tilespmem:s28+$0x40]  }
0x5b: {  	[tilespmem:s28+$0xFFFFFFF0] =	vst v0;
	v0 =	vadd.s32 $0x4000, v5;
	v5 =	vld [tilespmem:s28+$0x50]  }
0x5c: {  	[tilespmem:s28+$0x0] =	vst v0;
	v0 =	vadd.s32 $0x4000, v4;
	v4 =	vld [tilespmem:s28+$0x60]  }
0x5d: {  	[tilespmem:s28+$0x10] =	vst v0;
	v0 =	vadd.s32 $0x4000, v2;
	v2 =	vld [tilespmem:s28+$0x70]  }
0x5e: {  	[tilespmem:s28+$0x20] =	vst v0;
	v0 =	vadd.s32 $0x4000, v3;
	v3 =	vld [tilespmem:s28+$0x80]  }
0x5f: {  	[tilespmem:s28+$0x30] =	vst v0;
	v0 =	vadd.s32 $0x4000, v1;
	v6 =	vld [tilespmem:s28+$0x90]  }
0x60: {  	[tilespmem:s28+$0x40] =	vst v0;
	v0 =	vadd.s32 $0x4000, v5;
	v5 =	vld [tilespmem:s28+$0xA0]  }
.Ltmp2:
0x61: {  	[tilespmem:s28+$0x50] =	vst v0;
	v1 =	vadd.s32 $0x4000, v4;
	v0 =	vld [tilespmem:s28+$0xB0];
	(pc) =	sbr.rel @p2 .LBB2_2-.Ltmp2, $4  }
0x62: {  	[tilespmem:s28+$0x60] =	vst v1;
	v2 =	vadd.s32 $0x4000, v2;
	v1 =	vld [tilespmem:s28+$0xC0]  }
0x63: {  	[tilespmem:s28+$0x70] =	vst v2;
	v3 =	vadd.s32 $0x4000, v3;
	v2 =	vld [tilespmem:s28+$0xD0]  }
0x64: {  	[tilespmem:s28+$0x80] =	vst v3;
	v6 =	vadd.s32 $0x4000, v6;
	v3 =	vld [tilespmem:s28+$0xE0]  }
0x65: {  	s28 =	sadd.s32 $0x200, s28;
	v4 =	vld [tilespmem:s25+$0xFFFFFF00];
	[tilespmem:s25+$0x90] =	vst v6;
	v5 =	vadd.s32 $0x4000, v5  }
0x66: {  	[tilespmem:s25+$0xA0] =	vst v5;
	v0 =	vadd.s32 $0x4000, v0  }
0x67: {  	[tilespmem:s25+$0xB0] =	vst v0;
	v0 =	vadd.s32 $0x4000, v1  }
0x68: {  	[tilespmem:s25+$0xC0] =	vst v0;
	v0 =	vadd.s32 $0x4000, v2  }
0x69: {  	[tilespmem:s25+$0xD0] =	vst v0;
	v0 =	vadd.s32 $0x4000, v3  }
0x6a: {  	v1 =	vadd.s32 $0x4000, v4;
	[tilespmem:s25+$0xE0] =	vst v0  }
0x6b: {  	[tilespmem:s25+$0xFFFFFF00] =	vst v1  }
0x6c: {  	[hbm4b:s5+s2] =	stream.linear.scatter [tilespmem:s2], [sflag:$0x3], $0x8000, $0x38;
	[tilespmem:$0x10000] =	vst v63  }
0x6d: {  	_ =	swait.ge [sflag:s20], $0x8000  }
0x6e: {  	[sflag:s20] =	ssyncset.done $0x0  }
0x6f: {  	[sflag:s20] =	ssyncadd.s32 $0xFFFF8000  }
0x70: {  	[tilespmem:s2], [sflag:$0x1] =	stream.linear.gather [hbm4b:s6+s2], $0x8000, $0x38;
	[tilespmem:$0x10000] =	vst v63  }
0x71: {  	_ =	swait.ge [sflag:s21], $0x8000  }
0x72: {  	[sflag:s21] =	ssyncset.done $0x0  }
0x73: {  	s25 =	simm.s32 $0x8100;
	[sflag:s21] =	ssyncadd.s32 $0xFFFF8000  }
0x74: {  	v0 =	vld [tilespmem:s25+$0xFFFFFF10]  }
0x75: {  	v6 =	vld [tilespmem:s25+$0xF0]  }
0x76: {  	v5 =	vld [tilespmem:s25+$0xFFFFFF60]  }
0x77: {  	v1 =	vld [tilespmem:s25+$0xFFFFFF20]  }
0x78: {  	v2 =	vld [tilespmem:s25+$0xFFFFFF30]  }
0x79: {  	v3 =	vld [tilespmem:s25+$0xFFFFFF40];
	v0 =	vadd.s32 $0x4000, v0  }
0x7a: {  	v4 =	vld [tilespmem:s25+$0xFFFFFF50];
	v6 =	vadd.s32 $0x4000, v6;
	[tilespmem:s25+$0xFFFFFF10] =	vst v0  }
0x7b: {  	v5 =	vadd.s32 $0x4000, v5;
	[tilespmem:s25+$0xF0] =	vst v6;
	v6 =	vld [tilespmem:s25+$0x0]  }
0x7c: {  	v0 =	vadd.s32 $0x4000, v1;
	v1 =	vld [tilespmem:s25+$0xFFFFFF70];
	[tilespmem:s25+$0xFFFFFF60] =	vst v5  }
0x7d: {  	v7 =	vld [tilespmem:s25+$0x10];
	[tilespmem:s25+$0xFFFFFF20] =	vst v0;
	v0 =	vadd.s32 $0x4000, v2  }
0x7e: {  	v2 =	vld [tilespmem:s25+$0xFFFFFF80];
	[tilespmem:s25+$0xFFFFFF30] =	vst v0;
	v0 =	vadd.s32 $0x4000, v3  }
0x7f: {  	v8 =	vld [tilespmem:s25+$0x20];
	[tilespmem:s25+$0xFFFFFF40] =	vst v0;
	v0 =	vadd.s32 $0x4000, v4  }
0x80: {  	v3 =	vld [tilespmem:s25+$0xFFFFFF90];
	[tilespmem:s25+$0xFFFFFF50] =	vst v0;
	v5 =	vadd.s32 $0x4000, v6  }
0x81: {  	v9 =	vld [tilespmem:s25+$0x30];
	v1 =	vadd.s32 $0x4000, v1;
	[tilespmem:s25+$0x0] =	vst v5  }
0x82: {  	v4 =	vld [tilespmem:s25+$0xFFFFFFA0];
	[tilespmem:s25+$0xFFFFFF70] =	vst v1;
	v1 =	vadd.s32 $0x4000, v7  }
0x83: {  	v10 =	vld [tilespmem:s25+$0x40];
	v2 =	vadd.s32 $0x4000, v2;
	[tilespmem:s25+$0x10] =	vst v1  }
0x84: {  	v0 =	vld [tilespmem:s25+$0xFFFFFFB0];
	[tilespmem:s25+$0xFFFFFF80] =	vst v2;
	v2 =	vadd.s32 $0x4000, v8  }
0x85: {  	v6 =	vld [tilespmem:s25+$0x50];
	v3 =	vadd.s32 $0x4000, v3;
	[tilespmem:s25+$0x20] =	vst v2  }
0x86: {  	v5 =	vld [tilespmem:s25+$0xFFFFFFC0];
	[tilespmem:s25+$0xFFFFFF90] =	vst v3;
	v3 =	vadd.s32 $0x4000, v9  }
0x87: {  	v7 =	vld [tilespmem:s25+$0x60];
	v4 =	vadd.s32 $0x4000, v4;
	[tilespmem:s25+$0x30] =	vst v3  }
0x88: {  	v63 =	vld [tilespmem:s25+$0x90];
	[tilespmem:s25+$0xFFFFFFA0] =	vst v4;
	v4 =	vadd.s32 $0x4000, v10  }
0x89: {  	v1 =	vld [tilespmem:s25+$0xFFFFFFD0];
	v0 =	vadd.s32 $0x4000, v0;
	[tilespmem:s25+$0x40] =	vst v4  }
0x8a: {  	v61 =	vld [tilespmem:s25+$0x70];
	[tilespmem:s25+$0xFFFFFFB0] =	vst v0;
	v0 =	vadd.s32 $0x4000, v6  }
0x8b: {  	v2 =	vld [tilespmem:s25+$0xFFFFFFE0];
	[tilespmem:s25+$0x50] =	vst v0;
	v0 =	vadd.s32 $0x4000, v5  }
0x8c: {  	v3 =	vld [tilespmem:s25+$0xFFFFFFF0];
	v4 =	vadd.s32 $0x4000, v7;
	[tilespmem:s25+$0xFFFFFFC0] =	vst v0  }
0x8d: {  	v62 =	vld [tilespmem:s25+$0x80];
	v5 =	vadd.s32 $0x4000, v63;
	[tilespmem:s25+$0x60] =	vst v4  }
0x8e: {  	v6 =	vld [tilespmem:s25+$0xA0];
	v1 =	vadd.s32 $0x4000, v1;
	[tilespmem:s25+$0x90] =	vst v5  }
0x8f: {  	v0 =	vld [tilespmem:s25+$0xB0];
	v4 =	vadd.s32 $0x4000, v61;
	[tilespmem:s25+$0xFFFFFFD0] =	vst v1  }
0x90: {  	v1 =	vld [tilespmem:s25+$0xC0];
	[tilespmem:s25+$0x70] =	vst v4;
	v2 =	vadd.s32 $0x4000, v2  }
0x91: {  	[tilespmem:s25+$0xFFFFFFE0] =	vst v2;
	v2 =	vld [tilespmem:s25+$0xD0];
	v3 =	vadd.s32 $0x4000, v3  }
0x92: {  	v4 =	vadd.s32 $0x4000, v62;
	[tilespmem:s25+$0xFFFFFFF0] =	vst v3;
	v3 =	vld [tilespmem:s25+$0xE0]  }
0x93: {  	s26 =	simm.s32 $0x0;
	s28 =	simm.s32 $0x8300;
	[tilespmem:s25+$0x80] =	vst v4;
	v4 =	vld [tilespmem:s25+$0xFFFFFF00];
	v5 =	vadd.s32 $0x4000, v6  }
.LBB2_4:
0x94: {  	v6 =	vld [tilespmem:s28+$0xF0];
	s26 =	sadd.s32 $0x2, s26;
	[tilespmem:s25+$0xA0] =	vst v5;
	v0 =	vadd.s32 $0x4000, v0  }
0x95: {  	v5 =	vld [tilespmem:s28+$0xFFFFFF10];
	p2 =	slt.u32 s26, $0x7E;
	[tilespmem:s25+$0xB0] =	vst v0;
	v0 =	vadd.s32 $0x4000, v1  }
0x96: {  	v1 =	vld [tilespmem:s28+$0xFFFFFF20];
	[tilespmem:s25+$0xC0] =	vst v0;
	v0 =	vadd.s32 $0x4000, v2  }
0x97: {  	v2 =	vld [tilespmem:s28+$0xFFFFFF30];
	[tilespmem:s25+$0xD0] =	vst v0;
	v0 =	vadd.s32 $0x4000, v3  }
0x98: {  	v3 =	vld [tilespmem:s28+$0xFFFFFF40];
	v4 =	vadd.s32 $0x4000, v4;
	[tilespmem:s25+$0xE0] =	vst v0  }
0x99: {  	v0 =	vld [tilespmem:s28+$0xFFFFFF50];
	v6 =	vadd.s32 $0x4000, v6;
	[tilespmem:s25+$0xFFFFFF00] =	vst v4;
	s25 =	smov.u32 s28  }
0x9a: {  	v4 =	vadd.s32 $0x4000, v5;
	v5 =	vld [tilespmem:s28+$0xFFFFFF60];
	[tilespmem:s28+$0xF0] =	vst v6  }
0x9b: {  	[tilespmem:s28+$0xFFFFFF10] =	vst v4;
	v1 =	vadd.s32 $0x4000, v1;
	v4 =	vld [tilespmem:s28+$0xFFFFFF70]  }
0x9c: {  	[tilespmem:s28+$0xFFFFFF20] =	vst v1;
	v1 =	vadd.s32 $0x4000, v2;
	v2 =	vld [tilespmem:s28+$0xFFFFFF80]  }
0x9d: {  	[tilespmem:s28+$0xFFFFFF30] =	vst v1;
	v1 =	vadd.s32 $0x4000, v3;
	v3 =	vld [tilespmem:s28+$0xFFFFFF90]  }
0x9e: {  	[tilespmem:s28+$0xFFFFFF40] =	vst v1;
	v0 =	vadd.s32 $0x4000, v0;
	v1 =	vld [tilespmem:s28+$0xFFFFFFA0]  }
0x9f: {  	[tilespmem:s28+$0xFFFFFF50] =	vst v0;
	v0 =	vadd.s32 $0x4000, v5;
	v5 =	vld [tilespmem:s28+$0xFFFFFFB0]  }
0xa0: {  	[tilespmem:s28+$0xFFFFFF60] =	vst v0;
	v0 =	vadd.s32 $0x4000, v4;
	v4 =	vld [tilespmem:s28+$0xFFFFFFC0]  }
0xa1: {  	[tilespmem:s28+$0xFFFFFF70] =	vst v0;
	v0 =	vadd.s32 $0x4000, v2;
	v2 =	vld [tilespmem:s28+$0xFFFFFFD0]  }
0xa2: {  	[tilespmem:s28+$0xFFFFFF80] =	vst v0;
	v0 =	vadd.s32 $0x4000, v3;
	v3 =	vld [tilespmem:s28+$0xFFFFFFE0]  }
0xa3: {  	[tilespmem:s28+$0xFFFFFF90] =	vst v0;
	v0 =	vadd.s32 $0x4000, v1;
	v1 =	vld [tilespmem:s28+$0xFFFFFFF0]  }
0xa4: {  	[tilespmem:s28+$0xFFFFFFA0] =	vst v0;
	v0 =	vadd.s32 $0x4000, v5;
	v5 =	vld [tilespmem:s28+$0x0]  }
0xa5: {  	[tilespmem:s28+$0xFFFFFFB0] =	vst v0;
	v0 =	vadd.s32 $0x4000, v4;
	v4 =	vld [tilespmem:s28+$0x10]  }
0xa6: {  	[tilespmem:s28+$0xFFFFFFC0] =	vst v0;
	v0 =	vadd.s32 $0x4000, v2;
	v2 =	vld [tilespmem:s28+$0x20]  }
0xa7: {  	[tilespmem:s28+$0xFFFFFFD0] =	vst v0;
	v0 =	vadd.s32 $0x4000, v3;
	v3 =	vld [tilespmem:s28+$0x30]  }
0xa8: {  	[tilespmem:s28+$0xFFFFFFE0] =	vst v0;
	v0 =	vadd.s32 $0x4000, v1;
	v1 =	vld [tilespmem:s28+$0x40]  }
0xa9: {  	[tilespmem:s28+$0xFFFFFFF0] =	vst v0;
	v0 =	vadd.s32 $0x4000, v5;
	v5 =	vld [tilespmem:s28+$0x50]  }
0xaa: {  	[tilespmem:s28+$0x0] =	vst v0;
	v0 =	vadd.s32 $0x4000, v4;
	v4 =	vld [tilespmem:s28+$0x60]  }
0xab: {  	[tilespmem:s28+$0x10] =	vst v0;
	v0 =	vadd.s32 $0x4000, v2;
	v2 =	vld [tilespmem:s28+$0x70]  }
0xac: {  	[tilespmem:s28+$0x20] =	vst v0;
	v0 =	vadd.s32 $0x4000, v3;
	v3 =	vld [tilespmem:s28+$0x80]  }
0xad: {  	[tilespmem:s28+$0x30] =	vst v0;
	v0 =	vadd.s32 $0x4000, v1;
	v6 =	vld [tilespmem:s28+$0x90]  }
0xae: {  	[tilespmem:s28+$0x40] =	vst v0;
	v0 =	vadd.s32 $0x4000, v5;
	v5 =	vld [tilespmem:s28+$0xA0]  }
.Ltmp3:
0xaf: {  	[tilespmem:s28+$0x50] =	vst v0;
	v1 =	vadd.s32 $0x4000, v4;
	v0 =	vld [tilespmem:s28+$0xB0];
	(pc) =	sbr.rel @p2 .LBB2_4-.Ltmp3, $4  }
0xb0: {  	[tilespmem:s28+$0x60] =	vst v1;
	v2 =	vadd.s32 $0x4000, v2;
	v1 =	vld [tilespmem:s28+$0xC0]  }
0xb1: {  	[tilespmem:s28+$0x70] =	vst v2;
	v3 =	vadd.s32 $0x4000, v3;
	v2 =	vld [tilespmem:s28+$0xD0]  }
0xb2: {  	[tilespmem:s28+$0x80] =	vst v3;
	v6 =	vadd.s32 $0x4000, v6;
	v3 =	vld [tilespmem:s28+$0xE0]  }
0xb3: {  	s28 =	sadd.s32 $0x200, s28;
	v4 =	vld [tilespmem:s25+$0xFFFFFF00];
	[tilespmem:s25+$0x90] =	vst v6;
	v5 =	vadd.s32 $0x4000, v5  }
0xb4: {  	[tilespmem:s25+$0xA0] =	vst v5;
	v0 =	vadd.s32 $0x4000, v0  }
0xb5: {  	[tilespmem:s25+$0xB0] =	vst v0;
	v0 =	vadd.s32 $0x4000, v1  }
0xb6: {  	[tilespmem:s25+$0xC0] =	vst v0;
	v0 =	vadd.s32 $0x4000, v2  }
0xb7: {  	[tilespmem:s25+$0xD0] =	vst v0;
	v0 =	vadd.s32 $0x4000, v3  }
0xb8: {  	v1 =	vadd.s32 $0x4000, v4;
	[tilespmem:s25+$0xE0] =	vst v0  }
0xb9: {  	[tilespmem:s25+$0xFFFFFF00] =	vst v1  }
0xba: {  	[hbm4b:s7+s2] =	stream.linear.scatter [tilespmem:s18], [sflag:$0x4], $0x8000, $0x38;
	[tilespmem:$0x10000] =	vst v63  }
0xbb: {  	_ =	swait.ge [sflag:s22], $0x8000  }
0xbc: {  	[sflag:s22] =	ssyncset.done $0x0  }
0xbd: {  	[sflag:s22] =	ssyncadd.s32 $0xFFFF8000  }
0xbe: {  	[tilespmem:s18], [sflag:$0x2] =	stream.linear.gather [hbm4b:s8+s2], $0x8000, $0x38;
	[tilespmem:$0x10000] =	vst v63  }
0xbf: {  	_ =	swait.ge [sflag:s19], $0x8000  }
0xc0: {  	[sflag:s19] =	ssyncset.done $0x0  }
0xc1: {  	s25 =	simm.s32 $0x100;
	[sflag:s19] =	ssyncadd.s32 $0xFFFF8000  }
0xc2: {  	v0 =	vld [tilespmem:s25+$0xFFFFFF10]  }
0xc3: {  	v6 =	vld [tilespmem:s25+$0xF0]  }
0xc4: {  	v5 =	vld [tilespmem:s25+$0xFFFFFF60]  }
0xc5: {  	v1 =	vld [tilespmem:s25+$0xFFFFFF20]  }
0xc6: {  	v2 =	vld [tilespmem:s25+$0xFFFFFF30]  }
0xc7: {  	v3 =	vld [tilespmem:s25+$0xFFFFFF40];
	v0 =	vadd.s32 $0x4000, v0  }
0xc8: {  	v4 =	vld [tilespmem:s25+$0xFFFFFF50];
	v6 =	vadd.s32 $0x4000, v6;
	[tilespmem:s25+$0xFFFFFF10] =	vst v0  }
0xc9: {  	v5 =	vadd.s32 $0x4000, v5;
	[tilespmem:s25+$0xF0] =	vst v6;
	v6 =	vld [tilespmem:s25+$0x0]  }
0xca: {  	v0 =	vadd.s32 $0x4000, v1;
	v1 =	vld [tilespmem:s25+$0xFFFFFF70];
	[tilespmem:s25+$0xFFFFFF60] =	vst v5  }
0xcb: {  	v7 =	vld [tilespmem:s25+$0x10];
	[tilespmem:s25+$0xFFFFFF20] =	vst v0;
	v0 =	vadd.s32 $0x4000, v2  }
0xcc: {  	v2 =	vld [tilespmem:s25+$0xFFFFFF80];
	[tilespmem:s25+$0xFFFFFF30] =	vst v0;
	v0 =	vadd.s32 $0x4000, v3  }
0xcd: {  	v8 =	vld [tilespmem:s25+$0x20];
	[tilespmem:s25+$0xFFFFFF40] =	vst v0;
	v0 =	vadd.s32 $0x4000, v4  }
0xce: {  	v3 =	vld [tilespmem:s25+$0xFFFFFF90];
	[tilespmem:s25+$0xFFFFFF50] =	vst v0;
	v5 =	vadd.s32 $0x4000, v6  }
0xcf: {  	v9 =	vld [tilespmem:s25+$0x30];
	v1 =	vadd.s32 $0x4000, v1;
	[tilespmem:s25+$0x0] =	vst v5  }
0xd0: {  	v4 =	vld [tilespmem:s25+$0xFFFFFFA0];
	[tilespmem:s25+$0xFFFFFF70] =	vst v1;
	v1 =	vadd.s32 $0x4000, v7  }
0xd1: {  	v10 =	vld [tilespmem:s25+$0x40];
	v2 =	vadd.s32 $0x4000, v2;
	[tilespmem:s25+$0x10] =	vst v1  }
0xd2: {  	v0 =	vld [tilespmem:s25+$0xFFFFFFB0];
	[tilespmem:s25+$0xFFFFFF80] =	vst v2;
	v2 =	vadd.s32 $0x4000, v8  }
0xd3: {  	v6 =	vld [tilespmem:s25+$0x50];
	v3 =	vadd.s32 $0x4000, v3;
	[tilespmem:s25+$0x20] =	vst v2  }
0xd4: {  	v5 =	vld [tilespmem:s25+$0xFFFFFFC0];
	[tilespmem:s25+$0xFFFFFF90] =	vst v3;
	v3 =	vadd.s32 $0x4000, v9  }
0xd5: {  	v7 =	vld [tilespmem:s25+$0x60];
	v4 =	vadd.s32 $0x4000, v4;
	[tilespmem:s25+$0x30] =	vst v3  }
0xd6: {  	v63 =	vld [tilespmem:s25+$0x90];
	[tilespmem:s25+$0xFFFFFFA0] =	vst v4;
	v4 =	vadd.s32 $0x4000, v10  }
0xd7: {  	v1 =	vld [tilespmem:s25+$0xFFFFFFD0];
	v0 =	vadd.s32 $0x4000, v0;
	[tilespmem:s25+$0x40] =	vst v4  }
0xd8: {  	v61 =	vld [tilespmem:s25+$0x70];
	[tilespmem:s25+$0xFFFFFFB0] =	vst v0;
	v0 =	vadd.s32 $0x4000, v6  }
0xd9: {  	v2 =	vld [tilespmem:s25+$0xFFFFFFE0];
	[tilespmem:s25+$0x50] =	vst v0;
	v0 =	vadd.s32 $0x4000, v5  }
0xda: {  	v3 =	vld [tilespmem:s25+$0xFFFFFFF0];
	v4 =	vadd.s32 $0x4000, v7;
	[tilespmem:s25+$0xFFFFFFC0] =	vst v0  }
0xdb: {  	v62 =	vld [tilespmem:s25+$0x80];
	v5 =	vadd.s32 $0x4000, v63;
	[tilespmem:s25+$0x60] =	vst v4  }
0xdc: {  	v6 =	vld [tilespmem:s25+$0xA0];
	v1 =	vadd.s32 $0x4000, v1;
	[tilespmem:s25+$0x90] =	vst v5  }
0xdd: {  	v0 =	vld [tilespmem:s25+$0xB0];
	v4 =	vadd.s32 $0x4000, v61;
	[tilespmem:s25+$0xFFFFFFD0] =	vst v1  }
0xde: {  	v1 =	vld [tilespmem:s25+$0xC0];
	[tilespmem:s25+$0x70] =	vst v4;
	v2 =	vadd.s32 $0x4000, v2  }
0xdf: {  	[tilespmem:s25+$0xFFFFFFE0] =	vst v2;
	v2 =	vld [tilespmem:s25+$0xD0];
	v3 =	vadd.s32 $0x4000, v3  }
0xe0: {  	v4 =	vadd.s32 $0x4000, v62;
	[tilespmem:s25+$0xFFFFFFF0] =	vst v3;
	v3 =	vld [tilespmem:s25+$0xE0]  }
0xe1: {  	s26 =	simm.s32 $0x0;
	s28 =	simm.s32 $0x300;
	[tilespmem:s25+$0x80] =	vst v4;
	v4 =	vld [tilespmem:s25+$0xFFFFFF00];
	v5 =	vadd.s32 $0x4000, v6  }
.LBB2_6:
0xe2: {  	v6 =	vld [tilespmem:s28+$0xF0];
	s26 =	sadd.s32 $0x2, s26;
	[tilespmem:s25+$0xA0] =	vst v5;
	v0 =	vadd.s32 $0x4000, v0  }
0xe3: {  	v5 =	vld [tilespmem:s28+$0xFFFFFF10];
	p2 =	slt.u32 s26, $0x7E;
	[tilespmem:s25+$0xB0] =	vst v0;
	v0 =	vadd.s32 $0x4000, v1  }
0xe4: {  	v1 =	vld [tilespmem:s28+$0xFFFFFF20];
	[tilespmem:s25+$0xC0] =	vst v0;
	v0 =	vadd.s32 $0x4000, v2  }
0xe5: {  	v2 =	vld [tilespmem:s28+$0xFFFFFF30];
	[tilespmem:s25+$0xD0] =	vst v0;
	v0 =	vadd.s32 $0x4000, v3  }
0xe6: {  	v3 =	vld [tilespmem:s28+$0xFFFFFF40];
	v4 =	vadd.s32 $0x4000, v4;
	[tilespmem:s25+$0xE0] =	vst v0  }
0xe7: {  	v0 =	vld [tilespmem:s28+$0xFFFFFF50];
	v6 =	vadd.s32 $0x4000, v6;
	[tilespmem:s25+$0xFFFFFF00] =	vst v4;
	s25 =	smov.u32 s28  }
0xe8: {  	v4 =	vadd.s32 $0x4000, v5;
	v5 =	vld [tilespmem:s28+$0xFFFFFF60];
	[tilespmem:s28+$0xF0] =	vst v6  }
0xe9: {  	[tilespmem:s28+$0xFFFFFF10] =	vst v4;
	v1 =	vadd.s32 $0x4000, v1;
	v4 =	vld [tilespmem:s28+$0xFFFFFF70]  }
0xea: {  	[tilespmem:s28+$0xFFFFFF20] =	vst v1;
	v1 =	vadd.s32 $0x4000, v2;
	v2 =	vld [tilespmem:s28+$0xFFFFFF80]  }
0xeb: {  	[tilespmem:s28+$0xFFFFFF30] =	vst v1;
	v1 =	vadd.s32 $0x4000, v3;
	v3 =	vld [tilespmem:s28+$0xFFFFFF90]  }
0xec: {  	[tilespmem:s28+$0xFFFFFF40] =	vst v1;
	v0 =	vadd.s32 $0x4000, v0;
	v1 =	vld [tilespmem:s28+$0xFFFFFFA0]  }
0xed: {  	[tilespmem:s28+$0xFFFFFF50] =	vst v0;
	v0 =	vadd.s32 $0x4000, v5;
	v5 =	vld [tilespmem:s28+$0xFFFFFFB0]  }
0xee: {  	[tilespmem:s28+$0xFFFFFF60] =	vst v0;
	v0 =	vadd.s32 $0x4000, v4;
	v4 =	vld [tilespmem:s28+$0xFFFFFFC0]  }
0xef: {  	[tilespmem:s28+$0xFFFFFF70] =	vst v0;
	v0 =	vadd.s32 $0x4000, v2;
	v2 =	vld [tilespmem:s28+$0xFFFFFFD0]  }
0xf0: {  	[tilespmem:s28+$0xFFFFFF80] =	vst v0;
	v0 =	vadd.s32 $0x4000, v3;
	v3 =	vld [tilespmem:s28+$0xFFFFFFE0]  }
0xf1: {  	[tilespmem:s28+$0xFFFFFF90] =	vst v0;
	v0 =	vadd.s32 $0x4000, v1;
	v1 =	vld [tilespmem:s28+$0xFFFFFFF0]  }
0xf2: {  	[tilespmem:s28+$0xFFFFFFA0] =	vst v0;
	v0 =	vadd.s32 $0x4000, v5;
	v5 =	vld [tilespmem:s28+$0x0]  }
0xf3: {  	[tilespmem:s28+$0xFFFFFFB0] =	vst v0;
	v0 =	vadd.s32 $0x4000, v4;
	v4 =	vld [tilespmem:s28+$0x10]  }
0xf4: {  	[tilespmem:s28+$0xFFFFFFC0] =	vst v0;
	v0 =	vadd.s32 $0x4000, v2;
	v2 =	vld [tilespmem:s28+$0x20]  }
0xf5: {  	[tilespmem:s28+$0xFFFFFFD0] =	vst v0;
	v0 =	vadd.s32 $0x4000, v3;
	v3 =	vld [tilespmem:s28+$0x30]  }
0xf6: {  	[tilespmem:s28+$0xFFFFFFE0] =	vst v0;
	v0 =	vadd.s32 $0x4000, v1;
	v1 =	vld [tilespmem:s28+$0x40]  }
0xf7: {  	[tilespmem:s28+$0xFFFFFFF0] =	vst v0;
	v0 =	vadd.s32 $0x4000, v5;
	v5 =	vld [tilespmem:s28+$0x50]  }
0xf8: {  	[tilespmem:s28+$0x0] =	vst v0;
	v0 =	vadd.s32 $0x4000, v4;
	v4 =	vld [tilespmem:s28+$0x60]  }
0xf9: {  	[tilespmem:s28+$0x10] =	vst v0;
	v0 =	vadd.s32 $0x4000, v2;
	v2 =	vld [tilespmem:s28+$0x70]  }
0xfa: {  	[tilespmem:s28+$0x20] =	vst v0;
	v0 =	vadd.s32 $0x4000, v3;
	v3 =	vld [tilespmem:s28+$0x80]  }
0xfb: {  	[tilespmem:s28+$0x30] =	vst v0;
	v0 =	vadd.s32 $0x4000, v1;
	v6 =	vld [tilespmem:s28+$0x90]  }
0xfc: {  	[tilespmem:s28+$0x40] =	vst v0;
	v0 =	vadd.s32 $0x4000, v5;
	v5 =	vld [tilespmem:s28+$0xA0]  }
.Ltmp4:
0xfd: {  	[tilespmem:s28+$0x50] =	vst v0;
	v1 =	vadd.s32 $0x4000, v4;
	v0 =	vld [tilespmem:s28+$0xB0];
	(pc) =	sbr.rel @p2 .LBB2_6-.Ltmp4, $4  }
0xfe: {  	[tilespmem:s28+$0x60] =	vst v1;
	v2 =	vadd.s32 $0x4000, v2;
	v1 =	vld [tilespmem:s28+$0xC0]  }
0xff: {  	[tilespmem:s28+$0x70] =	vst v2;
	v3 =	vadd.s32 $0x4000, v3;
	v2 =	vld [tilespmem:s28+$0xD0]  }
0x100: {  	[tilespmem:s28+$0x80] =	vst v3;
	v6 =	vadd.s32 $0x4000, v6;
	v3 =	vld [tilespmem:s28+$0xE0]  }
0x101: {  	s28 =	sadd.s32 $0x200, s28;
	v4 =	vld [tilespmem:s25+$0xFFFFFF00];
	[tilespmem:s25+$0x90] =	vst v6;
	v5 =	vadd.s32 $0x4000, v5  }
0x102: {  	[tilespmem:s25+$0xA0] =	vst v5;
	v0 =	vadd.s32 $0x4000, v0  }
0x103: {  	[tilespmem:s25+$0xB0] =	vst v0;
	v0 =	vadd.s32 $0x4000, v1  }
0x104: {  	[tilespmem:s25+$0xC0] =	vst v0;
	v0 =	vadd.s32 $0x4000, v2  }
0x105: {  	[tilespmem:s25+$0xD0] =	vst v0;
	v0 =	vadd.s32 $0x4000, v3  }
0x106: {  	v1 =	vadd.s32 $0x4000, v4;
	[tilespmem:s25+$0xE0] =	vst v0  }
0x107: {  	[tilespmem:s25+$0xFFFFFF00] =	vst v1  }
0x108: {  	[hbm4b:s9+s2] =	stream.linear.scatter [tilespmem:s2], [sflag:$0x3], $0x8000, $0x38;
	[tilespmem:$0x10000] =	vst v63  }
0x109: {  	_ =	swait.ge [sflag:s20], $0x8000  }
0x10a: {  	[sflag:s20] =	ssyncset.done $0x0  }
0x10b: {  	[sflag:s20] =	ssyncadd.s32 $0xFFFF8000  }
0x10c: {  	[tilespmem:s2], [sflag:$0x1] =	stream.linear.gather [hbm4b:s10+s2], $0x8000, $0x38;
	[tilespmem:$0x10000] =	vst v63  }
0x10d: {  	_ =	swait.ge [sflag:s21], $0x8000  }
0x10e: {  	[sflag:s21] =	ssyncset.done $0x0  }
0x10f: {  	s25 =	simm.s32 $0x8100;
	[sflag:s21] =	ssyncadd.s32 $0xFFFF8000  }
0x110: {  	v0 =	vld [tilespmem:s25+$0xFFFFFF10]  }
0x111: {  	v6 =	vld [tilespmem:s25+$0xF0]  }
0x112: {  	v5 =	vld [tilespmem:s25+$0xFFFFFF60]  }
0x113: {  	v1 =	vld [tilespmem:s25+$0xFFFFFF20]  }
0x114: {  	v2 =	vld [tilespmem:s25+$0xFFFFFF30]  }
0x115: {  	v3 =	vld [tilespmem:s25+$0xFFFFFF40];
	v0 =	vadd.s32 $0x4000, v0  }
0x116: {  	v4 =	vld [tilespmem:s25+$0xFFFFFF50];
	v6 =	vadd.s32 $0x4000, v6;
	[tilespmem:s25+$0xFFFFFF10] =	vst v0  }
0x117: {  	v5 =	vadd.s32 $0x4000, v5;
	[tilespmem:s25+$0xF0] =	vst v6;
	v6 =	vld [tilespmem:s25+$0x0]  }
0x118: {  	v0 =	vadd.s32 $0x4000, v1;
	v1 =	vld [tilespmem:s25+$0xFFFFFF70];
	[tilespmem:s25+$0xFFFFFF60] =	vst v5  }
0x119: {  	v7 =	vld [tilespmem:s25+$0x10];
	[tilespmem:s25+$0xFFFFFF20] =	vst v0;
	v0 =	vadd.s32 $0x4000, v2  }
0x11a: {  	v2 =	vld [tilespmem:s25+$0xFFFFFF80];
	[tilespmem:s25+$0xFFFFFF30] =	vst v0;
	v0 =	vadd.s32 $0x4000, v3  }
0x11b: {  	v8 =	vld [tilespmem:s25+$0x20];
	[tilespmem:s25+$0xFFFFFF40] =	vst v0;
	v0 =	vadd.s32 $0x4000, v4  }
0x11c: {  	v3 =	vld [tilespmem:s25+$0xFFFFFF90];
	[tilespmem:s25+$0xFFFFFF50] =	vst v0;
	v5 =	vadd.s32 $0x4000, v6  }
0x11d: {  	v9 =	vld [tilespmem:s25+$0x30];
	v1 =	vadd.s32 $0x4000, v1;
	[tilespmem:s25+$0x0] =	vst v5  }
0x11e: {  	v4 =	vld [tilespmem:s25+$0xFFFFFFA0];
	[tilespmem:s25+$0xFFFFFF70] =	vst v1;
	v1 =	vadd.s32 $0x4000, v7  }
0x11f: {  	v10 =	vld [tilespmem:s25+$0x40];
	v2 =	vadd.s32 $0x4000, v2;
	[tilespmem:s25+$0x10] =	vst v1  }
0x120: {  	v0 =	vld [tilespmem:s25+$0xFFFFFFB0];
	[tilespmem:s25+$0xFFFFFF80] =	vst v2;
	v2 =	vadd.s32 $0x4000, v8  }
0x121: {  	v6 =	vld [tilespmem:s25+$0x50];
	v3 =	vadd.s32 $0x4000, v3;
	[tilespmem:s25+$0x20] =	vst v2  }
0x122: {  	v5 =	vld [tilespmem:s25+$0xFFFFFFC0];
	[tilespmem:s25+$0xFFFFFF90] =	vst v3;
	v3 =	vadd.s32 $0x4000, v9  }
0x123: {  	v7 =	vld [tilespmem:s25+$0x60];
	v4 =	vadd.s32 $0x4000, v4;
	[tilespmem:s25+$0x30] =	vst v3  }
0x124: {  	v63 =	vld [tilespmem:s25+$0x90];
	[tilespmem:s25+$0xFFFFFFA0] =	vst v4;
	v4 =	vadd.s32 $0x4000, v10  }
0x125: {  	v1 =	vld [tilespmem:s25+$0xFFFFFFD0];
	v0 =	vadd.s32 $0x4000, v0;
	[tilespmem:s25+$0x40] =	vst v4  }
0x126: {  	v61 =	vld [tilespmem:s25+$0x70];
	[tilespmem:s25+$0xFFFFFFB0] =	vst v0;
	v0 =	vadd.s32 $0x4000, v6  }
0x127: {  	v2 =	vld [tilespmem:s25+$0xFFFFFFE0];
	[tilespmem:s25+$0x50] =	vst v0;
	v0 =	vadd.s32 $0x4000, v5  }
0x128: {  	v3 =	vld [tilespmem:s25+$0xFFFFFFF0];
	v4 =	vadd.s32 $0x4000, v7;
	[tilespmem:s25+$0xFFFFFFC0] =	vst v0  }
0x129: {  	v62 =	vld [tilespmem:s25+$0x80];
	v5 =	vadd.s32 $0x4000, v63;
	[tilespmem:s25+$0x60] =	vst v4  }
0x12a: {  	v6 =	vld [tilespmem:s25+$0xA0];
	v1 =	vadd.s32 $0x4000, v1;
	[tilespmem:s25+$0x90] =	vst v5  }
0x12b: {  	v0 =	vld [tilespmem:s25+$0xB0];
	v4 =	vadd.s32 $0x4000, v61;
	[tilespmem:s25+$0xFFFFFFD0] =	vst v1  }
0x12c: {  	v1 =	vld [tilespmem:s25+$0xC0];
	[tilespmem:s25+$0x70] =	vst v4;
	v2 =	vadd.s32 $0x4000, v2  }
0x12d: {  	[tilespmem:s25+$0xFFFFFFE0] =	vst v2;
	v2 =	vld [tilespmem:s25+$0xD0];
	v3 =	vadd.s32 $0x4000, v3  }
0x12e: {  	v4 =	vadd.s32 $0x4000, v62;
	[tilespmem:s25+$0xFFFFFFF0] =	vst v3;
	v3 =	vld [tilespmem:s25+$0xE0]  }
0x12f: {  	s26 =	simm.s32 $0x0;
	s28 =	simm.s32 $0x8300;
	[tilespmem:s25+$0x80] =	vst v4;
	v4 =	vld [tilespmem:s25+$0xFFFFFF00];
	v5 =	vadd.s32 $0x4000, v6  }
.LBB2_8:
0x130: {  	v6 =	vld [tilespmem:s28+$0xF0];
	s26 =	sadd.s32 $0x2, s26;
	[tilespmem:s25+$0xA0] =	vst v5;
	v0 =	vadd.s32 $0x4000, v0  }
0x131: {  	v5 =	vld [tilespmem:s28+$0xFFFFFF10];
	p2 =	slt.u32 s26, $0x7E;
	[tilespmem:s25+$0xB0] =	vst v0;
	v0 =	vadd.s32 $0x4000, v1  }
0x132: {  	v1 =	vld [tilespmem:s28+$0xFFFFFF20];
	[tilespmem:s25+$0xC0] =	vst v0;
	v0 =	vadd.s32 $0x4000, v2  }
0x133: {  	v2 =	vld [tilespmem:s28+$0xFFFFFF30];
	[tilespmem:s25+$0xD0] =	vst v0;
	v0 =	vadd.s32 $0x4000, v3  }
0x134: {  	v3 =	vld [tilespmem:s28+$0xFFFFFF40];
	v4 =	vadd.s32 $0x4000, v4;
	[tilespmem:s25+$0xE0] =	vst v0  }
0x135: {  	v0 =	vld [tilespmem:s28+$0xFFFFFF50];
	v6 =	vadd.s32 $0x4000, v6;
	[tilespmem:s25+$0xFFFFFF00] =	vst v4;
	s25 =	smov.u32 s28  }
0x136: {  	v4 =	vadd.s32 $0x4000, v5;
	v5 =	vld [tilespmem:s28+$0xFFFFFF60];
	[tilespmem:s28+$0xF0] =	vst v6  }
0x137: {  	[tilespmem:s28+$0xFFFFFF10] =	vst v4;
	v1 =	vadd.s32 $0x4000, v1;
	v4 =	vld [tilespmem:s28+$0xFFFFFF70]  }
0x138: {  	[tilespmem:s28+$0xFFFFFF20] =	vst v1;
	v1 =	vadd.s32 $0x4000, v2;
	v2 =	vld [tilespmem:s28+$0xFFFFFF80]  }
0x139: {  	[tilespmem:s28+$0xFFFFFF30] =	vst v1;
	v1 =	vadd.s32 $0x4000, v3;
	v3 =	vld [tilespmem:s28+$0xFFFFFF90]  }
0x13a: {  	[tilespmem:s28+$0xFFFFFF40] =	vst v1;
	v0 =	vadd.s32 $0x4000, v0;
	v1 =	vld [tilespmem:s28+$0xFFFFFFA0]  }
0x13b: {  	[tilespmem:s28+$0xFFFFFF50] =	vst v0;
	v0 =	vadd.s32 $0x4000, v5;
	v5 =	vld [tilespmem:s28+$0xFFFFFFB0]  }
0x13c: {  	[tilespmem:s28+$0xFFFFFF60] =	vst v0;
	v0 =	vadd.s32 $0x4000, v4;
	v4 =	vld [tilespmem:s28+$0xFFFFFFC0]  }
0x13d: {  	[tilespmem:s28+$0xFFFFFF70] =	vst v0;
	v0 =	vadd.s32 $0x4000, v2;
	v2 =	vld [tilespmem:s28+$0xFFFFFFD0]  }
0x13e: {  	[tilespmem:s28+$0xFFFFFF80] =	vst v0;
	v0 =	vadd.s32 $0x4000, v3;
	v3 =	vld [tilespmem:s28+$0xFFFFFFE0]  }
0x13f: {  	[tilespmem:s28+$0xFFFFFF90] =	vst v0;
	v0 =	vadd.s32 $0x4000, v1;
	v1 =	vld [tilespmem:s28+$0xFFFFFFF0]  }
0x140: {  	[tilespmem:s28+$0xFFFFFFA0] =	vst v0;
	v0 =	vadd.s32 $0x4000, v5;
	v5 =	vld [tilespmem:s28+$0x0]  }
0x141: {  	[tilespmem:s28+$0xFFFFFFB0] =	vst v0;
	v0 =	vadd.s32 $0x4000, v4;
	v4 =	vld [tilespmem:s28+$0x10]  }
0x142: {  	[tilespmem:s28+$0xFFFFFFC0] =	vst v0;
	v0 =	vadd.s32 $0x4000, v2;
	v2 =	vld [tilespmem:s28+$0x20]  }
0x143: {  	[tilespmem:s28+$0xFFFFFFD0] =	vst v0;
	v0 =	vadd.s32 $0x4000, v3;
	v3 =	vld [tilespmem:s28+$0x30]  }
0x144: {  	[tilespmem:s28+$0xFFFFFFE0] =	vst v0;
	v0 =	vadd.s32 $0x4000, v1;
	v1 =	vld [tilespmem:s28+$0x40]  }
0x145: {  	[tilespmem:s28+$0xFFFFFFF0] =	vst v0;
	v0 =	vadd.s32 $0x4000, v5;
	v5 =	vld [tilespmem:s28+$0x50]  }
0x146: {  	[tilespmem:s28+$0x0] =	vst v0;
	v0 =	vadd.s32 $0x4000, v4;
	v4 =	vld [tilespmem:s28+$0x60]  }
0x147: {  	[tilespmem:s28+$0x10] =	vst v0;
	v0 =	vadd.s32 $0x4000, v2;
	v2 =	vld [tilespmem:s28+$0x70]  }
0x148: {  	[tilespmem:s28+$0x20] =	vst v0;
	v0 =	vadd.s32 $0x4000, v3;
	v3 =	vld [tilespmem:s28+$0x80]  }
0x149: {  	[tilespmem:s28+$0x30] =	vst v0;
	v0 =	vadd.s32 $0x4000, v1;
	v6 =	vld [tilespmem:s28+$0x90]  }
0x14a: {  	[tilespmem:s28+$0x40] =	vst v0;
	v0 =	vadd.s32 $0x4000, v5;
	v5 =	vld [tilespmem:s28+$0xA0]  }
.Ltmp5:
0x14b: {  	[tilespmem:s28+$0x50] =	vst v0;
	v1 =	vadd.s32 $0x4000, v4;
	v0 =	vld [tilespmem:s28+$0xB0];
	(pc) =	sbr.rel @p2 .LBB2_8-.Ltmp5, $4  }
0x14c: {  	[tilespmem:s28+$0x60] =	vst v1;
	v2 =	vadd.s32 $0x4000, v2;
	v1 =	vld [tilespmem:s28+$0xC0]  }
0x14d: {  	[tilespmem:s28+$0x70] =	vst v2;
	v3 =	vadd.s32 $0x4000, v3;
	v2 =	vld [tilespmem:s28+$0xD0]  }
0x14e: {  	[tilespmem:s28+$0x80] =	vst v3;
	v6 =	vadd.s32 $0x4000, v6;
	v3 =	vld [tilespmem:s28+$0xE0]  }
0x14f: {  	s28 =	sadd.s32 $0x200, s28;
	v4 =	vld [tilespmem:s25+$0xFFFFFF00];
	[tilespmem:s25+$0x90] =	vst v6;
	v5 =	vadd.s32 $0x4000, v5  }
0x150: {  	[tilespmem:s25+$0xA0] =	vst v5;
	v0 =	vadd.s32 $0x4000, v0  }
0x151: {  	[tilespmem:s25+$0xB0] =	vst v0;
	v0 =	vadd.s32 $0x4000, v1  }
0x152: {  	[tilespmem:s25+$0xC0] =	vst v0;
	v0 =	vadd.s32 $0x4000, v2  }
0x153: {  	[tilespmem:s25+$0xD0] =	vst v0;
	v0 =	vadd.s32 $0x4000, v3  }
0x154: {  	v1 =	vadd.s32 $0x4000, v4;
	[tilespmem:s25+$0xE0] =	vst v0  }
0x155: {  	[tilespmem:s25+$0xFFFFFF00] =	vst v1;
	s25 =	simm.s32 @!p0 $0x4  }
0x156: {  	[hbm4b:s11+s2] =	stream.linear.scatter [tilespmem:s18], [sflag:$0x4], $0x8000, $0x38;
	[tilespmem:$0x10000] =	vst v63  }
0x157: {  	_ =	swait.ge @!p0 [sflag:s25], $0x8000  }
0x158: {  	[sflag:s25] =	ssyncset.done @!p0 $0x0  }
0x159: {  	s26 =	simm.s32 @!p0 $0x8000;
	[sflag:s25] =	ssyncadd.s32 @!p0 $0xFFFF8000;
	s25 =	simm.s32 @!p0 $0x0  }
0x15a: {  	[tilespmem:s26], [sflag:$0x2] =	stream.linear.gather @!p0 [hbm4b:s12+s25], $0x8000, $0x38;
	[tilespmem:$0x10000] =	vst v63  }
0x15b: {  	_ =	swait.ge [sflag:s19], $0x8000  }
0x15c: {  	[sflag:s19] =	ssyncset.done $0x0  }
0x15d: {  	s25 =	simm.s32 $0x100;
	[sflag:s19] =	ssyncadd.s32 $0xFFFF8000  }
0x15e: {  	v0 =	vld [tilespmem:s25+$0xFFFFFF10]  }
0x15f: {  	v6 =	vld [tilespmem:s25+$0xF0]  }
0x160: {  	v5 =	vld [tilespmem:s25+$0xFFFFFF60]  }
0x161: {  	v1 =	vld [tilespmem:s25+$0xFFFFFF20]  }
0x162: {  	v2 =	vld [tilespmem:s25+$0xFFFFFF30]  }
0x163: {  	v3 =	vld [tilespmem:s25+$0xFFFFFF40];
	v0 =	vadd.s32 $0x4000, v0  }
0x164: {  	v4 =	vld [tilespmem:s25+$0xFFFFFF50];
	v6 =	vadd.s32 $0x4000, v6;
	[tilespmem:s25+$0xFFFFFF10] =	vst v0  }
0x165: {  	v5 =	vadd.s32 $0x4000, v5;
	[tilespmem:s25+$0xF0] =	vst v6;
	v6 =	vld [tilespmem:s25+$0x0]  }
0x166: {  	v0 =	vadd.s32 $0x4000, v1;
	v1 =	vld [tilespmem:s25+$0xFFFFFF70];
	[tilespmem:s25+$0xFFFFFF60] =	vst v5  }
0x167: {  	v7 =	vld [tilespmem:s25+$0x10];
	[tilespmem:s25+$0xFFFFFF20] =	vst v0;
	v0 =	vadd.s32 $0x4000, v2  }
0x168: {  	v2 =	vld [tilespmem:s25+$0xFFFFFF80];
	[tilespmem:s25+$0xFFFFFF30] =	vst v0;
	v0 =	vadd.s32 $0x4000, v3  }
0x169: {  	v8 =	vld [tilespmem:s25+$0x20];
	[tilespmem:s25+$0xFFFFFF40] =	vst v0;
	v0 =	vadd.s32 $0x4000, v4  }
0x16a: {  	v3 =	vld [tilespmem:s25+$0xFFFFFF90];
	[tilespmem:s25+$0xFFFFFF50] =	vst v0;
	v5 =	vadd.s32 $0x4000, v6  }
0x16b: {  	v9 =	vld [tilespmem:s25+$0x30];
	v1 =	vadd.s32 $0x4000, v1;
	[tilespmem:s25+$0x0] =	vst v5  }
0x16c: {  	v4 =	vld [tilespmem:s25+$0xFFFFFFA0];
	[tilespmem:s25+$0xFFFFFF70] =	vst v1;
	v1 =	vadd.s32 $0x4000, v7  }
0x16d: {  	v10 =	vld [tilespmem:s25+$0x40];
	v2 =	vadd.s32 $0x4000, v2;
	[tilespmem:s25+$0x10] =	vst v1  }
0x16e: {  	v0 =	vld [tilespmem:s25+$0xFFFFFFB0];
	[tilespmem:s25+$0xFFFFFF80] =	vst v2;
	v2 =	vadd.s32 $0x4000, v8  }
0x16f: {  	v6 =	vld [tilespmem:s25+$0x50];
	v3 =	vadd.s32 $0x4000, v3;
	[tilespmem:s25+$0x20] =	vst v2  }
0x170: {  	v5 =	vld [tilespmem:s25+$0xFFFFFFC0];
	[tilespmem:s25+$0xFFFFFF90] =	vst v3;
	v3 =	vadd.s32 $0x4000, v9  }
0x171: {  	v7 =	vld [tilespmem:s25+$0x60];
	v4 =	vadd.s32 $0x4000, v4;
	[tilespmem:s25+$0x30] =	vst v3  }
0x172: {  	v63 =	vld [tilespmem:s25+$0x90];
	[tilespmem:s25+$0xFFFFFFA0] =	vst v4;
	v4 =	vadd.s32 $0x4000, v10  }
0x173: {  	v1 =	vld [tilespmem:s25+$0xFFFFFFD0];
	v0 =	vadd.s32 $0x4000, v0;
	[tilespmem:s25+$0x40] =	vst v4  }
0x174: {  	v61 =	vld [tilespmem:s25+$0x70];
	[tilespmem:s25+$0xFFFFFFB0] =	vst v0;
	v0 =	vadd.s32 $0x4000, v6  }
0x175: {  	v2 =	vld [tilespmem:s25+$0xFFFFFFE0];
	[tilespmem:s25+$0x50] =	vst v0;
	v0 =	vadd.s32 $0x4000, v5  }
0x176: {  	v3 =	vld [tilespmem:s25+$0xFFFFFFF0];
	v4 =	vadd.s32 $0x4000, v7;
	[tilespmem:s25+$0xFFFFFFC0] =	vst v0  }
0x177: {  	v62 =	vld [tilespmem:s25+$0x80];
	v5 =	vadd.s32 $0x4000, v63;
	[tilespmem:s25+$0x60] =	vst v4  }
0x178: {  	v6 =	vld [tilespmem:s25+$0xA0];
	v1 =	vadd.s32 $0x4000, v1;
	[tilespmem:s25+$0x90] =	vst v5  }
0x179: {  	v0 =	vld [tilespmem:s25+$0xB0];
	v4 =	vadd.s32 $0x4000, v61;
	[tilespmem:s25+$0xFFFFFFD0] =	vst v1  }
0x17a: {  	v1 =	vld [tilespmem:s25+$0xC0];
	[tilespmem:s25+$0x70] =	vst v4;
	v2 =	vadd.s32 $0x4000, v2  }
0x17b: {  	[tilespmem:s25+$0xFFFFFFE0] =	vst v2;
	v2 =	vld [tilespmem:s25+$0xD0];
	v3 =	vadd.s32 $0x4000, v3  }
0x17c: {  	v4 =	vadd.s32 $0x4000, v62;
	[tilespmem:s25+$0xFFFFFFF0] =	vst v3;
	v3 =	vld [tilespmem:s25+$0xE0]  }
0x17d: {  	s28 =	simm.s32 $0x300;
	s26 =	simm.s32 $0x0;
	[tilespmem:s25+$0x80] =	vst v4;
	v4 =	vld [tilespmem:s25+$0xFFFFFF00];
	v5 =	vadd.s32 $0x4000, v6  }
.LBB2_10:
0x17e: {  	v6 =	vld [tilespmem:s28+$0xF0];
	s26 =	sadd.s32 $0x2, s26;
	[tilespmem:s25+$0xA0] =	vst v5;
	v0 =	vadd.s32 $0x4000, v0  }
0x17f: {  	v5 =	vld [tilespmem:s28+$0xFFFFFF10];
	p2 =	slt.u32 s26, $0x7E;
	[tilespmem:s25+$0xB0] =	vst v0;
	v0 =	vadd.s32 $0x4000, v1  }
0x180: {  	v1 =	vld [tilespmem:s28+$0xFFFFFF20];
	[tilespmem:s25+$0xC0] =	vst v0;
	v0 =	vadd.s32 $0x4000, v2  }
0x181: {  	v2 =	vld [tilespmem:s28+$0xFFFFFF30];
	[tilespmem:s25+$0xD0] =	vst v0;
	v0 =	vadd.s32 $0x4000, v3  }
0x182: {  	v3 =	vld [tilespmem:s28+$0xFFFFFF40];
	v4 =	vadd.s32 $0x4000, v4;
	[tilespmem:s25+$0xE0] =	vst v0  }
0x183: {  	v0 =	vld [tilespmem:s28+$0xFFFFFF50];
	v6 =	vadd.s32 $0x4000, v6;
	[tilespmem:s25+$0xFFFFFF00] =	vst v4;
	s25 =	smov.u32 s28  }
0x184: {  	v4 =	vadd.s32 $0x4000, v5;
	v5 =	vld [tilespmem:s28+$0xFFFFFF60];
	[tilespmem:s28+$0xF0] =	vst v6  }
0x185: {  	[tilespmem:s28+$0xFFFFFF10] =	vst v4;
	v1 =	vadd.s32 $0x4000, v1;
	v4 =	vld [tilespmem:s28+$0xFFFFFF70]  }
0x186: {  	[tilespmem:s28+$0xFFFFFF20] =	vst v1;
	v1 =	vadd.s32 $0x4000, v2;
	v2 =	vld [tilespmem:s28+$0xFFFFFF80]  }
0x187: {  	[tilespmem:s28+$0xFFFFFF30] =	vst v1;
	v1 =	vadd.s32 $0x4000, v3;
	v3 =	vld [tilespmem:s28+$0xFFFFFF90]  }
0x188: {  	[tilespmem:s28+$0xFFFFFF40] =	vst v1;
	v0 =	vadd.s32 $0x4000, v0;
	v1 =	vld [tilespmem:s28+$0xFFFFFFA0]  }
0x189: {  	[tilespmem:s28+$0xFFFFFF50] =	vst v0;
	v0 =	vadd.s32 $0x4000, v5;
	v5 =	vld [tilespmem:s28+$0xFFFFFFB0]  }
0x18a: {  	[tilespmem:s28+$0xFFFFFF60] =	vst v0;
	v0 =	vadd.s32 $0x4000, v4;
	v4 =	vld [tilespmem:s28+$0xFFFFFFC0]  }
0x18b: {  	[tilespmem:s28+$0xFFFFFF70] =	vst v0;
	v0 =	vadd.s32 $0x4000, v2;
	v2 =	vld [tilespmem:s28+$0xFFFFFFD0]  }
0x18c: {  	[tilespmem:s28+$0xFFFFFF80] =	vst v0;
	v0 =	vadd.s32 $0x4000, v3;
	v3 =	vld [tilespmem:s28+$0xFFFFFFE0]  }
0x18d: {  	[tilespmem:s28+$0xFFFFFF90] =	vst v0;
	v0 =	vadd.s32 $0x4000, v1;
	v1 =	vld [tilespmem:s28+$0xFFFFFFF0]  }
0x18e: {  	[tilespmem:s28+$0xFFFFFFA0] =	vst v0;
	v0 =	vadd.s32 $0x4000, v5;
	v5 =	vld [tilespmem:s28+$0x0]  }
0x18f: {  	[tilespmem:s28+$0xFFFFFFB0] =	vst v0;
	v0 =	vadd.s32 $0x4000, v4;
	v4 =	vld [tilespmem:s28+$0x10]  }
0x190: {  	[tilespmem:s28+$0xFFFFFFC0] =	vst v0;
	v0 =	vadd.s32 $0x4000, v2;
	v2 =	vld [tilespmem:s28+$0x20]  }
0x191: {  	[tilespmem:s28+$0xFFFFFFD0] =	vst v0;
	v0 =	vadd.s32 $0x4000, v3;
	v3 =	vld [tilespmem:s28+$0x30]  }
0x192: {  	[tilespmem:s28+$0xFFFFFFE0] =	vst v0;
	v0 =	vadd.s32 $0x4000, v1;
	v1 =	vld [tilespmem:s28+$0x40]  }
0x193: {  	[tilespmem:s28+$0xFFFFFFF0] =	vst v0;
	v0 =	vadd.s32 $0x4000, v5;
	v5 =	vld [tilespmem:s28+$0x50]  }
0x194: {  	[tilespmem:s28+$0x0] =	vst v0;
	v0 =	vadd.s32 $0x4000, v4;
	v4 =	vld [tilespmem:s28+$0x60]  }
0x195: {  	[tilespmem:s28+$0x10] =	vst v0;
	v0 =	vadd.s32 $0x4000, v2;
	v2 =	vld [tilespmem:s28+$0x70]  }
0x196: {  	[tilespmem:s28+$0x20] =	vst v0;
	v0 =	vadd.s32 $0x4000, v3;
	v3 =	vld [tilespmem:s28+$0x80]  }
0x197: {  	[tilespmem:s28+$0x30] =	vst v0;
	v0 =	vadd.s32 $0x4000, v1;
	v6 =	vld [tilespmem:s28+$0x90]  }
0x198: {  	[tilespmem:s28+$0x40] =	vst v0;
	v0 =	vadd.s32 $0x4000, v5;
	v5 =	vld [tilespmem:s28+$0xA0]  }
.Ltmp6:
0x199: {  	[tilespmem:s28+$0x50] =	vst v0;
	v1 =	vadd.s32 $0x4000, v4;
	v0 =	vld [tilespmem:s28+$0xB0];
	(pc) =	sbr.rel @p2 .LBB2_10-.Ltmp6, $4  }
0x19a: {  	[tilespmem:s28+$0x60] =	vst v1;
	v2 =	vadd.s32 $0x4000, v2;
	v1 =	vld [tilespmem:s28+$0xC0]  }
0x19b: {  	[tilespmem:s28+$0x70] =	vst v2;
	v3 =	vadd.s32 $0x4000, v3;
	v2 =	vld [tilespmem:s28+$0xD0]  }
0x19c: {  	[tilespmem:s28+$0x80] =	vst v3;
	v6 =	vadd.s32 $0x4000, v6;
	v3 =	vld [tilespmem:s28+$0xE0]  }
0x19d: {  	s28 =	sadd.s32 $0x200, s28;
	v4 =	vld [tilespmem:s25+$0xFFFFFF00];
	[tilespmem:s25+$0x90] =	vst v6;
	v5 =	vadd.s32 $0x4000, v5  }
0x19e: {  	[tilespmem:s25+$0xA0] =	vst v5;
	v0 =	vadd.s32 $0x4000, v0  }
0x19f: {  	[tilespmem:s25+$0xB0] =	vst v0;
	v60 =	vadd.s32 $0x4000, v1  }
.Ltmp7:
0x1a0: {  	[tilespmem:s25+$0xC0] =	vst v60;
	v61 =	vadd.s32 $0x4000, v2;
	(pc) =	sbr.rel @p0 .LBB2_15-.Ltmp7, $4  }
0x1a1: {  	[tilespmem:s25+$0xD0] =	vst v61;
	v62 =	vadd.s32 $0x4000, v3  }
0x1a2: {  	v63 =	vadd.s32 $0x4000, v4;
	[tilespmem:s25+$0xE0] =	vst v62  }
0x1a3: {  	[tilespmem:s25+$0xFFFFFF00] =	vst v63  }
0x1a4: {  	[hbm4b:s13+s2] =	stream.linear.scatter [tilespmem:s2], [sflag:$0x3], $0x8000, $0x38;
	[tilespmem:$0x10000] =	vst v63  }
0x1a5: {  	_ =	swait.ge [sflag:s21], $0x8000  }
0x1a6: {  	[sflag:s21] =	ssyncset.done $0x0  }
0x1a7: {  	s25 =	simm.s32 $0x8100;
	[sflag:s21] =	ssyncadd.s32 $0xFFFF8000  }
0x1a8: {  	v0 =	vld [tilespmem:s25+$0xFFFFFF10]  }
0x1a9: {  	v6 =	vld [tilespmem:s25+$0xF0]  }
0x1aa: {  	v5 =	vld [tilespmem:s25+$0xFFFFFF60]  }
0x1ab: {  	v1 =	vld [tilespmem:s25+$0xFFFFFF20]  }
0x1ac: {  	v2 =	vld [tilespmem:s25+$0xFFFFFF30]  }
0x1ad: {  	v3 =	vld [tilespmem:s25+$0xFFFFFF40];
	v0 =	vadd.s32 $0x4000, v0  }
0x1ae: {  	v4 =	vld [tilespmem:s25+$0xFFFFFF50];
	v6 =	vadd.s32 $0x4000, v6;
	[tilespmem:s25+$0xFFFFFF10] =	vst v0  }
0x1af: {  	v5 =	vadd.s32 $0x4000, v5;
	[tilespmem:s25+$0xF0] =	vst v6;
	v6 =	vld [tilespmem:s25+$0x0]  }
0x1b0: {  	v0 =	vadd.s32 $0x4000, v1;
	v1 =	vld [tilespmem:s25+$0xFFFFFF70];
	[tilespmem:s25+$0xFFFFFF60] =	vst v5  }
0x1b1: {  	v7 =	vld [tilespmem:s25+$0x10];
	[tilespmem:s25+$0xFFFFFF20] =	vst v0;
	v0 =	vadd.s32 $0x4000, v2  }
0x1b2: {  	v2 =	vld [tilespmem:s25+$0xFFFFFF80];
	[tilespmem:s25+$0xFFFFFF30] =	vst v0;
	v0 =	vadd.s32 $0x4000, v3  }
0x1b3: {  	v8 =	vld [tilespmem:s25+$0x20];
	[tilespmem:s25+$0xFFFFFF40] =	vst v0;
	v0 =	vadd.s32 $0x4000, v4  }
0x1b4: {  	v3 =	vld [tilespmem:s25+$0xFFFFFF90];
	[tilespmem:s25+$0xFFFFFF50] =	vst v0;
	v5 =	vadd.s32 $0x4000, v6  }
0x1b5: {  	v9 =	vld [tilespmem:s25+$0x30];
	v1 =	vadd.s32 $0x4000, v1;
	[tilespmem:s25+$0x0] =	vst v5  }
0x1b6: {  	v4 =	vld [tilespmem:s25+$0xFFFFFFA0];
	[tilespmem:s25+$0xFFFFFF70] =	vst v1;
	v1 =	vadd.s32 $0x4000, v7  }
0x1b7: {  	v10 =	vld [tilespmem:s25+$0x40];
	v2 =	vadd.s32 $0x4000, v2;
	[tilespmem:s25+$0x10] =	vst v1  }
0x1b8: {  	v0 =	vld [tilespmem:s25+$0xFFFFFFB0];
	[tilespmem:s25+$0xFFFFFF80] =	vst v2;
	v2 =	vadd.s32 $0x4000, v8  }
0x1b9: {  	v6 =	vld [tilespmem:s25+$0x50];
	v3 =	vadd.s32 $0x4000, v3;
	[tilespmem:s25+$0x20] =	vst v2  }
0x1ba: {  	v5 =	vld [tilespmem:s25+$0xFFFFFFC0];
	[tilespmem:s25+$0xFFFFFF90] =	vst v3;
	v3 =	vadd.s32 $0x4000, v9  }
0x1bb: {  	v7 =	vld [tilespmem:s25+$0x60];
	v4 =	vadd.s32 $0x4000, v4;
	[tilespmem:s25+$0x30] =	vst v3  }
0x1bc: {  	v63 =	vld [tilespmem:s25+$0x90];
	[tilespmem:s25+$0xFFFFFFA0] =	vst v4;
	v4 =	vadd.s32 $0x4000, v10  }
0x1bd: {  	v1 =	vld [tilespmem:s25+$0xFFFFFFD0];
	v0 =	vadd.s32 $0x4000, v0;
	[tilespmem:s25+$0x40] =	vst v4  }
0x1be: {  	v61 =	vld [tilespmem:s25+$0x70];
	[tilespmem:s25+$0xFFFFFFB0] =	vst v0;
	v0 =	vadd.s32 $0x4000, v6  }
0x1bf: {  	v2 =	vld [tilespmem:s25+$0xFFFFFFE0];
	[tilespmem:s25+$0x50] =	vst v0;
	v0 =	vadd.s32 $0x4000, v5  }
0x1c0: {  	v3 =	vld [tilespmem:s25+$0xFFFFFFF0];
	v4 =	vadd.s32 $0x4000, v7;
	[tilespmem:s25+$0xFFFFFFC0] =	vst v0  }
0x1c1: {  	v62 =	vld [tilespmem:s25+$0x80];
	v5 =	vadd.s32 $0x4000, v63;
	[tilespmem:s25+$0x60] =	vst v4  }
0x1c2: {  	v6 =	vld [tilespmem:s25+$0xA0];
	v1 =	vadd.s32 $0x4000, v1;
	[tilespmem:s25+$0x90] =	vst v5  }
0x1c3: {  	v0 =	vld [tilespmem:s25+$0xB0];
	v4 =	vadd.s32 $0x4000, v61;
	[tilespmem:s25+$0xFFFFFFD0] =	vst v1  }
0x1c4: {  	v1 =	vld [tilespmem:s25+$0xC0];
	[tilespmem:s25+$0x70] =	vst v4;
	v2 =	vadd.s32 $0x4000, v2  }
0x1c5: {  	[tilespmem:s25+$0xFFFFFFE0] =	vst v2;
	v2 =	vld [tilespmem:s25+$0xD0];
	v3 =	vadd.s32 $0x4000, v3  }
0x1c6: {  	v4 =	vadd.s32 $0x4000, v62;
	[tilespmem:s25+$0xFFFFFFF0] =	vst v3;
	v3 =	vld [tilespmem:s25+$0xE0]  }
0x1c7: {  	s26 =	simm.s32 $0x0;
	s28 =	simm.s32 $0x8300;
	[tilespmem:s25+$0x80] =	vst v4;
	v4 =	vld [tilespmem:s25+$0xFFFFFF00];
	v5 =	vadd.s32 $0x4000, v6  }
.LBB2_13:
0x1c8: {  	v6 =	vld [tilespmem:s28+$0xF0];
	s26 =	sadd.s32 $0x2, s26;
	[tilespmem:s25+$0xA0] =	vst v5;
	v0 =	vadd.s32 $0x4000, v0  }
0x1c9: {  	v5 =	vld [tilespmem:s28+$0xFFFFFF10];
	p2 =	slt.u32 s26, $0x7E;
	[tilespmem:s25+$0xB0] =	vst v0;
	v0 =	vadd.s32 $0x4000, v1  }
0x1ca: {  	v1 =	vld [tilespmem:s28+$0xFFFFFF20];
	[tilespmem:s25+$0xC0] =	vst v0;
	v0 =	vadd.s32 $0x4000, v2  }
0x1cb: {  	v2 =	vld [tilespmem:s28+$0xFFFFFF30];
	[tilespmem:s25+$0xD0] =	vst v0;
	v0 =	vadd.s32 $0x4000, v3  }
0x1cc: {  	v3 =	vld [tilespmem:s28+$0xFFFFFF40];
	v4 =	vadd.s32 $0x4000, v4;
	[tilespmem:s25+$0xE0] =	vst v0  }
0x1cd: {  	v0 =	vld [tilespmem:s28+$0xFFFFFF50];
	v6 =	vadd.s32 $0x4000, v6;
	[tilespmem:s25+$0xFFFFFF00] =	vst v4;
	s25 =	smov.u32 s28  }
0x1ce: {  	v4 =	vadd.s32 $0x4000, v5;
	v5 =	vld [tilespmem:s28+$0xFFFFFF60];
	[tilespmem:s28+$0xF0] =	vst v6  }
0x1cf: {  	[tilespmem:s28+$0xFFFFFF10] =	vst v4;
	v1 =	vadd.s32 $0x4000, v1;
	v4 =	vld [tilespmem:s28+$0xFFFFFF70]  }
0x1d0: {  	[tilespmem:s28+$0xFFFFFF20] =	vst v1;
	v1 =	vadd.s32 $0x4000, v2;
	v2 =	vld [tilespmem:s28+$0xFFFFFF80]  }
0x1d1: {  	[tilespmem:s28+$0xFFFFFF30] =	vst v1;
	v1 =	vadd.s32 $0x4000, v3;
	v3 =	vld [tilespmem:s28+$0xFFFFFF90]  }
0x1d2: {  	[tilespmem:s28+$0xFFFFFF40] =	vst v1;
	v0 =	vadd.s32 $0x4000, v0;
	v1 =	vld [tilespmem:s28+$0xFFFFFFA0]  }
0x1d3: {  	[tilespmem:s28+$0xFFFFFF50] =	vst v0;
	v0 =	vadd.s32 $0x4000, v5;
	v5 =	vld [tilespmem:s28+$0xFFFFFFB0]  }
0x1d4: {  	[tilespmem:s28+$0xFFFFFF60] =	vst v0;
	v0 =	vadd.s32 $0x4000, v4;
	v4 =	vld [tilespmem:s28+$0xFFFFFFC0]  }
0x1d5: {  	[tilespmem:s28+$0xFFFFFF70] =	vst v0;
	v0 =	vadd.s32 $0x4000, v2;
	v2 =	vld [tilespmem:s28+$0xFFFFFFD0]  }
0x1d6: {  	[tilespmem:s28+$0xFFFFFF80] =	vst v0;
	v0 =	vadd.s32 $0x4000, v3;
	v3 =	vld [tilespmem:s28+$0xFFFFFFE0]  }
0x1d7: {  	[tilespmem:s28+$0xFFFFFF90] =	vst v0;
	v0 =	vadd.s32 $0x4000, v1;
	v1 =	vld [tilespmem:s28+$0xFFFFFFF0]  }
0x1d8: {  	[tilespmem:s28+$0xFFFFFFA0] =	vst v0;
	v0 =	vadd.s32 $0x4000, v5;
	v5 =	vld [tilespmem:s28+$0x0]  }
0x1d9: {  	[tilespmem:s28+$0xFFFFFFB0] =	vst v0;
	v0 =	vadd.s32 $0x4000, v4;
	v4 =	vld [tilespmem:s28+$0x10]  }
0x1da: {  	[tilespmem:s28+$0xFFFFFFC0] =	vst v0;
	v0 =	vadd.s32 $0x4000, v2;
	v2 =	vld [tilespmem:s28+$0x20]  }
0x1db: {  	[tilespmem:s28+$0xFFFFFFD0] =	vst v0;
	v0 =	vadd.s32 $0x4000, v3;
	v3 =	vld [tilespmem:s28+$0x30]  }
0x1dc: {  	[tilespmem:s28+$0xFFFFFFE0] =	vst v0;
	v0 =	vadd.s32 $0x4000, v1;
	v1 =	vld [tilespmem:s28+$0x40]  }
0x1dd: {  	[tilespmem:s28+$0xFFFFFFF0] =	vst v0;
	v0 =	vadd.s32 $0x4000, v5;
	v5 =	vld [tilespmem:s28+$0x50]  }
0x1de: {  	[tilespmem:s28+$0x0] =	vst v0;
	v0 =	vadd.s32 $0x4000, v4;
	v4 =	vld [tilespmem:s28+$0x60]  }
0x1df: {  	[tilespmem:s28+$0x10] =	vst v0;
	v0 =	vadd.s32 $0x4000, v2;
	v2 =	vld [tilespmem:s28+$0x70]  }
0x1e0: {  	[tilespmem:s28+$0x20] =	vst v0;
	v0 =	vadd.s32 $0x4000, v3;
	v3 =	vld [tilespmem:s28+$0x80]  }
0x1e1: {  	[tilespmem:s28+$0x30] =	vst v0;
	v0 =	vadd.s32 $0x4000, v1;
	v6 =	vld [tilespmem:s28+$0x90]  }
0x1e2: {  	[tilespmem:s28+$0x40] =	vst v0;
	v0 =	vadd.s32 $0x4000, v5;
	v5 =	vld [tilespmem:s28+$0xA0]  }
.Ltmp8:
0x1e3: {  	[tilespmem:s28+$0x50] =	vst v0;
	v1 =	vadd.s32 $0x4000, v4;
	v0 =	vld [tilespmem:s28+$0xB0];
	(pc) =	sbr.rel @p2 .LBB2_13-.Ltmp8, $4  }
0x1e4: {  	[tilespmem:s28+$0x60] =	vst v1;
	v2 =	vadd.s32 $0x4000, v2;
	v1 =	vld [tilespmem:s28+$0xC0]  }
0x1e5: {  	[tilespmem:s28+$0x70] =	vst v2;
	v3 =	vadd.s32 $0x4000, v3;
	v2 =	vld [tilespmem:s28+$0xD0]  }
0x1e6: {  	[tilespmem:s28+$0x80] =	vst v3;
	v6 =	vadd.s32 $0x4000, v6;
	v3 =	vld [tilespmem:s28+$0xE0]  }
0x1e7: {  	s28 =	sadd.s32 $0x200, s28;
	v4 =	vld [tilespmem:s25+$0xFFFFFF00];
	[tilespmem:s25+$0x90] =	vst v6;
	v5 =	vadd.s32 $0x4000, v5  }
0x1e8: {  	[tilespmem:s25+$0xA0] =	vst v5;
	v0 =	vadd.s32 $0x4000, v0  }
0x1e9: {  	[tilespmem:s25+$0xB0] =	vst v0;
	v60 =	vadd.s32 $0x4000, v1  }
0x1ea: {  	[tilespmem:s25+$0xC0] =	vst v60;
	v61 =	vadd.s32 $0x4000, v2  }
0x1eb: {  	[tilespmem:s25+$0xD0] =	vst v61;
	v62 =	vadd.s32 $0x4000, v3  }
0x1ec: {  	v63 =	vadd.s32 $0x4000, v4;
	[tilespmem:s25+$0xE0] =	vst v62  }
0x1ed: {  	[tilespmem:s25+$0xFFFFFF00] =	vst v63  }
0x1ee: {  	[hbm4b:s14+s2] =	stream.linear.scatter [tilespmem:s18], [sflag:$0x4], $0x8000, $0x38;
	[tilespmem:$0x10000] =	vst v63  }
0x1ef: {  	_ =	swait.ge [sflag:s20], $0x8000  }
.Ltmp9:
0x1f0: {  	[sflag:s20] =	ssyncset.done $0x0;
	(pc) =	sbr.rel .LBB2_19-.Ltmp9, $4  }
0x1f1: {  	[sflag:s20] =	ssyncadd.s32 $0xFFFF8000  }
0x1f2: {  	_ =	swait.ge [sflag:s22], $0x8000  }
0x1f3: {  	[sflag:s22] =	ssyncset.done $0x0  }
0x1f4: {  	[sflag:s22] =	ssyncadd.s32 $0xFFFF8000  }
.LBB2_15:
.Ltmp10:
0x1f5: {  	(pc) =	sbr.rel @p1 .LBB2_19-.Ltmp10, $4  }
0x1f6: {  	_ = 	snop  }
0x1f7: {  	_ =	swait.ge [sflag:s20], $0x8000  }
0x1f8: {  	[sflag:s20] =	ssyncset.done $0x0  }
0x1f9: {  	[sflag:s20] =	ssyncadd.s32 $0xFFFF8000  }
0x1fa: {  	[tilespmem:s2], [sflag:$0x5] =	stream.linear.gather [hbm4b:s15+s2], $0x6C00, $0x38;
	[tilespmem:$0x10000] =	vst v63  }
0x1fb: {  	_ =	swait.ge [sflag:s23], $0x6C00  }
0x1fc: {  	[sflag:s23] =	ssyncset.done $0x0  }
0x1fd: {  	s25 =	simm.s32 $0x100;
	[sflag:s23] =	ssyncadd.s32 $0xFFFF9400  }
0x1fe: {  	v0 =	vld [tilespmem:s25+$0xFFFFFF10]  }
0x1ff: {  	v6 =	vld [tilespmem:s25+$0xF0]  }
0x200: {  	v5 =	vld [tilespmem:s25+$0xFFFFFF60]  }
0x201: {  	v1 =	vld [tilespmem:s25+$0xFFFFFF20]  }
0x202: {  	v2 =	vld [tilespmem:s25+$0xFFFFFF30]  }
0x203: {  	v3 =	vld [tilespmem:s25+$0xFFFFFF40];
	v0 =	vadd.s32 $0x4000, v0  }
0x204: {  	v4 =	vld [tilespmem:s25+$0xFFFFFF50];
	v6 =	vadd.s32 $0x4000, v6;
	[tilespmem:s25+$0xFFFFFF10] =	vst v0  }
0x205: {  	v5 =	vadd.s32 $0x4000, v5;
	[tilespmem:s25+$0xF0] =	vst v6;
	v6 =	vld [tilespmem:s25+$0x0]  }
0x206: {  	v0 =	vadd.s32 $0x4000, v1;
	v1 =	vld [tilespmem:s25+$0xFFFFFF70];
	[tilespmem:s25+$0xFFFFFF60] =	vst v5  }
0x207: {  	v7 =	vld [tilespmem:s25+$0x10];
	[tilespmem:s25+$0xFFFFFF20] =	vst v0;
	v0 =	vadd.s32 $0x4000, v2  }
0x208: {  	v2 =	vld [tilespmem:s25+$0xFFFFFF80];
	[tilespmem:s25+$0xFFFFFF30] =	vst v0;
	v0 =	vadd.s32 $0x4000, v3  }
0x209: {  	v8 =	vld [tilespmem:s25+$0x20];
	[tilespmem:s25+$0xFFFFFF40] =	vst v0;
	v0 =	vadd.s32 $0x4000, v4  }
0x20a: {  	v3 =	vld [tilespmem:s25+$0xFFFFFF90];
	[tilespmem:s25+$0xFFFFFF50] =	vst v0;
	v5 =	vadd.s32 $0x4000, v6  }
0x20b: {  	v9 =	vld [tilespmem:s25+$0x30];
	v1 =	vadd.s32 $0x4000, v1;
	[tilespmem:s25+$0x0] =	vst v5  }
0x20c: {  	v4 =	vld [tilespmem:s25+$0xFFFFFFA0];
	[tilespmem:s25+$0xFFFFFF70] =	vst v1;
	v1 =	vadd.s32 $0x4000, v7  }
0x20d: {  	v10 =	vld [tilespmem:s25+$0x40];
	v2 =	vadd.s32 $0x4000, v2;
	[tilespmem:s25+$0x10] =	vst v1  }
0x20e: {  	v0 =	vld [tilespmem:s25+$0xFFFFFFB0];
	[tilespmem:s25+$0xFFFFFF80] =	vst v2;
	v2 =	vadd.s32 $0x4000, v8  }
0x20f: {  	v6 =	vld [tilespmem:s25+$0x50];
	v3 =	vadd.s32 $0x4000, v3;
	[tilespmem:s25+$0x20] =	vst v2  }
0x210: {  	v5 =	vld [tilespmem:s25+$0xFFFFFFC0];
	[tilespmem:s25+$0xFFFFFF90] =	vst v3;
	v3 =	vadd.s32 $0x4000, v9  }
0x211: {  	v7 =	vld [tilespmem:s25+$0x60];
	v4 =	vadd.s32 $0x4000, v4;
	[tilespmem:s25+$0x30] =	vst v3  }
0x212: {  	v63 =	vld [tilespmem:s25+$0x90];
	[tilespmem:s25+$0xFFFFFFA0] =	vst v4;
	v4 =	vadd.s32 $0x4000, v10  }
0x213: {  	v1 =	vld [tilespmem:s25+$0xFFFFFFD0];
	v0 =	vadd.s32 $0x4000, v0;
	[tilespmem:s25+$0x40] =	vst v4  }
0x214: {  	v61 =	vld [tilespmem:s25+$0x70];
	[tilespmem:s25+$0xFFFFFFB0] =	vst v0;
	v0 =	vadd.s32 $0x4000, v6  }
0x215: {  	v2 =	vld [tilespmem:s25+$0xFFFFFFE0];
	[tilespmem:s25+$0x50] =	vst v0;
	v0 =	vadd.s32 $0x4000, v5  }
0x216: {  	v3 =	vld [tilespmem:s25+$0xFFFFFFF0];
	v4 =	vadd.s32 $0x4000, v7;
	[tilespmem:s25+$0xFFFFFFC0] =	vst v0  }
0x217: {  	v62 =	vld [tilespmem:s25+$0x80];
	v5 =	vadd.s32 $0x4000, v63;
	[tilespmem:s25+$0x60] =	vst v4  }
0x218: {  	v6 =	vld [tilespmem:s25+$0xA0];
	v1 =	vadd.s32 $0x4000, v1;
	[tilespmem:s25+$0x90] =	vst v5  }
0x219: {  	v0 =	vld [tilespmem:s25+$0xB0];
	v4 =	vadd.s32 $0x4000, v61;
	[tilespmem:s25+$0xFFFFFFD0] =	vst v1  }
0x21a: {  	v1 =	vld [tilespmem:s25+$0xC0];
	[tilespmem:s25+$0x70] =	vst v4;
	v2 =	vadd.s32 $0x4000, v2  }
0x21b: {  	[tilespmem:s25+$0xFFFFFFE0] =	vst v2;
	v2 =	vld [tilespmem:s25+$0xD0];
	v3 =	vadd.s32 $0x4000, v3  }
0x21c: {  	v4 =	vadd.s32 $0x4000, v62;
	[tilespmem:s25+$0xFFFFFFF0] =	vst v3;
	v3 =	vld [tilespmem:s25+$0xE0]  }
0x21d: {  	s26 =	simm.s32 $0x0;
	s28 =	simm.s32 $0x300;
	[tilespmem:s25+$0x80] =	vst v4;
	v4 =	vld [tilespmem:s25+$0xFFFFFF00];
	v5 =	vadd.s32 $0x4000, v6  }
.LBB2_17:
0x21e: {  	v6 =	vld [tilespmem:s28+$0xF0];
	s26 =	sadd.s32 $0x2, s26;
	[tilespmem:s25+$0xA0] =	vst v5;
	v0 =	vadd.s32 $0x4000, v0  }
0x21f: {  	v5 =	vld [tilespmem:s28+$0xFFFFFF10];
	p2 =	slt.u32 s26, $0x6A;
	[tilespmem:s25+$0xB0] =	vst v0;
	v0 =	vadd.s32 $0x4000, v1  }
0x220: {  	v1 =	vld [tilespmem:s28+$0xFFFFFF20];
	[tilespmem:s25+$0xC0] =	vst v0;
	v0 =	vadd.s32 $0x4000, v2  }
0x221: {  	v2 =	vld [tilespmem:s28+$0xFFFFFF30];
	[tilespmem:s25+$0xD0] =	vst v0;
	v0 =	vadd.s32 $0x4000, v3  }
0x222: {  	v4 =	vadd.s32 $0x4000, v4;
	v3 =	vld [tilespmem:s28+$0xFFFFFF40];
	[tilespmem:s25+$0xE0] =	vst v0  }
0x223: {  	v0 =	vld [tilespmem:s28+$0xFFFFFF50];
	v6 =	vadd.s32 $0x4000, v6;
	[tilespmem:s25+$0xFFFFFF00] =	vst v4;
	s25 =	smov.u32 s28  }
0x224: {  	v4 =	vadd.s32 $0x4000, v5;
	v5 =	vld [tilespmem:s28+$0xFFFFFF60];
	[tilespmem:s28+$0xF0] =	vst v6  }
0x225: {  	[tilespmem:s28+$0xFFFFFF10] =	vst v4;
	v1 =	vadd.s32 $0x4000, v1;
	v4 =	vld [tilespmem:s28+$0xFFFFFF70]  }
0x226: {  	[tilespmem:s28+$0xFFFFFF20] =	vst v1;
	v1 =	vadd.s32 $0x4000, v2;
	v2 =	vld [tilespmem:s28+$0xFFFFFF80]  }
0x227: {  	[tilespmem:s28+$0xFFFFFF30] =	vst v1;
	v1 =	vadd.s32 $0x4000, v3;
	v3 =	vld [tilespmem:s28+$0xFFFFFF90]  }
0x228: {  	[tilespmem:s28+$0xFFFFFF40] =	vst v1;
	v0 =	vadd.s32 $0x4000, v0;
	v1 =	vld [tilespmem:s28+$0xFFFFFFA0]  }
0x229: {  	[tilespmem:s28+$0xFFFFFF50] =	vst v0;
	v0 =	vadd.s32 $0x4000, v5;
	v5 =	vld [tilespmem:s28+$0xFFFFFFB0]  }
0x22a: {  	[tilespmem:s28+$0xFFFFFF60] =	vst v0;
	v0 =	vadd.s32 $0x4000, v4;
	v4 =	vld [tilespmem:s28+$0xFFFFFFC0]  }
0x22b: {  	[tilespmem:s28+$0xFFFFFF70] =	vst v0;
	v0 =	vadd.s32 $0x4000, v2;
	v2 =	vld [tilespmem:s28+$0xFFFFFFD0]  }
0x22c: {  	[tilespmem:s28+$0xFFFFFF80] =	vst v0;
	v0 =	vadd.s32 $0x4000, v3;
	v3 =	vld [tilespmem:s28+$0xFFFFFFE0]  }
0x22d: {  	[tilespmem:s28+$0xFFFFFF90] =	vst v0;
	v0 =	vadd.s32 $0x4000, v1;
	v1 =	vld [tilespmem:s28+$0xFFFFFFF0]  }
0x22e: {  	[tilespmem:s28+$0xFFFFFFA0] =	vst v0;
	v0 =	vadd.s32 $0x4000, v5;
	v5 =	vld [tilespmem:s28+$0x0]  }
0x22f: {  	[tilespmem:s28+$0xFFFFFFB0] =	vst v0;
	v0 =	vadd.s32 $0x4000, v4;
	v4 =	vld [tilespmem:s28+$0x10]  }
0x230: {  	[tilespmem:s28+$0xFFFFFFC0] =	vst v0;
	v0 =	vadd.s32 $0x4000, v2;
	v2 =	vld [tilespmem:s28+$0x20]  }
0x231: {  	[tilespmem:s28+$0xFFFFFFD0] =	vst v0;
	v0 =	vadd.s32 $0x4000, v3;
	v3 =	vld [tilespmem:s28+$0x30]  }
0x232: {  	[tilespmem:s28+$0xFFFFFFE0] =	vst v0;
	v0 =	vadd.s32 $0x4000, v1;
	v1 =	vld [tilespmem:s28+$0x40]  }
0x233: {  	[tilespmem:s28+$0xFFFFFFF0] =	vst v0;
	v0 =	vadd.s32 $0x4000, v5;
	v5 =	vld [tilespmem:s28+$0x50]  }
0x234: {  	[tilespmem:s28+$0x0] =	vst v0;
	v0 =	vadd.s32 $0x4000, v4;
	v4 =	vld [tilespmem:s28+$0x60]  }
0x235: {  	[tilespmem:s28+$0x10] =	vst v0;
	v0 =	vadd.s32 $0x4000, v2;
	v2 =	vld [tilespmem:s28+$0x70]  }
0x236: {  	[tilespmem:s28+$0x20] =	vst v0;
	v0 =	vadd.s32 $0x4000, v3;
	v3 =	vld [tilespmem:s28+$0x80]  }
0x237: {  	[tilespmem:s28+$0x30] =	vst v0;
	v0 =	vadd.s32 $0x4000, v1;
	v6 =	vld [tilespmem:s28+$0x90]  }
0x238: {  	[tilespmem:s28+$0x40] =	vst v0;
	v0 =	vadd.s32 $0x4000, v5;
	v5 =	vld [tilespmem:s28+$0xA0]  }
.Ltmp11:
0x239: {  	[tilespmem:s28+$0x50] =	vst v0;
	v1 =	vadd.s32 $0x4000, v4;
	v0 =	vld [tilespmem:s28+$0xB0];
	(pc) =	sbr.rel @p2 .LBB2_17-.Ltmp11, $4  }
0x23a: {  	[tilespmem:s28+$0x60] =	vst v1;
	v2 =	vadd.s32 $0x4000, v2;
	v1 =	vld [tilespmem:s28+$0xC0]  }
0x23b: {  	[tilespmem:s28+$0x70] =	vst v2;
	v3 =	vadd.s32 $0x4000, v3;
	v2 =	vld [tilespmem:s28+$0xD0]  }
0x23c: {  	[tilespmem:s28+$0x80] =	vst v3;
	v6 =	vadd.s32 $0x4000, v6;
	v3 =	vld [tilespmem:s28+$0xE0]  }
0x23d: {  	s28 =	sadd.s32 $0x200, s28;
	v4 =	vld [tilespmem:s25+$0xFFFFFF00];
	[tilespmem:s25+$0x90] =	vst v6;
	v5 =	vadd.s32 $0x4000, v5  }
.Ltmp12:
0x23e: {  	_ = 	snop;
	(pc) =	sbr.rel .LBB2_18-.Ltmp12, $1  }
0x23f: {  	_ =	sdelay $0x3  }
.LBB2_20:
0x240: {  	_ =	sfence.sel $0x180000  }
0x241: {  	[bflag:$0x0] =	sbarrier.arrive $0xFFFF  }
0x242: {  	p0 =	sne.s32 s1, $0x0;
	_ =	strace $0x90000047  }
0x243: {  	s0 =	sadd.s32 @!p0 $0x100000, s0;
	[bflag:$0x2] =	sbarrier.arrive $0xFFFF  }
0x244: {  	[sflag:s0] =	ssyncadd.tile.s32 @!p0 $0x1;
	_ =	shalt  }
.Lfunc_end2:
_tile_overlayer_lowered:
.L_overlay_start_2:
0x245: {  	(tag) =	ssettag $0x2  }
0x246: {  	s0 =	rddreg [dreg:$0x0];
	s2 =	stileid.u32  }
0x247: {  	s1 =	rddreg [dreg:$0x1];
	p0 =	sne.s32 s2, $0x0  }
0x248: {  	s3 =	rddreg [dreg:$0x2];
	[bflag:$0x3] =	sbarrier.arrive $0xFFFF;
	s2 =	simm.s32 @!p0 $0x1C05  }
0x249: {  	[timem:s3], [sflag:s2] =	dma.local @!p0 [hbm:s0], s1  }
0x24a: {  	s0 =	simm.s32 @!p0 $0x5  }
0x24b: {  	_ =	swait.ge @!p0 [sflag:s0], s1  }
0x24c: {  	s1 =	ssub.s32 @!p0 $0x0, s1;
	[sflag:s0] =	ssyncset.done @!p0 $0x0  }
0x24d: {  	[sflag:s0] =	ssyncadd.s32 @!p0 s1  }
0x24e: {  	[bflag:$0x3] =	sbarrier.arrive $0xFFFF  }
0x24f: {  	_ =	shalt  }

</sc_bundles>
